<compile_context>
chip_gen: v7x
topology: tpu7x:2x2x1
jax: 0.10.2.dev20260603
libtpu: 0.0.44.dev20260713+nightly
codegen_flags: <defaults>
</compile_context>

<pallas_src>
import functools

import jax
import jax.numpy as jnp
from jax import lax
from jax.experimental import pallas as pl
from jax.experimental.pallas import tpu as pltpu
from jax.experimental.pallas import tpu_sc as plsc

N_NODES = 4096
N_EDGES = 262144
M_CELLS = N_NODES * N_NODES
NW = 32
CPW = M_CELLS // NW
CHUNK = 65536
NCH = CPW // CHUNK
CAP = 16384
SENTINEL = 0x7FFFFFFF


def _mlp_body(ea_ref, r0_ref, r1_ref, w1_ref, b1_ref, w2_ref, b2_ref,
              dist_ref, lin_ref):
    ea = ea_ref[...]
    z = jax.lax.dot_general(
        w1_ref[...], ea, (((1,), (1,)), ((), ())),
        preferred_element_type=jnp.float32)
    z = z + b1_ref[...][:, None]
    h = 0.5 * z * (1.0 + jax.lax.erf(z * 0.7071067811865476))
    d = jnp.sum(h * w2_ref[...][0][:, None], axis=0) + b2_ref[...][0]
    dist_ref[...] = d[None, None, :]
    lin_ref[...] = r0_ref[...] * N_NODES + r1_ref[...]


def _mlp_pallas(edge_attr, r0, r1, w1_w, w1_b, w2_w, w2_b):
    E, K = edge_attr.shape
    BE = 8192
    nb = E // BE
    dist, lin = pl.pallas_call(
        _mlp_body,
        grid=(nb,),
        in_specs=[
            pl.BlockSpec((BE, K), lambda i: (i, 0)),
            pl.BlockSpec((1, 1, BE), lambda i: (i, 0, 0)),
            pl.BlockSpec((1, 1, BE), lambda i: (i, 0, 0)),
            pl.BlockSpec((K, K), lambda i: (0, 0)),
            pl.BlockSpec((K,), lambda i: (0,)),
            pl.BlockSpec((1, K), lambda i: (0, 0)),
            pl.BlockSpec((1,), lambda i: (0,)),
        ],
        out_specs=[
            pl.BlockSpec((1, 1, BE), lambda i: (i, 0, 0)),
            pl.BlockSpec((1, 1, BE), lambda i: (i, 0, 0)),
        ],
        out_shape=[
            jax.ShapeDtypeStruct((nb, 1, BE), jnp.float32),
            jax.ShapeDtypeStruct((nb, 1, BE), jnp.int32),
        ],
    )(edge_attr, r0, r1, w1_w, w1_b, w2_w, w2_b)
    return dist.reshape(E), lin.reshape(E)


def _sc_body(ukeys, svals, bnds, out, kbuf, vbuf, cellbuf, bnd_v):
    wid = lax.axis_index("s") * 2 + lax.axis_index("c")
    pltpu.sync_copy(bnds.at[pl.ds(wid * 8, 16)], bnd_v)
    bv = bnd_v[...]
    s_w = bv[0]
    start = jnp.minimum((s_w // 8) * 8, N_EDGES - CAP)
    pltpu.sync_copy(ukeys.at[pl.ds(start, CAP)], kbuf)
    pltpu.sync_copy(svals.at[pl.ds(start, CAP)], vbuf)
    zeros16 = jnp.zeros((16,), jnp.float32)

    def zero_body(i, carry):
        b0 = i * 16
        for u in range(16):
            cellbuf[u, pl.ds(b0, 16)] = zeros16
        return carry

    lax.fori_loop(0, N_NODES // 16, zero_body, 0)

    rows_per_chunk = CHUNK // N_NODES
    for c in range(NCH):
        base = wid * CPW + c * CHUNK
        row0 = (wid * NCH + c) * rows_per_chunk
        g0 = jnp.maximum((bv[c] - start) // 16, 0)
        g1 = jnp.minimum((bv[c + 1] - start + 15) // 16, CAP // 16)

        def apply_body(j, carry):
            off = j * 16
            k = kbuf[pl.ds(off, 16)]
            v = vbuf[pl.ds(off, 16)]
            m = (k >= base) & (k < base + CHUNK)
            local = jnp.clip(k - base, 0, CHUNK - 1)
            plsc.store_scatter(
                cellbuf, [local >> 12, local & (N_NODES - 1)], v, mask=m)
            return carry

        lax.fori_loop(g0, g1, apply_body, 0)
        pltpu.sync_copy(cellbuf, out.at[pl.ds(row0, rows_per_chunk), :])

        def unscatter_body(j, carry):
            off = j * 16
            k = kbuf[pl.ds(off, 16)]
            m = (k >= base) & (k < base + CHUNK)
            local = jnp.clip(k - base, 0, CHUNK - 1)
            plsc.store_scatter(
                cellbuf, [local >> 12, local & (N_NODES - 1)], zeros16,
                mask=m)
            return carry

        lax.fori_loop(g0, g1, unscatter_body, 0)


def _sc_apply(ukeys, svals, bnds):
    mesh = plsc.VectorSubcoreMesh(core_axis_name="c", subcore_axis_name="s")
    f = functools.partial(
        pl.kernel,
        out_type=jax.ShapeDtypeStruct((N_NODES, N_NODES), jnp.float32),
        mesh=mesh,
        compiler_params=pltpu.CompilerParams(needs_layout_passes=False),
        scratch_types=[
            pltpu.VMEM((CAP,), jnp.int32),
            pltpu.VMEM((CAP,), jnp.float32),
            pltpu.VMEM((CHUNK // N_NODES, N_NODES), jnp.float32),
            pltpu.VMEM((16,), jnp.int32),
        ],
    )(_sc_body)
    return f(ukeys, svals, bnds)


def kernel(x, edge_idx, edge_attr, w1_w, w1_b, w2_w, w2_b):
    N = x.shape[0]
    E = edge_attr.shape[0]
    nb = E // 8192
    r0 = edge_idx[0].astype(jnp.int32).reshape(nb, 1, 8192)
    r1 = edge_idx[1].astype(jnp.int32).reshape(nb, 1, 8192)
    dist, lin = _mlp_pallas(edge_attr, r0, r1, w1_w, w1_b, w2_w, w2_b)
    skeys, svals = jax.lax.sort((lin, dist), num_keys=1, is_stable=False)
    skeys, svals = jax.lax.optimization_barrier((skeys, svals))
    nxt = jnp.concatenate([skeys[1:], jnp.full((1,), -1, jnp.int32)])
    ukeys = jnp.where(skeys != nxt, skeys, SENTINEL)
    edges = jnp.arange(0, M_CELLS + 1, CHUNK, dtype=jnp.int32)
    bounds = jnp.searchsorted(skeys, edges).astype(jnp.int32)
    bnds = jnp.concatenate([bounds, jnp.full((7,), E, jnp.int32)])
    return _sc_apply(ukeys, svals, bnds)

# --- scband reference (transcript-rebuilt; emitter-appended) ---
"""Pipeline reference for scband-three-dim-distance-encoding-38517266710633 (READ-ONLY COPY).

The authoritative reference and input builder live on the scoring server;
editing this copy changes nothing except your own understanding.
"""

import jax, jax.numpy as jnp
import numpy as np

N_NODES = 4096
N_EDGES = 262144
EDGE_DIM = 16
D_FEAT = 128


def setup_inputs(seed: int = 0) -> dict:
    key = jax.random.key(seed)
    k1, k2, k3, k4, k5, k6, k7 = jax.random.split(key, 7)
    x = jax.random.normal(k1, (N_NODES, D_FEAT), dtype=jnp.float32)
    edge_idx = jax.random.randint(k2, (2, N_EDGES), 0, N_NODES, dtype=jnp.int64)
    edge_attr = jax.random.normal(k3, (N_EDGES, EDGE_DIM), dtype=jnp.float32)
    # parameters (nn.Linear: weight [out, in], bias [out])
    lim1 = 1.0 / np.sqrt(EDGE_DIM)
    w1_w = jax.random.uniform(k4, (EDGE_DIM, EDGE_DIM), minval=-lim1, maxval=lim1, dtype=jnp.float32)
    w1_b = jax.random.uniform(k5, (EDGE_DIM,), minval=-lim1, maxval=lim1, dtype=jnp.float32)
    w2_w = jax.random.uniform(k6, (1, EDGE_DIM), minval=-lim1, maxval=lim1, dtype=jnp.float32)
    w2_b = jax.random.uniform(k7, (1,), minval=-lim1, maxval=lim1, dtype=jnp.float32)
    return {"x": x, "edge_idx": edge_idx, "edge_attr": edge_attr,
            "w1_w": w1_w, "w1_b": w1_b, "w2_w": w2_w, "w2_b": w2_b}


def reference(x, edge_idx, edge_attr, w1_w, w1_b, w2_w, w2_b):
    h = edge_attr @ w1_w.T + w1_b
    h = jax.nn.gelu(h, approximate=False)
    distance = (h @ w2_w.T + w2_b).squeeze()  # [E]
    num_nodes = x.shape[0]
    distance_matrix = jnp.zeros((num_nodes, num_nodes), dtype=jnp.float32)
    distance_matrix = distance_matrix.at[edge_idx[0], edge_idx[1]].set(distance)
    return distance_matrix

if __name__ == "__main__":
    import jax
    _d = setup_inputs()
    print(jax.jit(kernel)(*tuple(_d.values())))

</pallas_src>

<mosaic_0001>
#map = affine_map<(d0, d1) -> (0)>
#map1 = affine_map<(d0, d1) -> (0, 0)>
module attributes {stable_mosaic.version = 14 : i64} {
  func.func @_sc_body(%arg0: i32, %arg1: i32, %arg2: memref<262144xi32, #tpu.memory_space<hbm>>, %arg3: memref<262144xf32, #tpu.memory_space<hbm>>, %arg4: memref<264xi32, #tpu.memory_space<hbm>>, %arg5: memref<4096x4096xf32, #tpu.memory_space<hbm>>, %arg6: memref<16384xi32, #tpu.memory_space<vmem>>, %arg7: memref<16384xf32, #tpu.memory_space<vmem>>, %arg8: memref<16x4096xf32, #tpu.memory_space<vmem>>, %arg9: memref<16xi32, #tpu.memory_space<vmem>>) attributes {dimension_semantics = [#tpu.dimension_semantics<core_parallel>, #tpu.dimension_semantics<subcore_parallel>], iteration_bounds = array<i64: 2, 16>, scalar_prefetch = 0 : i64, scratch_operands = 4 : i64, tpu.core_type = #tpu.core_type<sc_vector_subcore>, window_params = [{transform_indices = #map}, {transform_indices = #map}, {transform_indices = #map}, {transform_indices = #map1}]} {
    %mul3A = arith.constant 2 : i32
    %mul3A_0 = arith.muli %arg1, %mul3A : i32
    %add3A = arith.addi %mul3A_0, %arg0 : i32
    %mul3A_1 = arith.constant 8 : i32
    %mul3A_2 = arith.muli %add3A, %mul3A_1 : i32
    "tpu.region"() ({
      %run_scoped3A = tpu.sem_alloc : memref<!tpu.dma_semaphore, #tpu.memory_space<semaphore_mem>>
      %dma_start3A = tpu.memref_slice %arg4[%mul3A_2] : memref<264xi32, #tpu.memory_space<hbm>> -> memref<16xi32, #tpu.memory_space<hbm>>
      %dma_start3A_731 = tpu.memref_slice %arg4[%mul3A_2] : memref<264xi32, #tpu.memory_space<hbm>> -> memref<16xi32, #tpu.memory_space<hbm>>
      tpu.enqueue_dma source(%dma_start3A_731 : memref<16xi32, #tpu.memory_space<hbm>>) target(%arg9 : memref<16xi32, #tpu.memory_space<vmem>>) target_semaphore(%run_scoped3A : memref<!tpu.dma_semaphore, #tpu.memory_space<semaphore_mem>>)
      %dma_wait3A = tpu.memref_slice %arg4[%mul3A_2] : memref<264xi32, #tpu.memory_space<hbm>> -> memref<16xi32, #tpu.memory_space<hbm>>
      %dma_wait3A_732 = tpu.memref_slice %arg4[%mul3A_2] : memref<264xi32, #tpu.memory_space<hbm>> -> memref<16xi32, #tpu.memory_space<hbm>>
      tpu.wait_dma2 semaphore(%run_scoped3A : memref<!tpu.dma_semaphore, #tpu.memory_space<semaphore_mem>>) src(%dma_wait3A_732 : memref<16xi32, #tpu.memory_space<hbm>>) dst(%arg9 : memref<16xi32, #tpu.memory_space<vmem>>)
      tpu.yield
    }) : () -> ()
    %get3A = arith.constant 0 : index
    %get3A_3 = tpu.vector_load %arg9[%get3A] {strides = array<i32>} : memref<16xi32, #tpu.memory_space<vmem>>, vector<16xi32>,
    %slice3A = vector.extract_strided_slice %get3A_3 {offsets = [0], sizes = [1], strides = [1]} : vector<16xi32> to vector<1xi32>
    %squeeze3A = vector.extract %slice3A[0] : i32 from vector<1xi32>
    %jit3A = arith.constant 8 : i32
    %div3A = arith.divsi %squeeze3A, %jit3A : i32
    %sign3A = arith.constant 0 : i32
    %sign3A_4 = arith.cmpi sgt, %squeeze3A, %sign3A : i32
    %sign3A_5 = arith.extui %sign3A_4 : i1 to i32
    %sign3A_6 = arith.constant 0 : i32
    %sign3A_7 = arith.cmpi slt, %squeeze3A, %sign3A_6 : i32
    %sign3A_8 = arith.extui %sign3A_7 : i1 to i32
    %sign3A_9 = arith.subi %sign3A_5, %sign3A_8 : i32
    %sign3A_10 = arith.constant 0 : i32
    %sign3A_11 = arith.cmpi sgt, %jit3A, %sign3A_10 : i32
    %sign3A_12 = arith.extui %sign3A_11 : i1 to i32
    %sign3A_13 = arith.constant 0 : i32
    %sign3A_14 = arith.cmpi slt, %jit3A, %sign3A_13 : i32
    %sign3A_15 = arith.extui %sign3A_14 : i1 to i32
    %sign3A_16 = arith.subi %sign3A_12, %sign3A_15 : i32
    %ne3A = arith.cmpi ne, %sign3A_9, %sign3A_16 : i32
    %rem3A = arith.remsi %squeeze3A, %jit3A : i32
    %ne3A_17 = arith.constant 0 : i32
    %ne3A_18 = arith.cmpi ne, %rem3A, %ne3A_17 : i32
    %and3A = arith.andi %ne3A, %ne3A_18 : i1
    %sub3A = arith.constant 1 : i32
    %sub3A_19 = arith.subi %div3A, %sub3A : i32
    %select_n3A = arith.select %and3A, %sub3A_19, %div3A : i32
    %mul3A_20 = arith.constant 8 : i32
    %mul3A_21 = arith.muli %select_n3A, %mul3A_20 : i32
    %min3A = arith.constant 245760 : i32
    %min3A_22 = arith.minsi %mul3A_21, %min3A : i32
    "tpu.region"() ({
      %run_scoped3A = tpu.sem_alloc : memref<!tpu.dma_semaphore, #tpu.memory_space<semaphore_mem>>
      %dma_start3A = tpu.memref_slice %arg2[%min3A_22] : memref<262144xi32, #tpu.memory_space<hbm>> -> memref<16384xi32, #tpu.memory_space<hbm>>
      %dma_start3A_731 = tpu.memref_slice %arg2[%min3A_22] : memref<262144xi32, #tpu.memory_space<hbm>> -> memref<16384xi32, #tpu.memory_space<hbm>>
      tpu.enqueue_dma source(%dma_start3A_731 : memref<16384xi32, #tpu.memory_space<hbm>>) target(%arg6 : memref<16384xi32, #tpu.memory_space<vmem>>) target_semaphore(%run_scoped3A : memref<!tpu.dma_semaphore, #tpu.memory_space<semaphore_mem>>)
      %dma_wait3A = tpu.memref_slice %arg2[%min3A_22] : memref<262144xi32, #tpu.memory_space<hbm>> -> memref<16384xi32, #tpu.memory_space<hbm>>
      %dma_wait3A_732 = tpu.memref_slice %arg2[%min3A_22] : memref<262144xi32, #tpu.memory_space<hbm>> -> memref<16384xi32, #tpu.memory_space<hbm>>
      tpu.wait_dma2 semaphore(%run_scoped3A : memref<!tpu.dma_semaphore, #tpu.memory_space<semaphore_mem>>) src(%dma_wait3A_732 : memref<16384xi32, #tpu.memory_space<hbm>>) dst(%arg6 : memref<16384xi32, #tpu.memory_space<vmem>>)
      tpu.yield
    }) : () -> ()
    "tpu.region"() ({
      %run_scoped3A = tpu.sem_alloc : memref<!tpu.dma_semaphore, #tpu.memory_space<semaphore_mem>>
      %dma_start3A = tpu.memref_slice %arg3[%min3A_22] : memref<262144xf32, #tpu.memory_space<hbm>> -> memref<16384xf32, #tpu.memory_space<hbm>>
      %dma_start3A_731 = tpu.memref_slice %arg3[%min3A_22] : memref<262144xf32, #tpu.memory_space<hbm>> -> memref<16384xf32, #tpu.memory_space<hbm>>
      tpu.enqueue_dma source(%dma_start3A_731 : memref<16384xf32, #tpu.memory_space<hbm>>) target(%arg7 : memref<16384xf32, #tpu.memory_space<vmem>>) target_semaphore(%run_scoped3A : memref<!tpu.dma_semaphore, #tpu.memory_space<semaphore_mem>>)
      %dma_wait3A = tpu.memref_slice %arg3[%min3A_22] : memref<262144xf32, #tpu.memory_space<hbm>> -> memref<16384xf32, #tpu.memory_space<hbm>>
      %dma_wait3A_732 = tpu.memref_slice %arg3[%min3A_22] : memref<262144xf32, #tpu.memory_space<hbm>> -> memref<16384xf32, #tpu.memory_space<hbm>>
      tpu.wait_dma2 semaphore(%run_scoped3A : memref<!tpu.dma_semaphore, #tpu.memory_space<semaphore_mem>>) src(%dma_wait3A_732 : memref<16384xf32, #tpu.memory_space<hbm>>) dst(%arg7 : memref<16384xf32, #tpu.memory_space<vmem>>)
      tpu.yield
    }) : () -> ()
    %broadcast_in_dim3A = arith.constant 0.000000e+00 : f32
    %broadcast_in_dim3A_23 = vector.broadcast %broadcast_in_dim3A : f32 to vector<16xf32>
    %scan3A = arith.constant 0 : i32
    %scan3A_24 = arith.constant 0 : i32
    %scan3A_25 = arith.constant 256 : i32
    %scan3A_26 = arith.addi %scan3A_24, %scan3A_25 : i32
    %scan3A_27 = arith.constant 1 : i32
    scf.for %scan3A_731 = %scan3A_24 to %scan3A_26 step %scan3A_27  : i32 {
      %mul3A_732 = arith.constant 16 : i32
      %mul3A_733 = arith.muli %scan3A_731, %mul3A_732 : i32
      %swap3A = arith.constant 0 : i32
      %swap3A_734 = arith.index_cast %swap3A : i32 to index
      %swap3A_735 = arith.index_cast %mul3A_733 : i32 to index
      %swap3A_736 = tpu.vector_load %arg8[%swap3A_734, %swap3A_735] {strides = array<i32>} : memref<16x4096xf32, #tpu.memory_space<vmem>>, vector<16xf32>,
      tpu.vector_store %arg8[%swap3A_734, %swap3A_735], %broadcast_in_dim3A_23 {strides = array<i32>} : memref<16x4096xf32, #tpu.memory_space<vmem>>, vector<16xf32>,
      %swap3A_737 = arith.constant 1 : i32
      %swap3A_738 = arith.index_cast %swap3A_737 : i32 to index
      %swap3A_739 = arith.index_cast %mul3A_733 : i32 to index
      %swap3A_740 = tpu.vector_load %arg8[%swap3A_738, %swap3A_739] {strides = array<i32>} : memref<16x4096xf32, #tpu.memory_space<vmem>>, vector<16xf32>,
      tpu.vector_store %arg8[%swap3A_738, %swap3A_739], %broadcast_in_dim3A_23 {strides = array<i32>} : memref<16x4096xf32, #tpu.memory_space<vmem>>, vector<16xf32>,
      %swap3A_741 = arith.constant 2 : i32
      %swap3A_742 = arith.index_cast %swap3A_741 : i32 to index
      %swap3A_743 = arith.index_cast %mul3A_733 : i32 to index
      %swap3A_744 = tpu.vector_load %arg8[%swap3A_742, %swap3A_743] {strides = array<i32>} : memref<16x4096xf32, #tpu.memory_space<vmem>>, vector<16xf32>,
      tpu.vector_store %arg8[%swap3A_742, %swap3A_743], %broadcast_in_dim3A_23 {strides = array<i32>} : memref<16x4096xf32, #tpu.memory_space<vmem>>, vector<16xf32>,
      %swap3A_745 = arith.constant 3 : i32
      %swap3A_746 = arith.index_cast %swap3A_745 : i32 to index
      %swap3A_747 = arith.index_cast %mul3A_733 : i32 to index
      %swap3A_748 = tpu.vector_load %arg8[%swap3A_746, %swap3A_747] {strides = array<i32>} : memref<16x4096xf32, #tpu.memory_space<vmem>>, vector<16xf32>,
      tpu.vector_store %arg8[%swap3A_746, %swap3A_747], %broadcast_in_dim3A_23 {strides = array<i32>} : memref<16x4096xf32, #tpu.memory_space<vmem>>, vector<16xf32>,
      %swap3A_749 = arith.constant 4 : i32
      %swap3A_750 = arith.index_cast %swap3A_749 : i32 to index
      %swap3A_751 = arith.index_cast %mul3A_733 : i32 to index
      %swap3A_752 = tpu.vector_load %arg8[%swap3A_750, %swap3A_751] {strides = array<i32>} : memref<16x4096xf32, #tpu.memory_space<vmem>>, vector<16xf32>,
      tpu.vector_store %arg8[%swap3A_750, %swap3A_751], %broadcast_in_dim3A_23 {strides = array<i32>} : memref<16x4096xf32, #tpu.memory_space<vmem>>, vector<16xf32>,
      %swap3A_753 = arith.constant 5 : i32
      %swap3A_754 = arith.index_cast %swap3A_753 : i32 to index
      %swap3A_755 = arith.index_cast %mul3A_733 : i32 to index
      %swap3A_756 = tpu.vector_load %arg8[%swap3A_754, %swap3A_755] {strides = array<i32>} : memref<16x4096xf32, #tpu.memory_space<vmem>>, vector<16xf32>,
      tpu.vector_store %arg8[%swap3A_754, %swap3A_755], %broadcast_in_dim3A_23 {strides = array<i32>} : memref<16x4096xf32, #tpu.memory_space<vmem>>, vector<16xf32>,
      %swap3A_757 = arith.constant 6 : i32
      %swap3A_758 = arith.index_cast %swap3A_757 : i32 to index
      %swap3A_759 = arith.index_cast %mul3A_733 : i32 to index
      %swap3A_760 = tpu.vector_load %arg8[%swap3A_758, %swap3A_759] {strides = array<i32>} : memref<16x4096xf32, #tpu.memory_space<vmem>>, vector<16xf32>,
      tpu.vector_store %arg8[%swap3A_758, %swap3A_759], %broadcast_in_dim3A_23 {strides = array<i32>} : memref<16x4096xf32, #tpu.memory_space<vmem>>, vector<16xf32>,
      %swap3A_761 = arith.constant 7 : i32
      %swap3A_762 = arith.index_cast %swap3A_761 : i32 to index
      %swap3A_763 = arith.index_cast %mul3A_733 : i32 to index
      %swap3A_764 = tpu.vector_load %arg8[%swap3A_762, %swap3A_763] {strides = array<i32>} : memref<16x4096xf32, #tpu.memory_space<vmem>>, vector<16xf32>,
      tpu.vector_store %arg8[%swap3A_762, %swap3A_763], %broadcast_in_dim3A_23 {strides = array<i32>} : memref<16x4096xf32, #tpu.memory_space<vmem>>, vector<16xf32>,
      %swap3A_765 = arith.constant 8 : i32
      %swap3A_766 = arith.index_cast %swap3A_765 : i32 to index
      %swap3A_767 = arith.index_cast %mul3A_733 : i32 to index
      %swap3A_768 = tpu.vector_load %arg8[%swap3A_766, %swap3A_767] {strides = array<i32>} : memref<16x4096xf32, #tpu.memory_space<vmem>>, vector<16xf32>,
      tpu.vector_store %arg8[%swap3A_766, %swap3A_767], %broadcast_in_dim3A_23 {strides = array<i32>} : memref<16x4096xf32, #tpu.memory_space<vmem>>, vector<16xf32>,
      %swap3A_769 = arith.constant 9 : i32
      %swap3A_770 = arith.index_cast %swap3A_769 : i32 to index
      %swap3A_771 = arith.index_cast %mul3A_733 : i32 to index
      %swap3A_772 = tpu.vector_load %arg8[%swap3A_770, %swap3A_771] {strides = array<i32>} : memref<16x4096xf32, #tpu.memory_space<vmem>>, vector<16xf32>,
      tpu.vector_store %arg8[%swap3A_770, %swap3A_771], %broadcast_in_dim3A_23 {strides = array<i32>} : memref<16x4096xf32, #tpu.memory_space<vmem>>, vector<16xf32>,
      %swap3A_773 = arith.constant 10 : i32
      %swap3A_774 = arith.index_cast %swap3A_773 : i32 to index
      %swap3A_775 = arith.index_cast %mul3A_733 : i32 to index
      %swap3A_776 = tpu.vector_load %arg8[%swap3A_774, %swap3A_775] {strides = array<i32>} : memref<16x4096xf32, #tpu.memory_space<vmem>>, vector<16xf32>,
      tpu.vector_store %arg8[%swap3A_774, %swap3A_775], %broadcast_in_dim3A_23 {strides = array<i32>} : memref<16x4096xf32, #tpu.memory_space<vmem>>, vector<16xf32>,
      %swap3A_777 = arith.constant 11 : i32
      %swap3A_778 = arith.index_cast %swap3A_777 : i32 to index
      %swap3A_779 = arith.index_cast %mul3A_733 : i32 to index
      %swap3A_780 = tpu.vector_load %arg8[%swap3A_778, %swap3A_779] {strides = array<i32>} : memref<16x4096xf32, #tpu.memory_space<vmem>>, vector<16xf32>,
      tpu.vector_store %arg8[%swap3A_778, %swap3A_779], %broadcast_in_dim3A_23 {strides = array<i32>} : memref<16x4096xf32, #tpu.memory_space<vmem>>, vector<16xf32>,
      %swap3A_781 = arith.constant 12 : i32
      %swap3A_782 = arith.index_cast %swap3A_781 : i32 to index
      %swap3A_783 = arith.index_cast %mul3A_733 : i32 to index
      %swap3A_784 = tpu.vector_load %arg8[%swap3A_782, %swap3A_783] {strides = array<i32>} : memref<16x4096xf32, #tpu.memory_space<vmem>>, vector<16xf32>,
      tpu.vector_store %arg8[%swap3A_782, %swap3A_783], %broadcast_in_dim3A_23 {strides = array<i32>} : memref<16x4096xf32, #tpu.memory_space<vmem>>, vector<16xf32>,
      %swap3A_785 = arith.constant 13 : i32
      %swap3A_786 = arith.index_cast %swap3A_785 : i32 to index
      %swap3A_787 = arith.index_cast %mul3A_733 : i32 to index
      %swap3A_788 = tpu.vector_load %arg8[%swap3A_786, %swap3A_787] {strides = array<i32>} : memref<16x4096xf32, #tpu.memory_space<vmem>>, vector<16xf32>,
      tpu.vector_store %arg8[%swap3A_786, %swap3A_787], %broadcast_in_dim3A_23 {strides = array<i32>} : memref<16x4096xf32, #tpu.memory_space<vmem>>, vector<16xf32>,
      %swap3A_789 = arith.constant 14 : i32
      %swap3A_790 = arith.index_cast %swap3A_789 : i32 to index
      %swap3A_791 = arith.index_cast %mul3A_733 : i32 to index
      %swap3A_792 = tpu.vector_load %arg8[%swap3A_790, %swap3A_791] {strides = array<i32>} : memref<16x4096xf32, #tpu.memory_space<vmem>>, vector<16xf32>,
      tpu.vector_store %arg8[%swap3A_790, %swap3A_791], %broadcast_in_dim3A_23 {strides = array<i32>} : memref<16x4096xf32, #tpu.memory_space<vmem>>, vector<16xf32>,
      %swap3A_793 = arith.constant 15 : i32
      %swap3A_794 = arith.index_cast %swap3A_793 : i32 to index
      %swap3A_795 = arith.index_cast %mul3A_733 : i32 to index
      %swap3A_796 = tpu.vector_load %arg8[%swap3A_794, %swap3A_795] {strides = array<i32>} : memref<16x4096xf32, #tpu.memory_space<vmem>>, vector<16xf32>,
      tpu.vector_store %arg8[%swap3A_794, %swap3A_795], %broadcast_in_dim3A_23 {strides = array<i32>} : memref<16x4096xf32, #tpu.memory_space<vmem>>, vector<16xf32>,
    }
    %scan3A_28 = arith.constant 256 : i32
    %mul3A_29 = arith.constant 524288 : i32
    %mul3A_30 = arith.muli %add3A, %mul3A_29 : i32
    %add3A_31 = arith.constant 0 : i32
    %add3A_32 = arith.addi %mul3A_30, %add3A_31 : i32
    %mul3A_33 = arith.constant 8 : i32
    %mul3A_34 = arith.muli %add3A, %mul3A_33 : i32
    %add3A_35 = arith.constant 0 : i32
    %add3A_36 = arith.addi %mul3A_34, %add3A_35 : i32
    %mul3A_37 = arith.constant 16 : i32
    %mul3A_38 = arith.muli %add3A_36, %mul3A_37 : i32
    %slice3A_39 = vector.extract_strided_slice %get3A_3 {offsets = [0], sizes = [1], strides = [1]} : vector<16xi32> to vector<1xi32>
    %squeeze3A_40 = vector.extract %slice3A_39[0] : i32 from vector<1xi32>
    %sub3A_41 = arith.subi %squeeze3A_40, %min3A_22 : i32
    %jit3A_42 = arith.constant 16 : i32
    %div3A_43 = arith.divsi %sub3A_41, %jit3A_42 : i32
    %sign3A_44 = arith.constant 0 : i32
    %sign3A_45 = arith.cmpi sgt, %sub3A_41, %sign3A_44 : i32
    %sign3A_46 = arith.extui %sign3A_45 : i1 to i32
    %sign3A_47 = arith.constant 0 : i32
    %sign3A_48 = arith.cmpi slt, %sub3A_41, %sign3A_47 : i32
    %sign3A_49 = arith.extui %sign3A_48 : i1 to i32
    %sign3A_50 = arith.subi %sign3A_46, %sign3A_49 : i32
    %sign3A_51 = arith.constant 0 : i32
    %sign3A_52 = arith.cmpi sgt, %jit3A_42, %sign3A_51 : i32
    %sign3A_53 = arith.extui %sign3A_52 : i1 to i32
    %sign3A_54 = arith.constant 0 : i32
    %sign3A_55 = arith.cmpi slt, %jit3A_42, %sign3A_54 : i32
    %sign3A_56 = arith.extui %sign3A_55 : i1 to i32
    %sign3A_57 = arith.subi %sign3A_53, %sign3A_56 : i32
    %ne3A_58 = arith.cmpi ne, %sign3A_50, %sign3A_57 : i32
    %rem3A_59 = arith.remsi %sub3A_41, %jit3A_42 : i32
    %ne3A_60 = arith.constant 0 : i32
    %ne3A_61 = arith.cmpi ne, %rem3A_59, %ne3A_60 : i32
    %and3A_62 = arith.andi %ne3A_58, %ne3A_61 : i1
    %sub3A_63 = arith.constant 1 : i32
    %sub3A_64 = arith.subi %div3A_43, %sub3A_63 : i32
    %select_n3A_65 = arith.select %and3A_62, %sub3A_64, %div3A_43 : i32
    %max3A = arith.constant 0 : i32
    %max3A_66 = arith.maxsi %select_n3A_65, %max3A : i32
    %slice3A_67 = vector.extract_strided_slice %get3A_3 {offsets = [1], sizes = [1], strides = [1]} : vector<16xi32> to vector<1xi32>
    %squeeze3A_68 = vector.extract %slice3A_67[0] : i32 from vector<1xi32>
    %sub3A_69 = arith.subi %squeeze3A_68, %min3A_22 : i32
    %add3A_70 = arith.constant 15 : i32
    %add3A_71 = arith.addi %sub3A_69, %add3A_70 : i32
    %jit3A_72 = arith.constant 16 : i32
    %div3A_73 = arith.divsi %add3A_71, %jit3A_72 : i32
    %sign3A_74 = arith.constant 0 : i32
    %sign3A_75 = arith.cmpi sgt, %add3A_71, %sign3A_74 : i32
    %sign3A_76 = arith.extui %sign3A_75 : i1 to i32
    %sign3A_77 = arith.constant 0 : i32
    %sign3A_78 = arith.cmpi slt, %add3A_71, %sign3A_77 : i32
    %sign3A_79 = arith.extui %sign3A_78 : i1 to i32
    %sign3A_80 = arith.subi %sign3A_76, %sign3A_79 : i32
    %sign3A_81 = arith.constant 0 : i32
    %sign3A_82 = arith.cmpi sgt, %jit3A_72, %sign3A_81 : i32
    %sign3A_83 = arith.extui %sign3A_82 : i1 to i32
    %sign3A_84 = arith.constant 0 : i32
    %sign3A_85 = arith.cmpi slt, %jit3A_72, %sign3A_84 : i32
    %sign3A_86 = arith.extui %sign3A_85 : i1 to i32
    %sign3A_87 = arith.subi %sign3A_83, %sign3A_86 : i32
    %ne3A_88 = arith.cmpi ne, %sign3A_80, %sign3A_87 : i32
    %rem3A_89 = arith.remsi %add3A_71, %jit3A_72 : i32
    %ne3A_90 = arith.constant 0 : i32
    %ne3A_91 = arith.cmpi ne, %rem3A_89, %ne3A_90 : i32
    %and3A_92 = arith.andi %ne3A_88, %ne3A_91 : i1
    %sub3A_93 = arith.constant 1 : i32
    %sub3A_94 = arith.subi %div3A_73, %sub3A_93 : i32
    %select_n3A_95 = arith.select %and3A_92, %sub3A_94, %div3A_73 : i32
    %min3A_96 = arith.constant 1024 : i32
    %min3A_97 = arith.minsi %select_n3A_95, %min3A_96 : i32
    %while3A = arith.constant 0 : i32
    %while3A_98 = arith.subi %min3A_97, %max3A_66 : i32
    %while3A_99 = arith.addi %max3A_66, %while3A_98 : i32
    %while3A_100 = arith.constant 1 : i32
    %while3A_101 = arith.divsi %while3A_98, %while3A_100 : i32
    %while3A_102 = arith.muli %while3A_101, %while3A_100 : i32
    %while3A_103 = arith.addi %max3A_66, %while3A_102 : i32
    %while3A_104 = arith.constant 1 : i32
    scf.for %while3A_731 = %max3A_66 to %while3A_103 step %while3A_104  : i32 {
      %mul3A_732 = arith.constant 16 : i32
      %mul3A_733 = arith.muli %while3A_731, %mul3A_732 : i32
      %get3A_734 = arith.index_cast %mul3A_733 : i32 to index
      %get3A_735 = tpu.vector_load %arg6[%get3A_734] {strides = array<i32>} : memref<16384xi32, #tpu.memory_space<vmem>>, vector<16xi32>,
      %get3A_736 = arith.index_cast %mul3A_733 : i32 to index
      %get3A_737 = tpu.vector_load %arg7[%get3A_736] {strides = array<i32>} : memref<16384xf32, #tpu.memory_space<vmem>>, vector<16xf32>,
      %ge3A = vector.broadcast %add3A_32 : i32 to vector<16xi32>
      %ge3A_738 = arith.cmpi sge, %get3A_735, %ge3A : vector<16xi32>
      %add3A_739 = arith.constant 65536 : i32
      %add3A_740 = arith.addi %add3A_32, %add3A_739 : i32
      %lt3A = vector.broadcast %add3A_740 : i32 to vector<16xi32>
      %lt3A_741 = arith.cmpi slt, %get3A_735, %lt3A : vector<16xi32>
      %and3A_742 = arith.andi %ge3A_738, %lt3A_741 : vector<16xi1>
      %sub3A_743 = vector.broadcast %add3A_32 : i32 to vector<16xi32>
      %sub3A_744 = arith.subi %get3A_735, %sub3A_743 : vector<16xi32>
      %jit3A_745 = arith.constant 0 : i32
      %jit3A_746 = arith.constant 65535 : i32
      %max3A_747 = vector.broadcast %jit3A_745 : i32 to vector<16xi32>
      %max3A_748 = arith.maxsi %max3A_747, %sub3A_744 : vector<16xi32>
      %min3A_749 = vector.broadcast %jit3A_746 : i32 to vector<16xi32>
      %min3A_750 = arith.minsi %min3A_749, %max3A_748 : vector<16xi32>
      %shift_right_arithmetic3A = arith.constant 12 : i32
      %shift_right_arithmetic3A_751 = vector.broadcast %shift_right_arithmetic3A : i32 to vector<16xi32>
      %shift_right_arithmetic3A_752 = arith.shrsi %min3A_750, %shift_right_arithmetic3A_751 : vector<16xi32>
      %and3A_753 = arith.constant 4095 : i32
      %and3A_754 = vector.broadcast %and3A_753 : i32 to vector<16xi32>
      %and3A_755 = arith.andi %min3A_750, %and3A_754 : vector<16xi32>
      tpu.vector_store_idx %arg8[%shift_right_arithmetic3A_752, %and3A_755], %get3A_737 masked %and3A_742 : memref<16x4096xf32, #tpu.memory_space<vmem>>[vector<16xi32>, vector<16xi32>], vector<16xf32>, vector<16xi1>
    }
    %while3A_105 = arith.constant 1 : i32
    scf.for %while3A_731 = %while3A_103 to %while3A_99 step %while3A_105  : i32 {
      %mul3A_732 = arith.constant 16 : i32
      %mul3A_733 = arith.muli %while3A_731, %mul3A_732 : i32
      %get3A_734 = arith.index_cast %mul3A_733 : i32 to index
      %get3A_735 = tpu.vector_load %arg6[%get3A_734] {strides = array<i32>} : memref<16384xi32, #tpu.memory_space<vmem>>, vector<16xi32>,
      %get3A_736 = arith.index_cast %mul3A_733 : i32 to index
      %get3A_737 = tpu.vector_load %arg7[%get3A_736] {strides = array<i32>} : memref<16384xf32, #tpu.memory_space<vmem>>, vector<16xf32>,
      %ge3A = vector.broadcast %add3A_32 : i32 to vector<16xi32>
      %ge3A_738 = arith.cmpi sge, %get3A_735, %ge3A : vector<16xi32>
      %add3A_739 = arith.constant 65536 : i32
      %add3A_740 = arith.addi %add3A_32, %add3A_739 : i32
      %lt3A = vector.broadcast %add3A_740 : i32 to vector<16xi32>
      %lt3A_741 = arith.cmpi slt, %get3A_735, %lt3A : vector<16xi32>
      %and3A_742 = arith.andi %ge3A_738, %lt3A_741 : vector<16xi1>
      %sub3A_743 = vector.broadcast %add3A_32 : i32 to vector<16xi32>
      %sub3A_744 = arith.subi %get3A_735, %sub3A_743 : vector<16xi32>
      %jit3A_745 = arith.constant 0 : i32
      %jit3A_746 = arith.constant 65535 : i32
      %max3A_747 = vector.broadcast %jit3A_745 : i32 to vector<16xi32>
      %max3A_748 = arith.maxsi %max3A_747, %sub3A_744 : vector<16xi32>
      %min3A_749 = vector.broadcast %jit3A_746 : i32 to vector<16xi32>
      %min3A_750 = arith.minsi %min3A_749, %max3A_748 : vector<16xi32>
      %shift_right_arithmetic3A = arith.constant 12 : i32
      %shift_right_arithmetic3A_751 = vector.broadcast %shift_right_arithmetic3A : i32 to vector<16xi32>
      %shift_right_arithmetic3A_752 = arith.shrsi %min3A_750, %shift_right_arithmetic3A_751 : vector<16xi32>
      %and3A_753 = arith.constant 4095 : i32
      %and3A_754 = vector.broadcast %and3A_753 : i32 to vector<16xi32>
      %and3A_755 = arith.andi %min3A_750, %and3A_754 : vector<16xi32>
      tpu.vector_store_idx %arg8[%shift_right_arithmetic3A_752, %and3A_755], %get3A_737 masked %and3A_742 : memref<16x4096xf32, #tpu.memory_space<vmem>>[vector<16xi32>, vector<16xi32>], vector<16xf32>, vector<16xi1>
    }
    "tpu.region"() ({
      %run_scoped3A = tpu.sem_alloc : memref<!tpu.dma_semaphore, #tpu.memory_space<semaphore_mem>>
      %dma_start3A = arith.constant 0 : i32
      %dma_start3A_731 = tpu.memref_slice %arg5[%mul3A_38, %dma_start3A] : memref<4096x4096xf32, #tpu.memory_space<hbm>> -> memref<16x4096xf32, #tpu.memory_space<hbm>>
      %dma_start3A_732 = arith.constant 0 : i32
      %dma_start3A_733 = tpu.memref_slice %arg5[%mul3A_38, %dma_start3A_732] : memref<4096x4096xf32, #tpu.memory_space<hbm>> -> memref<16x4096xf32, #tpu.memory_space<hbm>>
      tpu.enqueue_dma source(%arg8 : memref<16x4096xf32, #tpu.memory_space<vmem>>) target(%dma_start3A_733 : memref<16x4096xf32, #tpu.memory_space<hbm>>) target_semaphore(%run_scoped3A : memref<!tpu.dma_semaphore, #tpu.memory_space<semaphore_mem>>)
      %dma_wait3A = arith.constant 0 : i32
      %dma_wait3A_734 = tpu.memref_slice %arg5[%mul3A_38, %dma_wait3A] : memref<4096x4096xf32, #tpu.memory_space<hbm>> -> memref<16x4096xf32, #tpu.memory_space<hbm>>
      %dma_wait3A_735 = arith.constant 0 : i32
      %dma_wait3A_736 = tpu.memref_slice %arg5[%mul3A_38, %dma_wait3A_735] : memref<4096x4096xf32, #tpu.memory_space<hbm>> -> memref<16x4096xf32, #tpu.memory_space<hbm>>
      tpu.wait_dma2 semaphore(%run_scoped3A : memref<!tpu.dma_semaphore, #tpu.memory_space<semaphore_mem>>) src(%arg8 : memref<16x4096xf32, #tpu.memory_space<vmem>>) dst(%dma_wait3A_736 : memref<16x4096xf32, #tpu.memory_space<hbm>>)
      tpu.yield
    }) : () -> ()
    %while3A_106 = arith.constant 0 : i32
    %while3A_107 = arith.subi %min3A_97, %max3A_66 : i32
    %while3A_108 = arith.addi %max3A_66, %while3A_107 : i32
    %while3A_109 = arith.constant 1 : i32
    %while3A_110 = arith.divsi %while3A_107, %while3A_109 : i32
    %while3A_111 = arith.muli %while3A_110, %while3A_109 : i32
    %while3A_112 = arith.addi %max3A_66, %while3A_111 : i32
    %while3A_113 = arith.constant 1 : i32
    scf.for %while3A_731 = %max3A_66 to %while3A_112 step %while3A_113  : i32 {
      %mul3A_732 = arith.constant 16 : i32
      %mul3A_733 = arith.muli %while3A_731, %mul3A_732 : i32
      %get3A_734 = arith.index_cast %mul3A_733 : i32 to index
      %get3A_735 = tpu.vector_load %arg6[%get3A_734] {strides = array<i32>} : memref<16384xi32, #tpu.memory_space<vmem>>, vector<16xi32>,
      %ge3A = vector.broadcast %add3A_32 : i32 to vector<16xi32>
      %ge3A_736 = arith.cmpi sge, %get3A_735, %ge3A : vector<16xi32>
      %add3A_737 = arith.constant 65536 : i32
      %add3A_738 = arith.addi %add3A_32, %add3A_737 : i32
      %lt3A = vector.broadcast %add3A_738 : i32 to vector<16xi32>
      %lt3A_739 = arith.cmpi slt, %get3A_735, %lt3A : vector<16xi32>
      %and3A_740 = arith.andi %ge3A_736, %lt3A_739 : vector<16xi1>
      %sub3A_741 = vector.broadcast %add3A_32 : i32 to vector<16xi32>
      %sub3A_742 = arith.subi %get3A_735, %sub3A_741 : vector<16xi32>
      %jit3A_743 = arith.constant 0 : i32
      %jit3A_744 = arith.constant 65535 : i32
      %max3A_745 = vector.broadcast %jit3A_743 : i32 to vector<16xi32>
      %max3A_746 = arith.maxsi %max3A_745, %sub3A_742 : vector<16xi32>
      %min3A_747 = vector.broadcast %jit3A_744 : i32 to vector<16xi32>
      %min3A_748 = arith.minsi %min3A_747, %max3A_746 : vector<16xi32>
      %shift_right_arithmetic3A = arith.constant 12 : i32
      %shift_right_arithmetic3A_749 = vector.broadcast %shift_right_arithmetic3A : i32 to vector<16xi32>
      %shift_right_arithmetic3A_750 = arith.shrsi %min3A_748, %shift_right_arithmetic3A_749 : vector<16xi32>
      %and3A_751 = arith.constant 4095 : i32
      %and3A_752 = vector.broadcast %and3A_751 : i32 to vector<16xi32>
      %and3A_753 = arith.andi %min3A_748, %and3A_752 : vector<16xi32>
      tpu.vector_store_idx %arg8[%shift_right_arithmetic3A_750, %and3A_753], %broadcast_in_dim3A_23 masked %and3A_740 : memref<16x4096xf32, #tpu.memory_space<vmem>>[vector<16xi32>, vector<16xi32>], vector<16xf32>, vector<16xi1>
    }
    %while3A_114 = arith.constant 1 : i32
    scf.for %while3A_731 = %while3A_112 to %while3A_108 step %while3A_114  : i32 {
      %mul3A_732 = arith.constant 16 : i32
      %mul3A_733 = arith.muli %while3A_731, %mul3A_732 : i32
      %get3A_734 = arith.index_cast %mul3A_733 : i32 to index
      %get3A_735 = tpu.vector_load %arg6[%get3A_734] {strides = array<i32>} : memref<16384xi32, #tpu.memory_space<vmem>>, vector<16xi32>,
      %ge3A = vector.broadcast %add3A_32 : i32 to vector<16xi32>
      %ge3A_736 = arith.cmpi sge, %get3A_735, %ge3A : vector<16xi32>
      %add3A_737 = arith.constant 65536 : i32
      %add3A_738 = arith.addi %add3A_32, %add3A_737 : i32
      %lt3A = vector.broadcast %add3A_738 : i32 to vector<16xi32>
      %lt3A_739 = arith.cmpi slt, %get3A_735, %lt3A : vector<16xi32>
      %and3A_740 = arith.andi %ge3A_736, %lt3A_739 : vector<16xi1>
      %sub3A_741 = vector.broadcast %add3A_32 : i32 to vector<16xi32>
      %sub3A_742 = arith.subi %get3A_735, %sub3A_741 : vector<16xi32>
      %jit3A_743 = arith.constant 0 : i32
      %jit3A_744 = arith.constant 65535 : i32
      %max3A_745 = vector.broadcast %jit3A_743 : i32 to vector<16xi32>
      %max3A_746 = arith.maxsi %max3A_745, %sub3A_742 : vector<16xi32>
      %min3A_747 = vector.broadcast %jit3A_744 : i32 to vector<16xi32>
      %min3A_748 = arith.minsi %min3A_747, %max3A_746 : vector<16xi32>
      %shift_right_arithmetic3A = arith.constant 12 : i32
      %shift_right_arithmetic3A_749 = vector.broadcast %shift_right_arithmetic3A : i32 to vector<16xi32>
      %shift_right_arithmetic3A_750 = arith.shrsi %min3A_748, %shift_right_arithmetic3A_749 : vector<16xi32>
      %and3A_751 = arith.constant 4095 : i32
      %and3A_752 = vector.broadcast %and3A_751 : i32 to vector<16xi32>
      %and3A_753 = arith.andi %min3A_748, %and3A_752 : vector<16xi32>
      tpu.vector_store_idx %arg8[%shift_right_arithmetic3A_750, %and3A_753], %broadcast_in_dim3A_23 masked %and3A_740 : memref<16x4096xf32, #tpu.memory_space<vmem>>[vector<16xi32>, vector<16xi32>], vector<16xf32>, vector<16xi1>
    }
    %mul3A_115 = arith.constant 524288 : i32
    %mul3A_116 = arith.muli %add3A, %mul3A_115 : i32
    %add3A_117 = arith.constant 65536 : i32
    %add3A_118 = arith.addi %mul3A_116, %add3A_117 : i32
    %mul3A_119 = arith.constant 8 : i32
    %mul3A_120 = arith.muli %add3A, %mul3A_119 : i32
    %add3A_121 = arith.constant 1 : i32
    %add3A_122 = arith.addi %mul3A_120, %add3A_121 : i32
    %mul3A_123 = arith.constant 16 : i32
    %mul3A_124 = arith.muli %add3A_122, %mul3A_123 : i32
    %slice3A_125 = vector.extract_strided_slice %get3A_3 {offsets = [1], sizes = [1], strides = [1]} : vector<16xi32> to vector<1xi32>
    %squeeze3A_126 = vector.extract %slice3A_125[0] : i32 from vector<1xi32>
    %sub3A_127 = arith.subi %squeeze3A_126, %min3A_22 : i32
    %jit3A_128 = arith.constant 16 : i32
    %div3A_129 = arith.divsi %sub3A_127, %jit3A_128 : i32
    %sign3A_130 = arith.constant 0 : i32
    %sign3A_131 = arith.cmpi sgt, %sub3A_127, %sign3A_130 : i32
    %sign3A_132 = arith.extui %sign3A_131 : i1 to i32
    %sign3A_133 = arith.constant 0 : i32
    %sign3A_134 = arith.cmpi slt, %sub3A_127, %sign3A_133 : i32
    %sign3A_135 = arith.extui %sign3A_134 : i1 to i32
    %sign3A_136 = arith.subi %sign3A_132, %sign3A_135 : i32
    %sign3A_137 = arith.constant 0 : i32
    %sign3A_138 = arith.cmpi sgt, %jit3A_128, %sign3A_137 : i32
    %sign3A_139 = arith.extui %sign3A_138 : i1 to i32
    %sign3A_140 = arith.constant 0 : i32
    %sign3A_141 = arith.cmpi slt, %jit3A_128, %sign3A_140 : i32
    %sign3A_142 = arith.extui %sign3A_141 : i1 to i32
    %sign3A_143 = arith.subi %sign3A_139, %sign3A_142 : i32
    %ne3A_144 = arith.cmpi ne, %sign3A_136, %sign3A_143 : i32
    %rem3A_145 = arith.remsi %sub3A_127, %jit3A_128 : i32
    %ne3A_146 = arith.constant 0 : i32
    %ne3A_147 = arith.cmpi ne, %rem3A_145, %ne3A_146 : i32
    %and3A_148 = arith.andi %ne3A_144, %ne3A_147 : i1
    %sub3A_149 = arith.constant 1 : i32
    %sub3A_150 = arith.subi %div3A_129, %sub3A_149 : i32
    %select_n3A_151 = arith.select %and3A_148, %sub3A_150, %div3A_129 : i32
    %max3A_152 = arith.constant 0 : i32
    %max3A_153 = arith.maxsi %select_n3A_151, %max3A_152 : i32
    %slice3A_154 = vector.extract_strided_slice %get3A_3 {offsets = [2], sizes = [1], strides = [1]} : vector<16xi32> to vector<1xi32>
    %squeeze3A_155 = vector.extract %slice3A_154[0] : i32 from vector<1xi32>
    %sub3A_156 = arith.subi %squeeze3A_155, %min3A_22 : i32
    %add3A_157 = arith.constant 15 : i32
    %add3A_158 = arith.addi %sub3A_156, %add3A_157 : i32
    %jit3A_159 = arith.constant 16 : i32
    %div3A_160 = arith.divsi %add3A_158, %jit3A_159 : i32
    %sign3A_161 = arith.constant 0 : i32
    %sign3A_162 = arith.cmpi sgt, %add3A_158, %sign3A_161 : i32
    %sign3A_163 = arith.extui %sign3A_162 : i1 to i32
    %sign3A_164 = arith.constant 0 : i32
    %sign3A_165 = arith.cmpi slt, %add3A_158, %sign3A_164 : i32
    %sign3A_166 = arith.extui %sign3A_165 : i1 to i32
    %sign3A_167 = arith.subi %sign3A_163, %sign3A_166 : i32
    %sign3A_168 = arith.constant 0 : i32
    %sign3A_169 = arith.cmpi sgt, %jit3A_159, %sign3A_168 : i32
    %sign3A_170 = arith.extui %sign3A_169 : i1 to i32
    %sign3A_171 = arith.constant 0 : i32
    %sign3A_172 = arith.cmpi slt, %jit3A_159, %sign3A_171 : i32
    %sign3A_173 = arith.extui %sign3A_172 : i1 to i32
    %sign3A_174 = arith.subi %sign3A_170, %sign3A_173 : i32
    %ne3A_175 = arith.cmpi ne, %sign3A_167, %sign3A_174 : i32
    %rem3A_176 = arith.remsi %add3A_158, %jit3A_159 : i32
    %ne3A_177 = arith.constant 0 : i32
    %ne3A_178 = arith.cmpi ne, %rem3A_176, %ne3A_177 : i32
    %and3A_179 = arith.andi %ne3A_175, %ne3A_178 : i1
    %sub3A_180 = arith.constant 1 : i32
    %sub3A_181 = arith.subi %div3A_160, %sub3A_180 : i32
    %select_n3A_182 = arith.select %and3A_179, %sub3A_181, %div3A_160 : i32
    %min3A_183 = arith.constant 1024 : i32
    %min3A_184 = arith.minsi %select_n3A_182, %min3A_183 : i32
    %while3A_185 = arith.constant 0 : i32
    %while3A_186 = arith.subi %min3A_184, %max3A_153 : i32
    %while3A_187 = arith.addi %max3A_153, %while3A_186 : i32
    %while3A_188 = arith.constant 1 : i32
    %while3A_189 = arith.divsi %while3A_186, %while3A_188 : i32
    %while3A_190 = arith.muli %while3A_189, %while3A_188 : i32
    %while3A_191 = arith.addi %max3A_153, %while3A_190 : i32
    %while3A_192 = arith.constant 1 : i32
    scf.for %while3A_731 = %max3A_153 to %while3A_191 step %while3A_192  : i32 {
      %mul3A_732 = arith.constant 16 : i32
      %mul3A_733 = arith.muli %while3A_731, %mul3A_732 : i32
      %get3A_734 = arith.index_cast %mul3A_733 : i32 to index
      %get3A_735 = tpu.vector_load %arg6[%get3A_734] {strides = array<i32>} : memref<16384xi32, #tpu.memory_space<vmem>>, vector<16xi32>,
      %get3A_736 = arith.index_cast %mul3A_733 : i32 to index
      %get3A_737 = tpu.vector_load %arg7[%get3A_736] {strides = array<i32>} : memref<16384xf32, #tpu.memory_space<vmem>>, vector<16xf32>,
      %ge3A = vector.broadcast %add3A_118 : i32 to vector<16xi32>
      %ge3A_738 = arith.cmpi sge, %get3A_735, %ge3A : vector<16xi32>
      %add3A_739 = arith.constant 65536 : i32
      %add3A_740 = arith.addi %add3A_118, %add3A_739 : i32
      %lt3A = vector.broadcast %add3A_740 : i32 to vector<16xi32>
      %lt3A_741 = arith.cmpi slt, %get3A_735, %lt3A : vector<16xi32>
      %and3A_742 = arith.andi %ge3A_738, %lt3A_741 : vector<16xi1>
      %sub3A_743 = vector.broadcast %add3A_118 : i32 to vector<16xi32>
      %sub3A_744 = arith.subi %get3A_735, %sub3A_743 : vector<16xi32>
      %jit3A_745 = arith.constant 0 : i32
      %jit3A_746 = arith.constant 65535 : i32
      %max3A_747 = vector.broadcast %jit3A_745 : i32 to vector<16xi32>
      %max3A_748 = arith.maxsi %max3A_747, %sub3A_744 : vector<16xi32>
      %min3A_749 = vector.broadcast %jit3A_746 : i32 to vector<16xi32>
      %min3A_750 = arith.minsi %min3A_749, %max3A_748 : vector<16xi32>
      %shift_right_arithmetic3A = arith.constant 12 : i32
      %shift_right_arithmetic3A_751 = vector.broadcast %shift_right_arithmetic3A : i32 to vector<16xi32>
      %shift_right_arithmetic3A_752 = arith.shrsi %min3A_750, %shift_right_arithmetic3A_751 : vector<16xi32>
      %and3A_753 = arith.constant 4095 : i32
      %and3A_754 = vector.broadcast %and3A_753 : i32 to vector<16xi32>
      %and3A_755 = arith.andi %min3A_750, %and3A_754 : vector<16xi32>
      tpu.vector_store_idx %arg8[%shift_right_arithmetic3A_752, %and3A_755], %get3A_737 masked %and3A_742 : memref<16x4096xf32, #tpu.memory_space<vmem>>[vector<16xi32>, vector<16xi32>], vector<16xf32>, vector<16xi1>
    }
    %while3A_193 = arith.constant 1 : i32
    scf.for %while3A_731 = %while3A_191 to %while3A_187 step %while3A_193  : i32 {
      %mul3A_732 = arith.constant 16 : i32
      %mul3A_733 = arith.muli %while3A_731, %mul3A_732 : i32
      %get3A_734 = arith.index_cast %mul3A_733 : i32 to index
      %get3A_735 = tpu.vector_load %arg6[%get3A_734] {strides = array<i32>} : memref<16384xi32, #tpu.memory_space<vmem>>, vector<16xi32>,
      %get3A_736 = arith.index_cast %mul3A_733 : i32 to index
      %get3A_737 = tpu.vector_load %arg7[%get3A_736] {strides = array<i32>} : memref<16384xf32, #tpu.memory_space<vmem>>, vector<16xf32>,
      %ge3A = vector.broadcast %add3A_118 : i32 to vector<16xi32>
      %ge3A_738 = arith.cmpi sge, %get3A_735, %ge3A : vector<16xi32>
      %add3A_739 = arith.constant 65536 : i32
      %add3A_740 = arith.addi %add3A_118, %add3A_739 : i32
      %lt3A = vector.broadcast %add3A_740 : i32 to vector<16xi32>
      %lt3A_741 = arith.cmpi slt, %get3A_735, %lt3A : vector<16xi32>
      %and3A_742 = arith.andi %ge3A_738, %lt3A_741 : vector<16xi1>
      %sub3A_743 = vector.broadcast %add3A_118 : i32 to vector<16xi32>
      %sub3A_744 = arith.subi %get3A_735, %sub3A_743 : vector<16xi32>
      %jit3A_745 = arith.constant 0 : i32
      %jit3A_746 = arith.constant 65535 : i32
      %max3A_747 = vector.broadcast %jit3A_745 : i32 to vector<16xi32>
      %max3A_748 = arith.maxsi %max3A_747, %sub3A_744 : vector<16xi32>
      %min3A_749 = vector.broadcast %jit3A_746 : i32 to vector<16xi32>
      %min3A_750 = arith.minsi %min3A_749, %max3A_748 : vector<16xi32>
      %shift_right_arithmetic3A = arith.constant 12 : i32
      %shift_right_arithmetic3A_751 = vector.broadcast %shift_right_arithmetic3A : i32 to vector<16xi32>
      %shift_right_arithmetic3A_752 = arith.shrsi %min3A_750, %shift_right_arithmetic3A_751 : vector<16xi32>
      %and3A_753 = arith.constant 4095 : i32
      %and3A_754 = vector.broadcast %and3A_753 : i32 to vector<16xi32>
      %and3A_755 = arith.andi %min3A_750, %and3A_754 : vector<16xi32>
      tpu.vector_store_idx %arg8[%shift_right_arithmetic3A_752, %and3A_755], %get3A_737 masked %and3A_742 : memref<16x4096xf32, #tpu.memory_space<vmem>>[vector<16xi32>, vector<16xi32>], vector<16xf32>, vector<16xi1>
    }
    "tpu.region"() ({
      %run_scoped3A = tpu.sem_alloc : memref<!tpu.dma_semaphore, #tpu.memory_space<semaphore_mem>>
      %dma_start3A = arith.constant 0 : i32
      %dma_start3A_731 = tpu.memref_slice %arg5[%mul3A_124, %dma_start3A] : memref<4096x4096xf32, #tpu.memory_space<hbm>> -> memref<16x4096xf32, #tpu.memory_space<hbm>>
      %dma_start3A_732 = arith.constant 0 : i32
      %dma_start3A_733 = tpu.memref_slice %arg5[%mul3A_124, %dma_start3A_732] : memref<4096x4096xf32, #tpu.memory_space<hbm>> -> memref<16x4096xf32, #tpu.memory_space<hbm>>
      tpu.enqueue_dma source(%arg8 : memref<16x4096xf32, #tpu.memory_space<vmem>>) target(%dma_start3A_733 : memref<16x4096xf32, #tpu.memory_space<hbm>>) target_semaphore(%run_scoped3A : memref<!tpu.dma_semaphore, #tpu.memory_space<semaphore_mem>>)
      %dma_wait3A = arith.constant 0 : i32
      %dma_wait3A_734 = tpu.memref_slice %arg5[%mul3A_124, %dma_wait3A] : memref<4096x4096xf32, #tpu.memory_space<hbm>> -> memref<16x4096xf32, #tpu.memory_space<hbm>>
      %dma_wait3A_735 = arith.constant 0 : i32
      %dma_wait3A_736 = tpu.memref_slice %arg5[%mul3A_124, %dma_wait3A_735] : memref<4096x4096xf32, #tpu.memory_space<hbm>> -> memref<16x4096xf32, #tpu.memory_space<hbm>>
      tpu.wait_dma2 semaphore(%run_scoped3A : memref<!tpu.dma_semaphore, #tpu.memory_space<semaphore_mem>>) src(%arg8 : memref<16x4096xf32, #tpu.memory_space<vmem>>) dst(%dma_wait3A_736 : memref<16x4096xf32, #tpu.memory_space<hbm>>)
      tpu.yield
    }) : () -> ()
    %while3A_194 = arith.constant 0 : i32
    %while3A_195 = arith.subi %min3A_184, %max3A_153 : i32
    %while3A_196 = arith.addi %max3A_153, %while3A_195 : i32
    %while3A_197 = arith.constant 1 : i32
    %while3A_198 = arith.divsi %while3A_195, %while3A_197 : i32
    %while3A_199 = arith.muli %while3A_198, %while3A_197 : i32
    %while3A_200 = arith.addi %max3A_153, %while3A_199 : i32
    %while3A_201 = arith.constant 1 : i32
    scf.for %while3A_731 = %max3A_153 to %while3A_200 step %while3A_201  : i32 {
      %mul3A_732 = arith.constant 16 : i32
      %mul3A_733 = arith.muli %while3A_731, %mul3A_732 : i32
      %get3A_734 = arith.index_cast %mul3A_733 : i32 to index
      %get3A_735 = tpu.vector_load %arg6[%get3A_734] {strides = array<i32>} : memref<16384xi32, #tpu.memory_space<vmem>>, vector<16xi32>,
      %ge3A = vector.broadcast %add3A_118 : i32 to vector<16xi32>
      %ge3A_736 = arith.cmpi sge, %get3A_735, %ge3A : vector<16xi32>
      %add3A_737 = arith.constant 65536 : i32
      %add3A_738 = arith.addi %add3A_118, %add3A_737 : i32
      %lt3A = vector.broadcast %add3A_738 : i32 to vector<16xi32>
      %lt3A_739 = arith.cmpi slt, %get3A_735, %lt3A : vector<16xi32>
      %and3A_740 = arith.andi %ge3A_736, %lt3A_739 : vector<16xi1>
      %sub3A_741 = vector.broadcast %add3A_118 : i32 to vector<16xi32>
      %sub3A_742 = arith.subi %get3A_735, %sub3A_741 : vector<16xi32>
      %jit3A_743 = arith.constant 0 : i32
      %jit3A_744 = arith.constant 65535 : i32
      %max3A_745 = vector.broadcast %jit3A_743 : i32 to vector<16xi32>
      %max3A_746 = arith.maxsi %max3A_745, %sub3A_742 : vector<16xi32>
      %min3A_747 = vector.broadcast %jit3A_744 : i32 to vector<16xi32>
      %min3A_748 = arith.minsi %min3A_747, %max3A_746 : vector<16xi32>
      %shift_right_arithmetic3A = arith.constant 12 : i32
      %shift_right_arithmetic3A_749 = vector.broadcast %shift_right_arithmetic3A : i32 to vector<16xi32>
      %shift_right_arithmetic3A_750 = arith.shrsi %min3A_748, %shift_right_arithmetic3A_749 : vector<16xi32>
      %and3A_751 = arith.constant 4095 : i32
      %and3A_752 = vector.broadcast %and3A_751 : i32 to vector<16xi32>
      %and3A_753 = arith.andi %min3A_748, %and3A_752 : vector<16xi32>
      tpu.vector_store_idx %arg8[%shift_right_arithmetic3A_750, %and3A_753], %broadcast_in_dim3A_23 masked %and3A_740 : memref<16x4096xf32, #tpu.memory_space<vmem>>[vector<16xi32>, vector<16xi32>], vector<16xf32>, vector<16xi1>
    }
    %while3A_202 = arith.constant 1 : i32
    scf.for %while3A_731 = %while3A_200 to %while3A_196 step %while3A_202  : i32 {
      %mul3A_732 = arith.constant 16 : i32
      %mul3A_733 = arith.muli %while3A_731, %mul3A_732 : i32
      %get3A_734 = arith.index_cast %mul3A_733 : i32 to index
      %get3A_735 = tpu.vector_load %arg6[%get3A_734] {strides = array<i32>} : memref<16384xi32, #tpu.memory_space<vmem>>, vector<16xi32>,
      %ge3A = vector.broadcast %add3A_118 : i32 to vector<16xi32>
      %ge3A_736 = arith.cmpi sge, %get3A_735, %ge3A : vector<16xi32>
      %add3A_737 = arith.constant 65536 : i32
      %add3A_738 = arith.addi %add3A_118, %add3A_737 : i32
      %lt3A = vector.broadcast %add3A_738 : i32 to vector<16xi32>
      %lt3A_739 = arith.cmpi slt, %get3A_735, %lt3A : vector<16xi32>
      %and3A_740 = arith.andi %ge3A_736, %lt3A_739 : vector<16xi1>
      %sub3A_741 = vector.broadcast %add3A_118 : i32 to vector<16xi32>
      %sub3A_742 = arith.subi %get3A_735, %sub3A_741 : vector<16xi32>
      %jit3A_743 = arith.constant 0 : i32
      %jit3A_744 = arith.constant 65535 : i32
      %max3A_745 = vector.broadcast %jit3A_743 : i32 to vector<16xi32>
      %max3A_746 = arith.maxsi %max3A_745, %sub3A_742 : vector<16xi32>
      %min3A_747 = vector.broadcast %jit3A_744 : i32 to vector<16xi32>
      %min3A_748 = arith.minsi %min3A_747, %max3A_746 : vector<16xi32>
      %shift_right_arithmetic3A = arith.constant 12 : i32
      %shift_right_arithmetic3A_749 = vector.broadcast %shift_right_arithmetic3A : i32 to vector<16xi32>
      %shift_right_arithmetic3A_750 = arith.shrsi %min3A_748, %shift_right_arithmetic3A_749 : vector<16xi32>
      %and3A_751 = arith.constant 4095 : i32
      %and3A_752 = vector.broadcast %and3A_751 : i32 to vector<16xi32>
      %and3A_753 = arith.andi %min3A_748, %and3A_752 : vector<16xi32>
      tpu.vector_store_idx %arg8[%shift_right_arithmetic3A_750, %and3A_753], %broadcast_in_dim3A_23 masked %and3A_740 : memref<16x4096xf32, #tpu.memory_space<vmem>>[vector<16xi32>, vector<16xi32>], vector<16xf32>, vector<16xi1>
    }
    %mul3A_203 = arith.constant 524288 : i32
    %mul3A_204 = arith.muli %add3A, %mul3A_203 : i32
    %add3A_205 = arith.constant 131072 : i32
    %add3A_206 = arith.addi %mul3A_204, %add3A_205 : i32
    %mul3A_207 = arith.constant 8 : i32
    %mul3A_208 = arith.muli %add3A, %mul3A_207 : i32
    %add3A_209 = arith.constant 2 : i32
    %add3A_210 = arith.addi %mul3A_208, %add3A_209 : i32
    %mul3A_211 = arith.constant 16 : i32
    %mul3A_212 = arith.muli %add3A_210, %mul3A_211 : i32
    %slice3A_213 = vector.extract_strided_slice %get3A_3 {offsets = [2], sizes = [1], strides = [1]} : vector<16xi32> to vector<1xi32>
    %squeeze3A_214 = vector.extract %slice3A_213[0] : i32 from vector<1xi32>
    %sub3A_215 = arith.subi %squeeze3A_214, %min3A_22 : i32
    %jit3A_216 = arith.constant 16 : i32
    %div3A_217 = arith.divsi %sub3A_215, %jit3A_216 : i32
    %sign3A_218 = arith.constant 0 : i32
    %sign3A_219 = arith.cmpi sgt, %sub3A_215, %sign3A_218 : i32
    %sign3A_220 = arith.extui %sign3A_219 : i1 to i32
    %sign3A_221 = arith.constant 0 : i32
    %sign3A_222 = arith.cmpi slt, %sub3A_215, %sign3A_221 : i32
    %sign3A_223 = arith.extui %sign3A_222 : i1 to i32
    %sign3A_224 = arith.subi %sign3A_220, %sign3A_223 : i32
    %sign3A_225 = arith.constant 0 : i32
    %sign3A_226 = arith.cmpi sgt, %jit3A_216, %sign3A_225 : i32
    %sign3A_227 = arith.extui %sign3A_226 : i1 to i32
    %sign3A_228 = arith.constant 0 : i32
    %sign3A_229 = arith.cmpi slt, %jit3A_216, %sign3A_228 : i32
    %sign3A_230 = arith.extui %sign3A_229 : i1 to i32
    %sign3A_231 = arith.subi %sign3A_227, %sign3A_230 : i32
    %ne3A_232 = arith.cmpi ne, %sign3A_224, %sign3A_231 : i32
    %rem3A_233 = arith.remsi %sub3A_215, %jit3A_216 : i32
    %ne3A_234 = arith.constant 0 : i32
    %ne3A_235 = arith.cmpi ne, %rem3A_233, %ne3A_234 : i32
    %and3A_236 = arith.andi %ne3A_232, %ne3A_235 : i1
    %sub3A_237 = arith.constant 1 : i32
    %sub3A_238 = arith.subi %div3A_217, %sub3A_237 : i32
    %select_n3A_239 = arith.select %and3A_236, %sub3A_238, %div3A_217 : i32
    %max3A_240 = arith.constant 0 : i32
    %max3A_241 = arith.maxsi %select_n3A_239, %max3A_240 : i32
    %slice3A_242 = vector.extract_strided_slice %get3A_3 {offsets = [3], sizes = [1], strides = [1]} : vector<16xi32> to vector<1xi32>
    %squeeze3A_243 = vector.extract %slice3A_242[0] : i32 from vector<1xi32>
    %sub3A_244 = arith.subi %squeeze3A_243, %min3A_22 : i32
    %add3A_245 = arith.constant 15 : i32
    %add3A_246 = arith.addi %sub3A_244, %add3A_245 : i32
    %jit3A_247 = arith.constant 16 : i32
    %div3A_248 = arith.divsi %add3A_246, %jit3A_247 : i32
    %sign3A_249 = arith.constant 0 : i32
    %sign3A_250 = arith.cmpi sgt, %add3A_246, %sign3A_249 : i32
    %sign3A_251 = arith.extui %sign3A_250 : i1 to i32
    %sign3A_252 = arith.constant 0 : i32
    %sign3A_253 = arith.cmpi slt, %add3A_246, %sign3A_252 : i32
    %sign3A_254 = arith.extui %sign3A_253 : i1 to i32
    %sign3A_255 = arith.subi %sign3A_251, %sign3A_254 : i32
    %sign3A_256 = arith.constant 0 : i32
    %sign3A_257 = arith.cmpi sgt, %jit3A_247, %sign3A_256 : i32
    %sign3A_258 = arith.extui %sign3A_257 : i1 to i32
    %sign3A_259 = arith.constant 0 : i32
    %sign3A_260 = arith.cmpi slt, %jit3A_247, %sign3A_259 : i32
    %sign3A_261 = arith.extui %sign3A_260 : i1 to i32
    %sign3A_262 = arith.subi %sign3A_258, %sign3A_261 : i32
    %ne3A_263 = arith.cmpi ne, %sign3A_255, %sign3A_262 : i32
    %rem3A_264 = arith.remsi %add3A_246, %jit3A_247 : i32
    %ne3A_265 = arith.constant 0 : i32
    %ne3A_266 = arith.cmpi ne, %rem3A_264, %ne3A_265 : i32
    %and3A_267 = arith.andi %ne3A_263, %ne3A_266 : i1
    %sub3A_268 = arith.constant 1 : i32
    %sub3A_269 = arith.subi %div3A_248, %sub3A_268 : i32
    %select_n3A_270 = arith.select %and3A_267, %sub3A_269, %div3A_248 : i32
    %min3A_271 = arith.constant 1024 : i32
    %min3A_272 = arith.minsi %select_n3A_270, %min3A_271 : i32
    %while3A_273 = arith.constant 0 : i32
    %while3A_274 = arith.subi %min3A_272, %max3A_241 : i32
    %while3A_275 = arith.addi %max3A_241, %while3A_274 : i32
    %while3A_276 = arith.constant 1 : i32
    %while3A_277 = arith.divsi %while3A_274, %while3A_276 : i32
    %while3A_278 = arith.muli %while3A_277, %while3A_276 : i32
    %while3A_279 = arith.addi %max3A_241, %while3A_278 : i32
    %while3A_280 = arith.constant 1 : i32
    scf.for %while3A_731 = %max3A_241 to %while3A_279 step %while3A_280  : i32 {
      %mul3A_732 = arith.constant 16 : i32
      %mul3A_733 = arith.muli %while3A_731, %mul3A_732 : i32
      %get3A_734 = arith.index_cast %mul3A_733 : i32 to index
      %get3A_735 = tpu.vector_load %arg6[%get3A_734] {strides = array<i32>} : memref<16384xi32, #tpu.memory_space<vmem>>, vector<16xi32>,
      %get3A_736 = arith.index_cast %mul3A_733 : i32 to index
      %get3A_737 = tpu.vector_load %arg7[%get3A_736] {strides = array<i32>} : memref<16384xf32, #tpu.memory_space<vmem>>, vector<16xf32>,
      %ge3A = vector.broadcast %add3A_206 : i32 to vector<16xi32>
      %ge3A_738 = arith.cmpi sge, %get3A_735, %ge3A : vector<16xi32>
      %add3A_739 = arith.constant 65536 : i32
      %add3A_740 = arith.addi %add3A_206, %add3A_739 : i32
      %lt3A = vector.broadcast %add3A_740 : i32 to vector<16xi32>
      %lt3A_741 = arith.cmpi slt, %get3A_735, %lt3A : vector<16xi32>
      %and3A_742 = arith.andi %ge3A_738, %lt3A_741 : vector<16xi1>
      %sub3A_743 = vector.broadcast %add3A_206 : i32 to vector<16xi32>
      %sub3A_744 = arith.subi %get3A_735, %sub3A_743 : vector<16xi32>
      %jit3A_745 = arith.constant 0 : i32
      %jit3A_746 = arith.constant 65535 : i32
      %max3A_747 = vector.broadcast %jit3A_745 : i32 to vector<16xi32>
      %max3A_748 = arith.maxsi %max3A_747, %sub3A_744 : vector<16xi32>
      %min3A_749 = vector.broadcast %jit3A_746 : i32 to vector<16xi32>
      %min3A_750 = arith.minsi %min3A_749, %max3A_748 : vector<16xi32>
      %shift_right_arithmetic3A = arith.constant 12 : i32
      %shift_right_arithmetic3A_751 = vector.broadcast %shift_right_arithmetic3A : i32 to vector<16xi32>
      %shift_right_arithmetic3A_752 = arith.shrsi %min3A_750, %shift_right_arithmetic3A_751 : vector<16xi32>
      %and3A_753 = arith.constant 4095 : i32
      %and3A_754 = vector.broadcast %and3A_753 : i32 to vector<16xi32>
      %and3A_755 = arith.andi %min3A_750, %and3A_754 : vector<16xi32>
      tpu.vector_store_idx %arg8[%shift_right_arithmetic3A_752, %and3A_755], %get3A_737 masked %and3A_742 : memref<16x4096xf32, #tpu.memory_space<vmem>>[vector<16xi32>, vector<16xi32>], vector<16xf32>, vector<16xi1>
    }
    %while3A_281 = arith.constant 1 : i32
    scf.for %while3A_731 = %while3A_279 to %while3A_275 step %while3A_281  : i32 {
      %mul3A_732 = arith.constant 16 : i32
      %mul3A_733 = arith.muli %while3A_731, %mul3A_732 : i32
      %get3A_734 = arith.index_cast %mul3A_733 : i32 to index
      %get3A_735 = tpu.vector_load %arg6[%get3A_734] {strides = array<i32>} : memref<16384xi32, #tpu.memory_space<vmem>>, vector<16xi32>,
      %get3A_736 = arith.index_cast %mul3A_733 : i32 to index
      %get3A_737 = tpu.vector_load %arg7[%get3A_736] {strides = array<i32>} : memref<16384xf32, #tpu.memory_space<vmem>>, vector<16xf32>,
      %ge3A = vector.broadcast %add3A_206 : i32 to vector<16xi32>
      %ge3A_738 = arith.cmpi sge, %get3A_735, %ge3A : vector<16xi32>
      %add3A_739 = arith.constant 65536 : i32
      %add3A_740 = arith.addi %add3A_206, %add3A_739 : i32
      %lt3A = vector.broadcast %add3A_740 : i32 to vector<16xi32>
      %lt3A_741 = arith.cmpi slt, %get3A_735, %lt3A : vector<16xi32>
      %and3A_742 = arith.andi %ge3A_738, %lt3A_741 : vector<16xi1>
      %sub3A_743 = vector.broadcast %add3A_206 : i32 to vector<16xi32>
      %sub3A_744 = arith.subi %get3A_735, %sub3A_743 : vector<16xi32>
      %jit3A_745 = arith.constant 0 : i32
      %jit3A_746 = arith.constant 65535 : i32
      %max3A_747 = vector.broadcast %jit3A_745 : i32 to vector<16xi32>
      %max3A_748 = arith.maxsi %max3A_747, %sub3A_744 : vector<16xi32>
      %min3A_749 = vector.broadcast %jit3A_746 : i32 to vector<16xi32>
      %min3A_750 = arith.minsi %min3A_749, %max3A_748 : vector<16xi32>
      %shift_right_arithmetic3A = arith.constant 12 : i32
      %shift_right_arithmetic3A_751 = vector.broadcast %shift_right_arithmetic3A : i32 to vector<16xi32>
      %shift_right_arithmetic3A_752 = arith.shrsi %min3A_750, %shift_right_arithmetic3A_751 : vector<16xi32>
      %and3A_753 = arith.constant 4095 : i32
      %and3A_754 = vector.broadcast %and3A_753 : i32 to vector<16xi32>
      %and3A_755 = arith.andi %min3A_750, %and3A_754 : vector<16xi32>
      tpu.vector_store_idx %arg8[%shift_right_arithmetic3A_752, %and3A_755], %get3A_737 masked %and3A_742 : memref<16x4096xf32, #tpu.memory_space<vmem>>[vector<16xi32>, vector<16xi32>], vector<16xf32>, vector<16xi1>
    }
    "tpu.region"() ({
      %run_scoped3A = tpu.sem_alloc : memref<!tpu.dma_semaphore, #tpu.memory_space<semaphore_mem>>
      %dma_start3A = arith.constant 0 : i32
      %dma_start3A_731 = tpu.memref_slice %arg5[%mul3A_212, %dma_start3A] : memref<4096x4096xf32, #tpu.memory_space<hbm>> -> memref<16x4096xf32, #tpu.memory_space<hbm>>
      %dma_start3A_732 = arith.constant 0 : i32
      %dma_start3A_733 = tpu.memref_slice %arg5[%mul3A_212, %dma_start3A_732] : memref<4096x4096xf32, #tpu.memory_space<hbm>> -> memref<16x4096xf32, #tpu.memory_space<hbm>>
      tpu.enqueue_dma source(%arg8 : memref<16x4096xf32, #tpu.memory_space<vmem>>) target(%dma_start3A_733 : memref<16x4096xf32, #tpu.memory_space<hbm>>) target_semaphore(%run_scoped3A : memref<!tpu.dma_semaphore, #tpu.memory_space<semaphore_mem>>)
      %dma_wait3A = arith.constant 0 : i32
      %dma_wait3A_734 = tpu.memref_slice %arg5[%mul3A_212, %dma_wait3A] : memref<4096x4096xf32, #tpu.memory_space<hbm>> -> memref<16x4096xf32, #tpu.memory_space<hbm>>
      %dma_wait3A_735 = arith.constant 0 : i32
      %dma_wait3A_736 = tpu.memref_slice %arg5[%mul3A_212, %dma_wait3A_735] : memref<4096x4096xf32, #tpu.memory_space<hbm>> -> memref<16x4096xf32, #tpu.memory_space<hbm>>
      tpu.wait_dma2 semaphore(%run_scoped3A : memref<!tpu.dma_semaphore, #tpu.memory_space<semaphore_mem>>) src(%arg8 : memref<16x4096xf32, #tpu.memory_space<vmem>>) dst(%dma_wait3A_736 : memref<16x4096xf32, #tpu.memory_space<hbm>>)
      tpu.yield
    }) : () -> ()
    %while3A_282 = arith.constant 0 : i32
    %while3A_283 = arith.subi %min3A_272, %max3A_241 : i32
    %while3A_284 = arith.addi %max3A_241, %while3A_283 : i32
    %while3A_285 = arith.constant 1 : i32
    %while3A_286 = arith.divsi %while3A_283, %while3A_285 : i32
    %while3A_287 = arith.muli %while3A_286, %while3A_285 : i32
    %while3A_288 = arith.addi %max3A_241, %while3A_287 : i32
    %while3A_289 = arith.constant 1 : i32
    scf.for %while3A_731 = %max3A_241 to %while3A_288 step %while3A_289  : i32 {
      %mul3A_732 = arith.constant 16 : i32
      %mul3A_733 = arith.muli %while3A_731, %mul3A_732 : i32
      %get3A_734 = arith.index_cast %mul3A_733 : i32 to index
      %get3A_735 = tpu.vector_load %arg6[%get3A_734] {strides = array<i32>} : memref<16384xi32, #tpu.memory_space<vmem>>, vector<16xi32>,
      %ge3A = vector.broadcast %add3A_206 : i32 to vector<16xi32>
      %ge3A_736 = arith.cmpi sge, %get3A_735, %ge3A : vector<16xi32>
      %add3A_737 = arith.constant 65536 : i32
      %add3A_738 = arith.addi %add3A_206, %add3A_737 : i32
      %lt3A = vector.broadcast %add3A_738 : i32 to vector<16xi32>
      %lt3A_739 = arith.cmpi slt, %get3A_735, %lt3A : vector<16xi32>
      %and3A_740 = arith.andi %ge3A_736, %lt3A_739 : vector<16xi1>
      %sub3A_741 = vector.broadcast %add3A_206 : i32 to vector<16xi32>
      %sub3A_742 = arith.subi %get3A_735, %sub3A_741 : vector<16xi32>
      %jit3A_743 = arith.constant 0 : i32
      %jit3A_744 = arith.constant 65535 : i32
      %max3A_745 = vector.broadcast %jit3A_743 : i32 to vector<16xi32>
      %max3A_746 = arith.maxsi %max3A_745, %sub3A_742 : vector<16xi32>
      %min3A_747 = vector.broadcast %jit3A_744 : i32 to vector<16xi32>
      %min3A_748 = arith.minsi %min3A_747, %max3A_746 : vector<16xi32>
      %shift_right_arithmetic3A = arith.constant 12 : i32
      %shift_right_arithmetic3A_749 = vector.broadcast %shift_right_arithmetic3A : i32 to vector<16xi32>
      %shift_right_arithmetic3A_750 = arith.shrsi %min3A_748, %shift_right_arithmetic3A_749 : vector<16xi32>
      %and3A_751 = arith.constant 4095 : i32
      %and3A_752 = vector.broadcast %and3A_751 : i32 to vector<16xi32>
      %and3A_753 = arith.andi %min3A_748, %and3A_752 : vector<16xi32>
      tpu.vector_store_idx %arg8[%shift_right_arithmetic3A_750, %and3A_753], %broadcast_in_dim3A_23 masked %and3A_740 : memref<16x4096xf32, #tpu.memory_space<vmem>>[vector<16xi32>, vector<16xi32>], vector<16xf32>, vector<16xi1>
    }
    %while3A_290 = arith.constant 1 : i32
    scf.for %while3A_731 = %while3A_288 to %while3A_284 step %while3A_290  : i32 {
      %mul3A_732 = arith.constant 16 : i32
      %mul3A_733 = arith.muli %while3A_731, %mul3A_732 : i32
      %get3A_734 = arith.index_cast %mul3A_733 : i32 to index
      %get3A_735 = tpu.vector_load %arg6[%get3A_734] {strides = array<i32>} : memref<16384xi32, #tpu.memory_space<vmem>>, vector<16xi32>,
      %ge3A = vector.broadcast %add3A_206 : i32 to vector<16xi32>
      %ge3A_736 = arith.cmpi sge, %get3A_735, %ge3A : vector<16xi32>
      %add3A_737 = arith.constant 65536 : i32
      %add3A_738 = arith.addi %add3A_206, %add3A_737 : i32
      %lt3A = vector.broadcast %add3A_738 : i32 to vector<16xi32>
      %lt3A_739 = arith.cmpi slt, %get3A_735, %lt3A : vector<16xi32>
      %and3A_740 = arith.andi %ge3A_736, %lt3A_739 : vector<16xi1>
      %sub3A_741 = vector.broadcast %add3A_206 : i32 to vector<16xi32>
      %sub3A_742 = arith.subi %get3A_735, %sub3A_741 : vector<16xi32>
      %jit3A_743 = arith.constant 0 : i32
      %jit3A_744 = arith.constant 65535 : i32
      %max3A_745 = vector.broadcast %jit3A_743 : i32 to vector<16xi32>
      %max3A_746 = arith.maxsi %max3A_745, %sub3A_742 : vector<16xi32>
      %min3A_747 = vector.broadcast %jit3A_744 : i32 to vector<16xi32>
      %min3A_748 = arith.minsi %min3A_747, %max3A_746 : vector<16xi32>
      %shift_right_arithmetic3A = arith.constant 12 : i32
      %shift_right_arithmetic3A_749 = vector.broadcast %shift_right_arithmetic3A : i32 to vector<16xi32>
      %shift_right_arithmetic3A_750 = arith.shrsi %min3A_748, %shift_right_arithmetic3A_749 : vector<16xi32>
      %and3A_751 = arith.constant 4095 : i32
      %and3A_752 = vector.broadcast %and3A_751 : i32 to vector<16xi32>
      %and3A_753 = arith.andi %min3A_748, %and3A_752 : vector<16xi32>
      tpu.vector_store_idx %arg8[%shift_right_arithmetic3A_750, %and3A_753], %broadcast_in_dim3A_23 masked %and3A_740 : memref<16x4096xf32, #tpu.memory_space<vmem>>[vector<16xi32>, vector<16xi32>], vector<16xf32>, vector<16xi1>
    }
    %mul3A_291 = arith.constant 524288 : i32
    %mul3A_292 = arith.muli %add3A, %mul3A_291 : i32
    %add3A_293 = arith.constant 196608 : i32
    %add3A_294 = arith.addi %mul3A_292, %add3A_293 : i32
    %mul3A_295 = arith.constant 8 : i32
    %mul3A_296 = arith.muli %add3A, %mul3A_295 : i32
    %add3A_297 = arith.constant 3 : i32
    %add3A_298 = arith.addi %mul3A_296, %add3A_297 : i32
    %mul3A_299 = arith.constant 16 : i32
    %mul3A_300 = arith.muli %add3A_298, %mul3A_299 : i32
    %slice3A_301 = vector.extract_strided_slice %get3A_3 {offsets = [3], sizes = [1], strides = [1]} : vector<16xi32> to vector<1xi32>
    %squeeze3A_302 = vector.extract %slice3A_301[0] : i32 from vector<1xi32>
    %sub3A_303 = arith.subi %squeeze3A_302, %min3A_22 : i32
    %jit3A_304 = arith.constant 16 : i32
    %div3A_305 = arith.divsi %sub3A_303, %jit3A_304 : i32
    %sign3A_306 = arith.constant 0 : i32
    %sign3A_307 = arith.cmpi sgt, %sub3A_303, %sign3A_306 : i32
    %sign3A_308 = arith.extui %sign3A_307 : i1 to i32
    %sign3A_309 = arith.constant 0 : i32
    %sign3A_310 = arith.cmpi slt, %sub3A_303, %sign3A_309 : i32
    %sign3A_311 = arith.extui %sign3A_310 : i1 to i32
    %sign3A_312 = arith.subi %sign3A_308, %sign3A_311 : i32
    %sign3A_313 = arith.constant 0 : i32
    %sign3A_314 = arith.cmpi sgt, %jit3A_304, %sign3A_313 : i32
    %sign3A_315 = arith.extui %sign3A_314 : i1 to i32
    %sign3A_316 = arith.constant 0 : i32
    %sign3A_317 = arith.cmpi slt, %jit3A_304, %sign3A_316 : i32
    %sign3A_318 = arith.extui %sign3A_317 : i1 to i32
    %sign3A_319 = arith.subi %sign3A_315, %sign3A_318 : i32
    %ne3A_320 = arith.cmpi ne, %sign3A_312, %sign3A_319 : i32
    %rem3A_321 = arith.remsi %sub3A_303, %jit3A_304 : i32
    %ne3A_322 = arith.constant 0 : i32
    %ne3A_323 = arith.cmpi ne, %rem3A_321, %ne3A_322 : i32
    %and3A_324 = arith.andi %ne3A_320, %ne3A_323 : i1
    %sub3A_325 = arith.constant 1 : i32
    %sub3A_326 = arith.subi %div3A_305, %sub3A_325 : i32
    %select_n3A_327 = arith.select %and3A_324, %sub3A_326, %div3A_305 : i32
    %max3A_328 = arith.constant 0 : i32
    %max3A_329 = arith.maxsi %select_n3A_327, %max3A_328 : i32
    %slice3A_330 = vector.extract_strided_slice %get3A_3 {offsets = [4], sizes = [1], strides = [1]} : vector<16xi32> to vector<1xi32>
    %squeeze3A_331 = vector.extract %slice3A_330[0] : i32 from vector<1xi32>
    %sub3A_332 = arith.subi %squeeze3A_331, %min3A_22 : i32
    %add3A_333 = arith.constant 15 : i32
    %add3A_334 = arith.addi %sub3A_332, %add3A_333 : i32
    %jit3A_335 = arith.constant 16 : i32
    %div3A_336 = arith.divsi %add3A_334, %jit3A_335 : i32
    %sign3A_337 = arith.constant 0 : i32
    %sign3A_338 = arith.cmpi sgt, %add3A_334, %sign3A_337 : i32
    %sign3A_339 = arith.extui %sign3A_338 : i1 to i32
    %sign3A_340 = arith.constant 0 : i32
    %sign3A_341 = arith.cmpi slt, %add3A_334, %sign3A_340 : i32
    %sign3A_342 = arith.extui %sign3A_341 : i1 to i32
    %sign3A_343 = arith.subi %sign3A_339, %sign3A_342 : i32
    %sign3A_344 = arith.constant 0 : i32
    %sign3A_345 = arith.cmpi sgt, %jit3A_335, %sign3A_344 : i32
    %sign3A_346 = arith.extui %sign3A_345 : i1 to i32
    %sign3A_347 = arith.constant 0 : i32
    %sign3A_348 = arith.cmpi slt, %jit3A_335, %sign3A_347 : i32
    %sign3A_349 = arith.extui %sign3A_348 : i1 to i32
    %sign3A_350 = arith.subi %sign3A_346, %sign3A_349 : i32
    %ne3A_351 = arith.cmpi ne, %sign3A_343, %sign3A_350 : i32
    %rem3A_352 = arith.remsi %add3A_334, %jit3A_335 : i32
    %ne3A_353 = arith.constant 0 : i32
    %ne3A_354 = arith.cmpi ne, %rem3A_352, %ne3A_353 : i32
    %and3A_355 = arith.andi %ne3A_351, %ne3A_354 : i1
    %sub3A_356 = arith.constant 1 : i32
    %sub3A_357 = arith.subi %div3A_336, %sub3A_356 : i32
    %select_n3A_358 = arith.select %and3A_355, %sub3A_357, %div3A_336 : i32
    %min3A_359 = arith.constant 1024 : i32
    %min3A_360 = arith.minsi %select_n3A_358, %min3A_359 : i32
    %while3A_361 = arith.constant 0 : i32
    %while3A_362 = arith.subi %min3A_360, %max3A_329 : i32
    %while3A_363 = arith.addi %max3A_329, %while3A_362 : i32
    %while3A_364 = arith.constant 1 : i32
    %while3A_365 = arith.divsi %while3A_362, %while3A_364 : i32
    %while3A_366 = arith.muli %while3A_365, %while3A_364 : i32
    %while3A_367 = arith.addi %max3A_329, %while3A_366 : i32
    %while3A_368 = arith.constant 1 : i32
    scf.for %while3A_731 = %max3A_329 to %while3A_367 step %while3A_368  : i32 {
      %mul3A_732 = arith.constant 16 : i32
      %mul3A_733 = arith.muli %while3A_731, %mul3A_732 : i32
      %get3A_734 = arith.index_cast %mul3A_733 : i32 to index
      %get3A_735 = tpu.vector_load %arg6[%get3A_734] {strides = array<i32>} : memref<16384xi32, #tpu.memory_space<vmem>>, vector<16xi32>,
      %get3A_736 = arith.index_cast %mul3A_733 : i32 to index
      %get3A_737 = tpu.vector_load %arg7[%get3A_736] {strides = array<i32>} : memref<16384xf32, #tpu.memory_space<vmem>>, vector<16xf32>,
      %ge3A = vector.broadcast %add3A_294 : i32 to vector<16xi32>
      %ge3A_738 = arith.cmpi sge, %get3A_735, %ge3A : vector<16xi32>
      %add3A_739 = arith.constant 65536 : i32
      %add3A_740 = arith.addi %add3A_294, %add3A_739 : i32
      %lt3A = vector.broadcast %add3A_740 : i32 to vector<16xi32>
      %lt3A_741 = arith.cmpi slt, %get3A_735, %lt3A : vector<16xi32>
      %and3A_742 = arith.andi %ge3A_738, %lt3A_741 : vector<16xi1>
      %sub3A_743 = vector.broadcast %add3A_294 : i32 to vector<16xi32>
      %sub3A_744 = arith.subi %get3A_735, %sub3A_743 : vector<16xi32>
      %jit3A_745 = arith.constant 0 : i32
      %jit3A_746 = arith.constant 65535 : i32
      %max3A_747 = vector.broadcast %jit3A_745 : i32 to vector<16xi32>
      %max3A_748 = arith.maxsi %max3A_747, %sub3A_744 : vector<16xi32>
      %min3A_749 = vector.broadcast %jit3A_746 : i32 to vector<16xi32>
      %min3A_750 = arith.minsi %min3A_749, %max3A_748 : vector<16xi32>
      %shift_right_arithmetic3A = arith.constant 12 : i32
      %shift_right_arithmetic3A_751 = vector.broadcast %shift_right_arithmetic3A : i32 to vector<16xi32>
      %shift_right_arithmetic3A_752 = arith.shrsi %min3A_750, %shift_right_arithmetic3A_751 : vector<16xi32>
      %and3A_753 = arith.constant 4095 : i32
      %and3A_754 = vector.broadcast %and3A_753 : i32 to vector<16xi32>
      %and3A_755 = arith.andi %min3A_750, %and3A_754 : vector<16xi32>
      tpu.vector_store_idx %arg8[%shift_right_arithmetic3A_752, %and3A_755], %get3A_737 masked %and3A_742 : memref<16x4096xf32, #tpu.memory_space<vmem>>[vector<16xi32>, vector<16xi32>], vector<16xf32>, vector<16xi1>
    }
    %while3A_369 = arith.constant 1 : i32
    scf.for %while3A_731 = %while3A_367 to %while3A_363 step %while3A_369  : i32 {
      %mul3A_732 = arith.constant 16 : i32
      %mul3A_733 = arith.muli %while3A_731, %mul3A_732 : i32
      %get3A_734 = arith.index_cast %mul3A_733 : i32 to index
      %get3A_735 = tpu.vector_load %arg6[%get3A_734] {strides = array<i32>} : memref<16384xi32, #tpu.memory_space<vmem>>, vector<16xi32>,
      %get3A_736 = arith.index_cast %mul3A_733 : i32 to index
      %get3A_737 = tpu.vector_load %arg7[%get3A_736] {strides = array<i32>} : memref<16384xf32, #tpu.memory_space<vmem>>, vector<16xf32>,
      %ge3A = vector.broadcast %add3A_294 : i32 to vector<16xi32>
      %ge3A_738 = arith.cmpi sge, %get3A_735, %ge3A : vector<16xi32>
      %add3A_739 = arith.constant 65536 : i32
      %add3A_740 = arith.addi %add3A_294, %add3A_739 : i32
      %lt3A = vector.broadcast %add3A_740 : i32 to vector<16xi32>
      %lt3A_741 = arith.cmpi slt, %get3A_735, %lt3A : vector<16xi32>
      %and3A_742 = arith.andi %ge3A_738, %lt3A_741 : vector<16xi1>
      %sub3A_743 = vector.broadcast %add3A_294 : i32 to vector<16xi32>
      %sub3A_744 = arith.subi %get3A_735, %sub3A_743 : vector<16xi32>
      %jit3A_745 = arith.constant 0 : i32
      %jit3A_746 = arith.constant 65535 : i32
      %max3A_747 = vector.broadcast %jit3A_745 : i32 to vector<16xi32>
      %max3A_748 = arith.maxsi %max3A_747, %sub3A_744 : vector<16xi32>
      %min3A_749 = vector.broadcast %jit3A_746 : i32 to vector<16xi32>
      %min3A_750 = arith.minsi %min3A_749, %max3A_748 : vector<16xi32>
      %shift_right_arithmetic3A = arith.constant 12 : i32
      %shift_right_arithmetic3A_751 = vector.broadcast %shift_right_arithmetic3A : i32 to vector<16xi32>
      %shift_right_arithmetic3A_752 = arith.shrsi %min3A_750, %shift_right_arithmetic3A_751 : vector<16xi32>
      %and3A_753 = arith.constant 4095 : i32
      %and3A_754 = vector.broadcast %and3A_753 : i32 to vector<16xi32>
      %and3A_755 = arith.andi %min3A_750, %and3A_754 : vector<16xi32>
      tpu.vector_store_idx %arg8[%shift_right_arithmetic3A_752, %and3A_755], %get3A_737 masked %and3A_742 : memref<16x4096xf32, #tpu.memory_space<vmem>>[vector<16xi32>, vector<16xi32>], vector<16xf32>, vector<16xi1>
    }
    "tpu.region"() ({
      %run_scoped3A = tpu.sem_alloc : memref<!tpu.dma_semaphore, #tpu.memory_space<semaphore_mem>>
      %dma_start3A = arith.constant 0 : i32
      %dma_start3A_731 = tpu.memref_slice %arg5[%mul3A_300, %dma_start3A] : memref<4096x4096xf32, #tpu.memory_space<hbm>> -> memref<16x4096xf32, #tpu.memory_space<hbm>>
      %dma_start3A_732 = arith.constant 0 : i32
      %dma_start3A_733 = tpu.memref_slice %arg5[%mul3A_300, %dma_start3A_732] : memref<4096x4096xf32, #tpu.memory_space<hbm>> -> memref<16x4096xf32, #tpu.memory_space<hbm>>
      tpu.enqueue_dma source(%arg8 : memref<16x4096xf32, #tpu.memory_space<vmem>>) target(%dma_start3A_733 : memref<16x4096xf32, #tpu.memory_space<hbm>>) target_semaphore(%run_scoped3A : memref<!tpu.dma_semaphore, #tpu.memory_space<semaphore_mem>>)
      %dma_wait3A = arith.constant 0 : i32
      %dma_wait3A_734 = tpu.memref_slice %arg5[%mul3A_300, %dma_wait3A] : memref<4096x4096xf32, #tpu.memory_space<hbm>> -> memref<16x4096xf32, #tpu.memory_space<hbm>>
      %dma_wait3A_735 = arith.constant 0 : i32
      %dma_wait3A_736 = tpu.memref_slice %arg5[%mul3A_300, %dma_wait3A_735] : memref<4096x4096xf32, #tpu.memory_space<hbm>> -> memref<16x4096xf32, #tpu.memory_space<hbm>>
      tpu.wait_dma2 semaphore(%run_scoped3A : memref<!tpu.dma_semaphore, #tpu.memory_space<semaphore_mem>>) src(%arg8 : memref<16x4096xf32, #tpu.memory_space<vmem>>) dst(%dma_wait3A_736 : memref<16x4096xf32, #tpu.memory_space<hbm>>)
      tpu.yield
    }) : () -> ()
    %while3A_370 = arith.constant 0 : i32
    %while3A_371 = arith.subi %min3A_360, %max3A_329 : i32
    %while3A_372 = arith.addi %max3A_329, %while3A_371 : i32
    %while3A_373 = arith.constant 1 : i32
    %while3A_374 = arith.divsi %while3A_371, %while3A_373 : i32
    %while3A_375 = arith.muli %while3A_374, %while3A_373 : i32
    %while3A_376 = arith.addi %max3A_329, %while3A_375 : i32
    %while3A_377 = arith.constant 1 : i32
    scf.for %while3A_731 = %max3A_329 to %while3A_376 step %while3A_377  : i32 {
      %mul3A_732 = arith.constant 16 : i32
      %mul3A_733 = arith.muli %while3A_731, %mul3A_732 : i32
      %get3A_734 = arith.index_cast %mul3A_733 : i32 to index
      %get3A_735 = tpu.vector_load %arg6[%get3A_734] {strides = array<i32>} : memref<16384xi32, #tpu.memory_space<vmem>>, vector<16xi32>,
      %ge3A = vector.broadcast %add3A_294 : i32 to vector<16xi32>
      %ge3A_736 = arith.cmpi sge, %get3A_735, %ge3A : vector<16xi32>
      %add3A_737 = arith.constant 65536 : i32
      %add3A_738 = arith.addi %add3A_294, %add3A_737 : i32
      %lt3A = vector.broadcast %add3A_738 : i32 to vector<16xi32>
      %lt3A_739 = arith.cmpi slt, %get3A_735, %lt3A : vector<16xi32>
      %and3A_740 = arith.andi %ge3A_736, %lt3A_739 : vector<16xi1>
      %sub3A_741 = vector.broadcast %add3A_294 : i32 to vector<16xi32>
      %sub3A_742 = arith.subi %get3A_735, %sub3A_741 : vector<16xi32>
      %jit3A_743 = arith.constant 0 : i32
      %jit3A_744 = arith.constant 65535 : i32
      %max3A_745 = vector.broadcast %jit3A_743 : i32 to vector<16xi32>
      %max3A_746 = arith.maxsi %max3A_745, %sub3A_742 : vector<16xi32>
      %min3A_747 = vector.broadcast %jit3A_744 : i32 to vector<16xi32>
      %min3A_748 = arith.minsi %min3A_747, %max3A_746 : vector<16xi32>
      %shift_right_arithmetic3A = arith.constant 12 : i32
      %shift_right_arithmetic3A_749 = vector.broadcast %shift_right_arithmetic3A : i32 to vector<16xi32>
      %shift_right_arithmetic3A_750 = arith.shrsi %min3A_748, %shift_right_arithmetic3A_749 : vector<16xi32>
      %and3A_751 = arith.constant 4095 : i32
      %and3A_752 = vector.broadcast %and3A_751 : i32 to vector<16xi32>
      %and3A_753 = arith.andi %min3A_748, %and3A_752 : vector<16xi32>
      tpu.vector_store_idx %arg8[%shift_right_arithmetic3A_750, %and3A_753], %broadcast_in_dim3A_23 masked %and3A_740 : memref<16x4096xf32, #tpu.memory_space<vmem>>[vector<16xi32>, vector<16xi32>], vector<16xf32>, vector<16xi1>
    }
    %while3A_378 = arith.constant 1 : i32
    scf.for %while3A_731 = %while3A_376 to %while3A_372 step %while3A_378  : i32 {
      %mul3A_732 = arith.constant 16 : i32
      %mul3A_733 = arith.muli %while3A_731, %mul3A_732 : i32
      %get3A_734 = arith.index_cast %mul3A_733 : i32 to index
      %get3A_735 = tpu.vector_load %arg6[%get3A_734] {strides = array<i32>} : memref<16384xi32, #tpu.memory_space<vmem>>, vector<16xi32>,
      %ge3A = vector.broadcast %add3A_294 : i32 to vector<16xi32>
      %ge3A_736 = arith.cmpi sge, %get3A_735, %ge3A : vector<16xi32>
      %add3A_737 = arith.constant 65536 : i32
      %add3A_738 = arith.addi %add3A_294, %add3A_737 : i32
      %lt3A = vector.broadcast %add3A_738 : i32 to vector<16xi32>
      %lt3A_739 = arith.cmpi slt, %get3A_735, %lt3A : vector<16xi32>
      %and3A_740 = arith.andi %ge3A_736, %lt3A_739 : vector<16xi1>
      %sub3A_741 = vector.broadcast %add3A_294 : i32 to vector<16xi32>
      %sub3A_742 = arith.subi %get3A_735, %sub3A_741 : vector<16xi32>
      %jit3A_743 = arith.constant 0 : i32
      %jit3A_744 = arith.constant 65535 : i32
      %max3A_745 = vector.broadcast %jit3A_743 : i32 to vector<16xi32>
      %max3A_746 = arith.maxsi %max3A_745, %sub3A_742 : vector<16xi32>
      %min3A_747 = vector.broadcast %jit3A_744 : i32 to vector<16xi32>
      %min3A_748 = arith.minsi %min3A_747, %max3A_746 : vector<16xi32>
      %shift_right_arithmetic3A = arith.constant 12 : i32
      %shift_right_arithmetic3A_749 = vector.broadcast %shift_right_arithmetic3A : i32 to vector<16xi32>
      %shift_right_arithmetic3A_750 = arith.shrsi %min3A_748, %shift_right_arithmetic3A_749 : vector<16xi32>
      %and3A_751 = arith.constant 4095 : i32
      %and3A_752 = vector.broadcast %and3A_751 : i32 to vector<16xi32>
      %and3A_753 = arith.andi %min3A_748, %and3A_752 : vector<16xi32>
      tpu.vector_store_idx %arg8[%shift_right_arithmetic3A_750, %and3A_753], %broadcast_in_dim3A_23 masked %and3A_740 : memref<16x4096xf32, #tpu.memory_space<vmem>>[vector<16xi32>, vector<16xi32>], vector<16xf32>, vector<16xi1>
    }
    %mul3A_379 = arith.constant 524288 : i32
    %mul3A_380 = arith.muli %add3A, %mul3A_379 : i32
    %add3A_381 = arith.constant 262144 : i32
    %add3A_382 = arith.addi %mul3A_380, %add3A_381 : i32
    %mul3A_383 = arith.constant 8 : i32
    %mul3A_384 = arith.muli %add3A, %mul3A_383 : i32
    %add3A_385 = arith.constant 4 : i32
    %add3A_386 = arith.addi %mul3A_384, %add3A_385 : i32
    %mul3A_387 = arith.constant 16 : i32
    %mul3A_388 = arith.muli %add3A_386, %mul3A_387 : i32
    %slice3A_389 = vector.extract_strided_slice %get3A_3 {offsets = [4], sizes = [1], strides = [1]} : vector<16xi32> to vector<1xi32>
    %squeeze3A_390 = vector.extract %slice3A_389[0] : i32 from vector<1xi32>
    %sub3A_391 = arith.subi %squeeze3A_390, %min3A_22 : i32
    %jit3A_392 = arith.constant 16 : i32
    %div3A_393 = arith.divsi %sub3A_391, %jit3A_392 : i32
    %sign3A_394 = arith.constant 0 : i32
    %sign3A_395 = arith.cmpi sgt, %sub3A_391, %sign3A_394 : i32
    %sign3A_396 = arith.extui %sign3A_395 : i1 to i32
    %sign3A_397 = arith.constant 0 : i32
    %sign3A_398 = arith.cmpi slt, %sub3A_391, %sign3A_397 : i32
    %sign3A_399 = arith.extui %sign3A_398 : i1 to i32
    %sign3A_400 = arith.subi %sign3A_396, %sign3A_399 : i32
    %sign3A_401 = arith.constant 0 : i32
    %sign3A_402 = arith.cmpi sgt, %jit3A_392, %sign3A_401 : i32
    %sign3A_403 = arith.extui %sign3A_402 : i1 to i32
    %sign3A_404 = arith.constant 0 : i32
    %sign3A_405 = arith.cmpi slt, %jit3A_392, %sign3A_404 : i32
    %sign3A_406 = arith.extui %sign3A_405 : i1 to i32
    %sign3A_407 = arith.subi %sign3A_403, %sign3A_406 : i32
    %ne3A_408 = arith.cmpi ne, %sign3A_400, %sign3A_407 : i32
    %rem3A_409 = arith.remsi %sub3A_391, %jit3A_392 : i32
    %ne3A_410 = arith.constant 0 : i32
    %ne3A_411 = arith.cmpi ne, %rem3A_409, %ne3A_410 : i32
    %and3A_412 = arith.andi %ne3A_408, %ne3A_411 : i1
    %sub3A_413 = arith.constant 1 : i32
    %sub3A_414 = arith.subi %div3A_393, %sub3A_413 : i32
    %select_n3A_415 = arith.select %and3A_412, %sub3A_414, %div3A_393 : i32
    %max3A_416 = arith.constant 0 : i32
    %max3A_417 = arith.maxsi %select_n3A_415, %max3A_416 : i32
    %slice3A_418 = vector.extract_strided_slice %get3A_3 {offsets = [5], sizes = [1], strides = [1]} : vector<16xi32> to vector<1xi32>
    %squeeze3A_419 = vector.extract %slice3A_418[0] : i32 from vector<1xi32>
    %sub3A_420 = arith.subi %squeeze3A_419, %min3A_22 : i32
    %add3A_421 = arith.constant 15 : i32
    %add3A_422 = arith.addi %sub3A_420, %add3A_421 : i32
    %jit3A_423 = arith.constant 16 : i32
    %div3A_424 = arith.divsi %add3A_422, %jit3A_423 : i32
    %sign3A_425 = arith.constant 0 : i32
    %sign3A_426 = arith.cmpi sgt, %add3A_422, %sign3A_425 : i32
    %sign3A_427 = arith.extui %sign3A_426 : i1 to i32
    %sign3A_428 = arith.constant 0 : i32
    %sign3A_429 = arith.cmpi slt, %add3A_422, %sign3A_428 : i32
    %sign3A_430 = arith.extui %sign3A_429 : i1 to i32
    %sign3A_431 = arith.subi %sign3A_427, %sign3A_430 : i32
    %sign3A_432 = arith.constant 0 : i32
    %sign3A_433 = arith.cmpi sgt, %jit3A_423, %sign3A_432 : i32
    %sign3A_434 = arith.extui %sign3A_433 : i1 to i32
    %sign3A_435 = arith.constant 0 : i32
    %sign3A_436 = arith.cmpi slt, %jit3A_423, %sign3A_435 : i32
    %sign3A_437 = arith.extui %sign3A_436 : i1 to i32
    %sign3A_438 = arith.subi %sign3A_434, %sign3A_437 : i32
    %ne3A_439 = arith.cmpi ne, %sign3A_431, %sign3A_438 : i32
    %rem3A_440 = arith.remsi %add3A_422, %jit3A_423 : i32
    %ne3A_441 = arith.constant 0 : i32
    %ne3A_442 = arith.cmpi ne, %rem3A_440, %ne3A_441 : i32
    %and3A_443 = arith.andi %ne3A_439, %ne3A_442 : i1
    %sub3A_444 = arith.constant 1 : i32
    %sub3A_445 = arith.subi %div3A_424, %sub3A_444 : i32
    %select_n3A_446 = arith.select %and3A_443, %sub3A_445, %div3A_424 : i32
    %min3A_447 = arith.constant 1024 : i32
    %min3A_448 = arith.minsi %select_n3A_446, %min3A_447 : i32
    %while3A_449 = arith.constant 0 : i32
    %while3A_450 = arith.subi %min3A_448, %max3A_417 : i32
    %while3A_451 = arith.addi %max3A_417, %while3A_450 : i32
    %while3A_452 = arith.constant 1 : i32
    %while3A_453 = arith.divsi %while3A_450, %while3A_452 : i32
    %while3A_454 = arith.muli %while3A_453, %while3A_452 : i32
    %while3A_455 = arith.addi %max3A_417, %while3A_454 : i32
    %while3A_456 = arith.constant 1 : i32
    scf.for %while3A_731 = %max3A_417 to %while3A_455 step %while3A_456  : i32 {
      %mul3A_732 = arith.constant 16 : i32
      %mul3A_733 = arith.muli %while3A_731, %mul3A_732 : i32
      %get3A_734 = arith.index_cast %mul3A_733 : i32 to index
      %get3A_735 = tpu.vector_load %arg6[%get3A_734] {strides = array<i32>} : memref<16384xi32, #tpu.memory_space<vmem>>, vector<16xi32>,
      %get3A_736 = arith.index_cast %mul3A_733 : i32 to index
      %get3A_737 = tpu.vector_load %arg7[%get3A_736] {strides = array<i32>} : memref<16384xf32, #tpu.memory_space<vmem>>, vector<16xf32>,
      %ge3A = vector.broadcast %add3A_382 : i32 to vector<16xi32>
      %ge3A_738 = arith.cmpi sge, %get3A_735, %ge3A : vector<16xi32>
      %add3A_739 = arith.constant 65536 : i32
      %add3A_740 = arith.addi %add3A_382, %add3A_739 : i32
      %lt3A = vector.broadcast %add3A_740 : i32 to vector<16xi32>
      %lt3A_741 = arith.cmpi slt, %get3A_735, %lt3A : vector<16xi32>
      %and3A_742 = arith.andi %ge3A_738, %lt3A_741 : vector<16xi1>
      %sub3A_743 = vector.broadcast %add3A_382 : i32 to vector<16xi32>
      %sub3A_744 = arith.subi %get3A_735, %sub3A_743 : vector<16xi32>
      %jit3A_745 = arith.constant 0 : i32
      %jit3A_746 = arith.constant 65535 : i32
      %max3A_747 = vector.broadcast %jit3A_745 : i32 to vector<16xi32>
      %max3A_748 = arith.maxsi %max3A_747, %sub3A_744 : vector<16xi32>
      %min3A_749 = vector.broadcast %jit3A_746 : i32 to vector<16xi32>
      %min3A_750 = arith.minsi %min3A_749, %max3A_748 : vector<16xi32>
      %shift_right_arithmetic3A = arith.constant 12 : i32
      %shift_right_arithmetic3A_751 = vector.broadcast %shift_right_arithmetic3A : i32 to vector<16xi32>
      %shift_right_arithmetic3A_752 = arith.shrsi %min3A_750, %shift_right_arithmetic3A_751 : vector<16xi32>
      %and3A_753 = arith.constant 4095 : i32
      %and3A_754 = vector.broadcast %and3A_753 : i32 to vector<16xi32>
      %and3A_755 = arith.andi %min3A_750, %and3A_754 : vector<16xi32>
      tpu.vector_store_idx %arg8[%shift_right_arithmetic3A_752, %and3A_755], %get3A_737 masked %and3A_742 : memref<16x4096xf32, #tpu.memory_space<vmem>>[vector<16xi32>, vector<16xi32>], vector<16xf32>, vector<16xi1>
    }
    %while3A_457 = arith.constant 1 : i32
    scf.for %while3A_731 = %while3A_455 to %while3A_451 step %while3A_457  : i32 {
      %mul3A_732 = arith.constant 16 : i32
      %mul3A_733 = arith.muli %while3A_731, %mul3A_732 : i32
      %get3A_734 = arith.index_cast %mul3A_733 : i32 to index
      %get3A_735 = tpu.vector_load %arg6[%get3A_734] {strides = array<i32>} : memref<16384xi32, #tpu.memory_space<vmem>>, vector<16xi32>,
      %get3A_736 = arith.index_cast %mul3A_733 : i32 to index
      %get3A_737 = tpu.vector_load %arg7[%get3A_736] {strides = array<i32>} : memref<16384xf32, #tpu.memory_space<vmem>>, vector<16xf32>,
      %ge3A = vector.broadcast %add3A_382 : i32 to vector<16xi32>
      %ge3A_738 = arith.cmpi sge, %get3A_735, %ge3A : vector<16xi32>
      %add3A_739 = arith.constant 65536 : i32
      %add3A_740 = arith.addi %add3A_382, %add3A_739 : i32
      %lt3A = vector.broadcast %add3A_740 : i32 to vector<16xi32>
      %lt3A_741 = arith.cmpi slt, %get3A_735, %lt3A : vector<16xi32>
      %and3A_742 = arith.andi %ge3A_738, %lt3A_741 : vector<16xi1>
      %sub3A_743 = vector.broadcast %add3A_382 : i32 to vector<16xi32>
      %sub3A_744 = arith.subi %get3A_735, %sub3A_743 : vector<16xi32>
      %jit3A_745 = arith.constant 0 : i32
      %jit3A_746 = arith.constant 65535 : i32
      %max3A_747 = vector.broadcast %jit3A_745 : i32 to vector<16xi32>
      %max3A_748 = arith.maxsi %max3A_747, %sub3A_744 : vector<16xi32>
      %min3A_749 = vector.broadcast %jit3A_746 : i32 to vector<16xi32>
      %min3A_750 = arith.minsi %min3A_749, %max3A_748 : vector<16xi32>
      %shift_right_arithmetic3A = arith.constant 12 : i32
      %shift_right_arithmetic3A_751 = vector.broadcast %shift_right_arithmetic3A : i32 to vector<16xi32>
      %shift_right_arithmetic3A_752 = arith.shrsi %min3A_750, %shift_right_arithmetic3A_751 : vector<16xi32>
      %and3A_753 = arith.constant 4095 : i32
      %and3A_754 = vector.broadcast %and3A_753 : i32 to vector<16xi32>
      %and3A_755 = arith.andi %min3A_750, %and3A_754 : vector<16xi32>
      tpu.vector_store_idx %arg8[%shift_right_arithmetic3A_752, %and3A_755], %get3A_737 masked %and3A_742 : memref<16x4096xf32, #tpu.memory_space<vmem>>[vector<16xi32>, vector<16xi32>], vector<16xf32>, vector<16xi1>
    }
    "tpu.region"() ({
      %run_scoped3A = tpu.sem_alloc : memref<!tpu.dma_semaphore, #tpu.memory_space<semaphore_mem>>
      %dma_start3A = arith.constant 0 : i32
      %dma_start3A_731 = tpu.memref_slice %arg5[%mul3A_388, %dma_start3A] : memref<4096x4096xf32, #tpu.memory_space<hbm>> -> memref<16x4096xf32, #tpu.memory_space<hbm>>
      %dma_start3A_732 = arith.constant 0 : i32
      %dma_start3A_733 = tpu.memref_slice %arg5[%mul3A_388, %dma_start3A_732] : memref<4096x4096xf32, #tpu.memory_space<hbm>> -> memref<16x4096xf32, #tpu.memory_space<hbm>>
      tpu.enqueue_dma source(%arg8 : memref<16x4096xf32, #tpu.memory_space<vmem>>) target(%dma_start3A_733 : memref<16x4096xf32, #tpu.memory_space<hbm>>) target_semaphore(%run_scoped3A : memref<!tpu.dma_semaphore, #tpu.memory_space<semaphore_mem>>)
      %dma_wait3A = arith.constant 0 : i32
      %dma_wait3A_734 = tpu.memref_slice %arg5[%mul3A_388, %dma_wait3A] : memref<4096x4096xf32, #tpu.memory_space<hbm>> -> memref<16x4096xf32, #tpu.memory_space<hbm>>
      %dma_wait3A_735 = arith.constant 0 : i32
      %dma_wait3A_736 = tpu.memref_slice %arg5[%mul3A_388, %dma_wait3A_735] : memref<4096x4096xf32, #tpu.memory_space<hbm>> -> memref<16x4096xf32, #tpu.memory_space<hbm>>
      tpu.wait_dma2 semaphore(%run_scoped3A : memref<!tpu.dma_semaphore, #tpu.memory_space<semaphore_mem>>) src(%arg8 : memref<16x4096xf32, #tpu.memory_space<vmem>>) dst(%dma_wait3A_736 : memref<16x4096xf32, #tpu.memory_space<hbm>>)
      tpu.yield
    }) : () -> ()
    %while3A_458 = arith.constant 0 : i32
    %while3A_459 = arith.subi %min3A_448, %max3A_417 : i32
    %while3A_460 = arith.addi %max3A_417, %while3A_459 : i32
    %while3A_461 = arith.constant 1 : i32
    %while3A_462 = arith.divsi %while3A_459, %while3A_461 : i32
    %while3A_463 = arith.muli %while3A_462, %while3A_461 : i32
    %while3A_464 = arith.addi %max3A_417, %while3A_463 : i32
    %while3A_465 = arith.constant 1 : i32
    scf.for %while3A_731 = %max3A_417 to %while3A_464 step %while3A_465  : i32 {
      %mul3A_732 = arith.constant 16 : i32
      %mul3A_733 = arith.muli %while3A_731, %mul3A_732 : i32
      %get3A_734 = arith.index_cast %mul3A_733 : i32 to index
      %get3A_735 = tpu.vector_load %arg6[%get3A_734] {strides = array<i32>} : memref<16384xi32, #tpu.memory_space<vmem>>, vector<16xi32>,
      %ge3A = vector.broadcast %add3A_382 : i32 to vector<16xi32>
      %ge3A_736 = arith.cmpi sge, %get3A_735, %ge3A : vector<16xi32>
      %add3A_737 = arith.constant 65536 : i32
      %add3A_738 = arith.addi %add3A_382, %add3A_737 : i32
      %lt3A = vector.broadcast %add3A_738 : i32 to vector<16xi32>
      %lt3A_739 = arith.cmpi slt, %get3A_735, %lt3A : vector<16xi32>
      %and3A_740 = arith.andi %ge3A_736, %lt3A_739 : vector<16xi1>
      %sub3A_741 = vector.broadcast %add3A_382 : i32 to vector<16xi32>
      %sub3A_742 = arith.subi %get3A_735, %sub3A_741 : vector<16xi32>
      %jit3A_743 = arith.constant 0 : i32
      %jit3A_744 = arith.constant 65535 : i32
      %max3A_745 = vector.broadcast %jit3A_743 : i32 to vector<16xi32>
      %max3A_746 = arith.maxsi %max3A_745, %sub3A_742 : vector<16xi32>
      %min3A_747 = vector.broadcast %jit3A_744 : i32 to vector<16xi32>
      %min3A_748 = arith.minsi %min3A_747, %max3A_746 : vector<16xi32>
      %shift_right_arithmetic3A = arith.constant 12 : i32
      %shift_right_arithmetic3A_749 = vector.broadcast %shift_right_arithmetic3A : i32 to vector<16xi32>
      %shift_right_arithmetic3A_750 = arith.shrsi %min3A_748, %shift_right_arithmetic3A_749 : vector<16xi32>
      %and3A_751 = arith.constant 4095 : i32
      %and3A_752 = vector.broadcast %and3A_751 : i32 to vector<16xi32>
      %and3A_753 = arith.andi %min3A_748, %and3A_752 : vector<16xi32>
      tpu.vector_store_idx %arg8[%shift_right_arithmetic3A_750, %and3A_753], %broadcast_in_dim3A_23 masked %and3A_740 : memref<16x4096xf32, #tpu.memory_space<vmem>>[vector<16xi32>, vector<16xi32>], vector<16xf32>, vector<16xi1>
    }
    %while3A_466 = arith.constant 1 : i32
    scf.for %while3A_731 = %while3A_464 to %while3A_460 step %while3A_466  : i32 {
      %mul3A_732 = arith.constant 16 : i32
      %mul3A_733 = arith.muli %while3A_731, %mul3A_732 : i32
      %get3A_734 = arith.index_cast %mul3A_733 : i32 to index
      %get3A_735 = tpu.vector_load %arg6[%get3A_734] {strides = array<i32>} : memref<16384xi32, #tpu.memory_space<vmem>>, vector<16xi32>,
      %ge3A = vector.broadcast %add3A_382 : i32 to vector<16xi32>
      %ge3A_736 = arith.cmpi sge, %get3A_735, %ge3A : vector<16xi32>
      %add3A_737 = arith.constant 65536 : i32
      %add3A_738 = arith.addi %add3A_382, %add3A_737 : i32
      %lt3A = vector.broadcast %add3A_738 : i32 to vector<16xi32>
      %lt3A_739 = arith.cmpi slt, %get3A_735, %lt3A : vector<16xi32>
      %and3A_740 = arith.andi %ge3A_736, %lt3A_739 : vector<16xi1>
      %sub3A_741 = vector.broadcast %add3A_382 : i32 to vector<16xi32>
      %sub3A_742 = arith.subi %get3A_735, %sub3A_741 : vector<16xi32>
      %jit3A_743 = arith.constant 0 : i32
      %jit3A_744 = arith.constant 65535 : i32
      %max3A_745 = vector.broadcast %jit3A_743 : i32 to vector<16xi32>
      %max3A_746 = arith.maxsi %max3A_745, %sub3A_742 : vector<16xi32>
      %min3A_747 = vector.broadcast %jit3A_744 : i32 to vector<16xi32>
      %min3A_748 = arith.minsi %min3A_747, %max3A_746 : vector<16xi32>
      %shift_right_arithmetic3A = arith.constant 12 : i32
      %shift_right_arithmetic3A_749 = vector.broadcast %shift_right_arithmetic3A : i32 to vector<16xi32>
      %shift_right_arithmetic3A_750 = arith.shrsi %min3A_748, %shift_right_arithmetic3A_749 : vector<16xi32>
      %and3A_751 = arith.constant 4095 : i32
      %and3A_752 = vector.broadcast %and3A_751 : i32 to vector<16xi32>
      %and3A_753 = arith.andi %min3A_748, %and3A_752 : vector<16xi32>
      tpu.vector_store_idx %arg8[%shift_right_arithmetic3A_750, %and3A_753], %broadcast_in_dim3A_23 masked %and3A_740 : memref<16x4096xf32, #tpu.memory_space<vmem>>[vector<16xi32>, vector<16xi32>], vector<16xf32>, vector<16xi1>
    }
    %mul3A_467 = arith.constant 524288 : i32
    %mul3A_468 = arith.muli %add3A, %mul3A_467 : i32
    %add3A_469 = arith.constant 327680 : i32
    %add3A_470 = arith.addi %mul3A_468, %add3A_469 : i32
    %mul3A_471 = arith.constant 8 : i32
    %mul3A_472 = arith.muli %add3A, %mul3A_471 : i32
    %add3A_473 = arith.constant 5 : i32
    %add3A_474 = arith.addi %mul3A_472, %add3A_473 : i32
    %mul3A_475 = arith.constant 16 : i32
    %mul3A_476 = arith.muli %add3A_474, %mul3A_475 : i32
    %slice3A_477 = vector.extract_strided_slice %get3A_3 {offsets = [5], sizes = [1], strides = [1]} : vector<16xi32> to vector<1xi32>
    %squeeze3A_478 = vector.extract %slice3A_477[0] : i32 from vector<1xi32>
    %sub3A_479 = arith.subi %squeeze3A_478, %min3A_22 : i32
    %jit3A_480 = arith.constant 16 : i32
    %div3A_481 = arith.divsi %sub3A_479, %jit3A_480 : i32
    %sign3A_482 = arith.constant 0 : i32
    %sign3A_483 = arith.cmpi sgt, %sub3A_479, %sign3A_482 : i32
    %sign3A_484 = arith.extui %sign3A_483 : i1 to i32
    %sign3A_485 = arith.constant 0 : i32
    %sign3A_486 = arith.cmpi slt, %sub3A_479, %sign3A_485 : i32
    %sign3A_487 = arith.extui %sign3A_486 : i1 to i32
    %sign3A_488 = arith.subi %sign3A_484, %sign3A_487 : i32
    %sign3A_489 = arith.constant 0 : i32
    %sign3A_490 = arith.cmpi sgt, %jit3A_480, %sign3A_489 : i32
    %sign3A_491 = arith.extui %sign3A_490 : i1 to i32
    %sign3A_492 = arith.constant 0 : i32
    %sign3A_493 = arith.cmpi slt, %jit3A_480, %sign3A_492 : i32
    %sign3A_494 = arith.extui %sign3A_493 : i1 to i32
    %sign3A_495 = arith.subi %sign3A_491, %sign3A_494 : i32
    %ne3A_496 = arith.cmpi ne, %sign3A_488, %sign3A_495 : i32
    %rem3A_497 = arith.remsi %sub3A_479, %jit3A_480 : i32
    %ne3A_498 = arith.constant 0 : i32
    %ne3A_499 = arith.cmpi ne, %rem3A_497, %ne3A_498 : i32
    %and3A_500 = arith.andi %ne3A_496, %ne3A_499 : i1
    %sub3A_501 = arith.constant 1 : i32
    %sub3A_502 = arith.subi %div3A_481, %sub3A_501 : i32
    %select_n3A_503 = arith.select %and3A_500, %sub3A_502, %div3A_481 : i32
    %max3A_504 = arith.constant 0 : i32
    %max3A_505 = arith.maxsi %select_n3A_503, %max3A_504 : i32
    %slice3A_506 = vector.extract_strided_slice %get3A_3 {offsets = [6], sizes = [1], strides = [1]} : vector<16xi32> to vector<1xi32>
    %squeeze3A_507 = vector.extract %slice3A_506[0] : i32 from vector<1xi32>
    %sub3A_508 = arith.subi %squeeze3A_507, %min3A_22 : i32
    %add3A_509 = arith.constant 15 : i32
    %add3A_510 = arith.addi %sub3A_508, %add3A_509 : i32
    %jit3A_511 = arith.constant 16 : i32
    %div3A_512 = arith.divsi %add3A_510, %jit3A_511 : i32
    %sign3A_513 = arith.constant 0 : i32
    %sign3A_514 = arith.cmpi sgt, %add3A_510, %sign3A_513 : i32
    %sign3A_515 = arith.extui %sign3A_514 : i1 to i32
    %sign3A_516 = arith.constant 0 : i32
    %sign3A_517 = arith.cmpi slt, %add3A_510, %sign3A_516 : i32
    %sign3A_518 = arith.extui %sign3A_517 : i1 to i32
    %sign3A_519 = arith.subi %sign3A_515, %sign3A_518 : i32
    %sign3A_520 = arith.constant 0 : i32
    %sign3A_521 = arith.cmpi sgt, %jit3A_511, %sign3A_520 : i32
    %sign3A_522 = arith.extui %sign3A_521 : i1 to i32
    %sign3A_523 = arith.constant 0 : i32
    %sign3A_524 = arith.cmpi slt, %jit3A_511, %sign3A_523 : i32
    %sign3A_525 = arith.extui %sign3A_524 : i1 to i32
    %sign3A_526 = arith.subi %sign3A_522, %sign3A_525 : i32
    %ne3A_527 = arith.cmpi ne, %sign3A_519, %sign3A_526 : i32
    %rem3A_528 = arith.remsi %add3A_510, %jit3A_511 : i32
    %ne3A_529 = arith.constant 0 : i32
    %ne3A_530 = arith.cmpi ne, %rem3A_528, %ne3A_529 : i32
    %and3A_531 = arith.andi %ne3A_527, %ne3A_530 : i1
    %sub3A_532 = arith.constant 1 : i32
    %sub3A_533 = arith.subi %div3A_512, %sub3A_532 : i32
    %select_n3A_534 = arith.select %and3A_531, %sub3A_533, %div3A_512 : i32
    %min3A_535 = arith.constant 1024 : i32
    %min3A_536 = arith.minsi %select_n3A_534, %min3A_535 : i32
    %while3A_537 = arith.constant 0 : i32
    %while3A_538 = arith.subi %min3A_536, %max3A_505 : i32
    %while3A_539 = arith.addi %max3A_505, %while3A_538 : i32
    %while3A_540 = arith.constant 1 : i32
    %while3A_541 = arith.divsi %while3A_538, %while3A_540 : i32
    %while3A_542 = arith.muli %while3A_541, %while3A_540 : i32
    %while3A_543 = arith.addi %max3A_505, %while3A_542 : i32
    %while3A_544 = arith.constant 1 : i32
    scf.for %while3A_731 = %max3A_505 to %while3A_543 step %while3A_544  : i32 {
      %mul3A_732 = arith.constant 16 : i32
      %mul3A_733 = arith.muli %while3A_731, %mul3A_732 : i32
      %get3A_734 = arith.index_cast %mul3A_733 : i32 to index
      %get3A_735 = tpu.vector_load %arg6[%get3A_734] {strides = array<i32>} : memref<16384xi32, #tpu.memory_space<vmem>>, vector<16xi32>,
      %get3A_736 = arith.index_cast %mul3A_733 : i32 to index
      %get3A_737 = tpu.vector_load %arg7[%get3A_736] {strides = array<i32>} : memref<16384xf32, #tpu.memory_space<vmem>>, vector<16xf32>,
      %ge3A = vector.broadcast %add3A_470 : i32 to vector<16xi32>
      %ge3A_738 = arith.cmpi sge, %get3A_735, %ge3A : vector<16xi32>
      %add3A_739 = arith.constant 65536 : i32
      %add3A_740 = arith.addi %add3A_470, %add3A_739 : i32
      %lt3A = vector.broadcast %add3A_740 : i32 to vector<16xi32>
      %lt3A_741 = arith.cmpi slt, %get3A_735, %lt3A : vector<16xi32>
      %and3A_742 = arith.andi %ge3A_738, %lt3A_741 : vector<16xi1>
      %sub3A_743 = vector.broadcast %add3A_470 : i32 to vector<16xi32>
      %sub3A_744 = arith.subi %get3A_735, %sub3A_743 : vector<16xi32>
      %jit3A_745 = arith.constant 0 : i32
      %jit3A_746 = arith.constant 65535 : i32
      %max3A_747 = vector.broadcast %jit3A_745 : i32 to vector<16xi32>
      %max3A_748 = arith.maxsi %max3A_747, %sub3A_744 : vector<16xi32>
      %min3A_749 = vector.broadcast %jit3A_746 : i32 to vector<16xi32>
      %min3A_750 = arith.minsi %min3A_749, %max3A_748 : vector<16xi32>
      %shift_right_arithmetic3A = arith.constant 12 : i32
      %shift_right_arithmetic3A_751 = vector.broadcast %shift_right_arithmetic3A : i32 to vector<16xi32>
      %shift_right_arithmetic3A_752 = arith.shrsi %min3A_750, %shift_right_arithmetic3A_751 : vector<16xi32>
      %and3A_753 = arith.constant 4095 : i32
      %and3A_754 = vector.broadcast %and3A_753 : i32 to vector<16xi32>
      %and3A_755 = arith.andi %min3A_750, %and3A_754 : vector<16xi32>
      tpu.vector_store_idx %arg8[%shift_right_arithmetic3A_752, %and3A_755], %get3A_737 masked %and3A_742 : memref<16x4096xf32, #tpu.memory_space<vmem>>[vector<16xi32>, vector<16xi32>], vector<16xf32>, vector<16xi1>
    }
    %while3A_545 = arith.constant 1 : i32
    scf.for %while3A_731 = %while3A_543 to %while3A_539 step %while3A_545  : i32 {
      %mul3A_732 = arith.constant 16 : i32
      %mul3A_733 = arith.muli %while3A_731, %mul3A_732 : i32
      %get3A_734 = arith.index_cast %mul3A_733 : i32 to index
      %get3A_735 = tpu.vector_load %arg6[%get3A_734] {strides = array<i32>} : memref<16384xi32, #tpu.memory_space<vmem>>, vector<16xi32>,
      %get3A_736 = arith.index_cast %mul3A_733 : i32 to index
      %get3A_737 = tpu.vector_load %arg7[%get3A_736] {strides = array<i32>} : memref<16384xf32, #tpu.memory_space<vmem>>, vector<16xf32>,
      %ge3A = vector.broadcast %add3A_470 : i32 to vector<16xi32>
      %ge3A_738 = arith.cmpi sge, %get3A_735, %ge3A : vector<16xi32>
      %add3A_739 = arith.constant 65536 : i32
      %add3A_740 = arith.addi %add3A_470, %add3A_739 : i32
      %lt3A = vector.broadcast %add3A_740 : i32 to vector<16xi32>
      %lt3A_741 = arith.cmpi slt, %get3A_735, %lt3A : vector<16xi32>
      %and3A_742 = arith.andi %ge3A_738, %lt3A_741 : vector<16xi1>
      %sub3A_743 = vector.broadcast %add3A_470 : i32 to vector<16xi32>
      %sub3A_744 = arith.subi %get3A_735, %sub3A_743 : vector<16xi32>
      %jit3A_745 = arith.constant 0 : i32
      %jit3A_746 = arith.constant 65535 : i32
      %max3A_747 = vector.broadcast %jit3A_745 : i32 to vector<16xi32>
      %max3A_748 = arith.maxsi %max3A_747, %sub3A_744 : vector<16xi32>
      %min3A_749 = vector.broadcast %jit3A_746 : i32 to vector<16xi32>
      %min3A_750 = arith.minsi %min3A_749, %max3A_748 : vector<16xi32>
      %shift_right_arithmetic3A = arith.constant 12 : i32
      %shift_right_arithmetic3A_751 = vector.broadcast %shift_right_arithmetic3A : i32 to vector<16xi32>
      %shift_right_arithmetic3A_752 = arith.shrsi %min3A_750, %shift_right_arithmetic3A_751 : vector<16xi32>
      %and3A_753 = arith.constant 4095 : i32
      %and3A_754 = vector.broadcast %and3A_753 : i32 to vector<16xi32>
      %and3A_755 = arith.andi %min3A_750, %and3A_754 : vector<16xi32>
      tpu.vector_store_idx %arg8[%shift_right_arithmetic3A_752, %and3A_755], %get3A_737 masked %and3A_742 : memref<16x4096xf32, #tpu.memory_space<vmem>>[vector<16xi32>, vector<16xi32>], vector<16xf32>, vector<16xi1>
    }
    "tpu.region"() ({
      %run_scoped3A = tpu.sem_alloc : memref<!tpu.dma_semaphore, #tpu.memory_space<semaphore_mem>>
      %dma_start3A = arith.constant 0 : i32
      %dma_start3A_731 = tpu.memref_slice %arg5[%mul3A_476, %dma_start3A] : memref<4096x4096xf32, #tpu.memory_space<hbm>> -> memref<16x4096xf32, #tpu.memory_space<hbm>>
      %dma_start3A_732 = arith.constant 0 : i32
      %dma_start3A_733 = tpu.memref_slice %arg5[%mul3A_476, %dma_start3A_732] : memref<4096x4096xf32, #tpu.memory_space<hbm>> -> memref<16x4096xf32, #tpu.memory_space<hbm>>
      tpu.enqueue_dma source(%arg8 : memref<16x4096xf32, #tpu.memory_space<vmem>>) target(%dma_start3A_733 : memref<16x4096xf32, #tpu.memory_space<hbm>>) target_semaphore(%run_scoped3A : memref<!tpu.dma_semaphore, #tpu.memory_space<semaphore_mem>>)
      %dma_wait3A = arith.constant 0 : i32
      %dma_wait3A_734 = tpu.memref_slice %arg5[%mul3A_476, %dma_wait3A] : memref<4096x4096xf32, #tpu.memory_space<hbm>> -> memref<16x4096xf32, #tpu.memory_space<hbm>>
      %dma_wait3A_735 = arith.constant 0 : i32
      %dma_wait3A_736 = tpu.memref_slice %arg5[%mul3A_476, %dma_wait3A_735] : memref<4096x4096xf32, #tpu.memory_space<hbm>> -> memref<16x4096xf32, #tpu.memory_space<hbm>>
      tpu.wait_dma2 semaphore(%run_scoped3A : memref<!tpu.dma_semaphore, #tpu.memory_space<semaphore_mem>>) src(%arg8 : memref<16x4096xf32, #tpu.memory_space<vmem>>) dst(%dma_wait3A_736 : memref<16x4096xf32, #tpu.memory_space<hbm>>)
      tpu.yield
    }) : () -> ()
    %while3A_546 = arith.constant 0 : i32
    %while3A_547 = arith.subi %min3A_536, %max3A_505 : i32
    %while3A_548 = arith.addi %max3A_505, %while3A_547 : i32
    %while3A_549 = arith.constant 1 : i32
    %while3A_550 = arith.divsi %while3A_547, %while3A_549 : i32
    %while3A_551 = arith.muli %while3A_550, %while3A_549 : i32
    %while3A_552 = arith.addi %max3A_505, %while3A_551 : i32
    %while3A_553 = arith.constant 1 : i32
    scf.for %while3A_731 = %max3A_505 to %while3A_552 step %while3A_553  : i32 {
      %mul3A_732 = arith.constant 16 : i32
      %mul3A_733 = arith.muli %while3A_731, %mul3A_732 : i32
      %get3A_734 = arith.index_cast %mul3A_733 : i32 to index
      %get3A_735 = tpu.vector_load %arg6[%get3A_734] {strides = array<i32>} : memref<16384xi32, #tpu.memory_space<vmem>>, vector<16xi32>,
      %ge3A = vector.broadcast %add3A_470 : i32 to vector<16xi32>
      %ge3A_736 = arith.cmpi sge, %get3A_735, %ge3A : vector<16xi32>
      %add3A_737 = arith.constant 65536 : i32
      %add3A_738 = arith.addi %add3A_470, %add3A_737 : i32
      %lt3A = vector.broadcast %add3A_738 : i32 to vector<16xi32>
      %lt3A_739 = arith.cmpi slt, %get3A_735, %lt3A : vector<16xi32>
      %and3A_740 = arith.andi %ge3A_736, %lt3A_739 : vector<16xi1>
      %sub3A_741 = vector.broadcast %add3A_470 : i32 to vector<16xi32>
      %sub3A_742 = arith.subi %get3A_735, %sub3A_741 : vector<16xi32>
      %jit3A_743 = arith.constant 0 : i32
      %jit3A_744 = arith.constant 65535 : i32
      %max3A_745 = vector.broadcast %jit3A_743 : i32 to vector<16xi32>
      %max3A_746 = arith.maxsi %max3A_745, %sub3A_742 : vector<16xi32>
      %min3A_747 = vector.broadcast %jit3A_744 : i32 to vector<16xi32>
      %min3A_748 = arith.minsi %min3A_747, %max3A_746 : vector<16xi32>
      %shift_right_arithmetic3A = arith.constant 12 : i32
      %shift_right_arithmetic3A_749 = vector.broadcast %shift_right_arithmetic3A : i32 to vector<16xi32>
      %shift_right_arithmetic3A_750 = arith.shrsi %min3A_748, %shift_right_arithmetic3A_749 : vector<16xi32>
      %and3A_751 = arith.constant 4095 : i32
      %and3A_752 = vector.broadcast %and3A_751 : i32 to vector<16xi32>
      %and3A_753 = arith.andi %min3A_748, %and3A_752 : vector<16xi32>
      tpu.vector_store_idx %arg8[%shift_right_arithmetic3A_750, %and3A_753], %broadcast_in_dim3A_23 masked %and3A_740 : memref<16x4096xf32, #tpu.memory_space<vmem>>[vector<16xi32>, vector<16xi32>], vector<16xf32>, vector<16xi1>
    }
    %while3A_554 = arith.constant 1 : i32
    scf.for %while3A_731 = %while3A_552 to %while3A_548 step %while3A_554  : i32 {
      %mul3A_732 = arith.constant 16 : i32
      %mul3A_733 = arith.muli %while3A_731, %mul3A_732 : i32
      %get3A_734 = arith.index_cast %mul3A_733 : i32 to index
      %get3A_735 = tpu.vector_load %arg6[%get3A_734] {strides = array<i32>} : memref<16384xi32, #tpu.memory_space<vmem>>, vector<16xi32>,
      %ge3A = vector.broadcast %add3A_470 : i32 to vector<16xi32>
      %ge3A_736 = arith.cmpi sge, %get3A_735, %ge3A : vector<16xi32>
      %add3A_737 = arith.constant 65536 : i32
      %add3A_738 = arith.addi %add3A_470, %add3A_737 : i32
      %lt3A = vector.broadcast %add3A_738 : i32 to vector<16xi32>
      %lt3A_739 = arith.cmpi slt, %get3A_735, %lt3A : vector<16xi32>
      %and3A_740 = arith.andi %ge3A_736, %lt3A_739 : vector<16xi1>
      %sub3A_741 = vector.broadcast %add3A_470 : i32 to vector<16xi32>
      %sub3A_742 = arith.subi %get3A_735, %sub3A_741 : vector<16xi32>
      %jit3A_743 = arith.constant 0 : i32
      %jit3A_744 = arith.constant 65535 : i32
      %max3A_745 = vector.broadcast %jit3A_743 : i32 to vector<16xi32>
      %max3A_746 = arith.maxsi %max3A_745, %sub3A_742 : vector<16xi32>
      %min3A_747 = vector.broadcast %jit3A_744 : i32 to vector<16xi32>
      %min3A_748 = arith.minsi %min3A_747, %max3A_746 : vector<16xi32>
      %shift_right_arithmetic3A = arith.constant 12 : i32
      %shift_right_arithmetic3A_749 = vector.broadcast %shift_right_arithmetic3A : i32 to vector<16xi32>
      %shift_right_arithmetic3A_750 = arith.shrsi %min3A_748, %shift_right_arithmetic3A_749 : vector<16xi32>
      %and3A_751 = arith.constant 4095 : i32
      %and3A_752 = vector.broadcast %and3A_751 : i32 to vector<16xi32>
      %and3A_753 = arith.andi %min3A_748, %and3A_752 : vector<16xi32>
      tpu.vector_store_idx %arg8[%shift_right_arithmetic3A_750, %and3A_753], %broadcast_in_dim3A_23 masked %and3A_740 : memref<16x4096xf32, #tpu.memory_space<vmem>>[vector<16xi32>, vector<16xi32>], vector<16xf32>, vector<16xi1>
    }
    %mul3A_555 = arith.constant 524288 : i32
    %mul3A_556 = arith.muli %add3A, %mul3A_555 : i32
    %add3A_557 = arith.constant 393216 : i32
    %add3A_558 = arith.addi %mul3A_556, %add3A_557 : i32
    %mul3A_559 = arith.constant 8 : i32
    %mul3A_560 = arith.muli %add3A, %mul3A_559 : i32
    %add3A_561 = arith.constant 6 : i32
    %add3A_562 = arith.addi %mul3A_560, %add3A_561 : i32
    %mul3A_563 = arith.constant 16 : i32
    %mul3A_564 = arith.muli %add3A_562, %mul3A_563 : i32
    %slice3A_565 = vector.extract_strided_slice %get3A_3 {offsets = [6], sizes = [1], strides = [1]} : vector<16xi32> to vector<1xi32>
    %squeeze3A_566 = vector.extract %slice3A_565[0] : i32 from vector<1xi32>
    %sub3A_567 = arith.subi %squeeze3A_566, %min3A_22 : i32
    %jit3A_568 = arith.constant 16 : i32
    %div3A_569 = arith.divsi %sub3A_567, %jit3A_568 : i32
    %sign3A_570 = arith.constant 0 : i32
    %sign3A_571 = arith.cmpi sgt, %sub3A_567, %sign3A_570 : i32
    %sign3A_572 = arith.extui %sign3A_571 : i1 to i32
    %sign3A_573 = arith.constant 0 : i32
    %sign3A_574 = arith.cmpi slt, %sub3A_567, %sign3A_573 : i32
    %sign3A_575 = arith.extui %sign3A_574 : i1 to i32
    %sign3A_576 = arith.subi %sign3A_572, %sign3A_575 : i32
    %sign3A_577 = arith.constant 0 : i32
    %sign3A_578 = arith.cmpi sgt, %jit3A_568, %sign3A_577 : i32
    %sign3A_579 = arith.extui %sign3A_578 : i1 to i32
    %sign3A_580 = arith.constant 0 : i32
    %sign3A_581 = arith.cmpi slt, %jit3A_568, %sign3A_580 : i32
    %sign3A_582 = arith.extui %sign3A_581 : i1 to i32
    %sign3A_583 = arith.subi %sign3A_579, %sign3A_582 : i32
    %ne3A_584 = arith.cmpi ne, %sign3A_576, %sign3A_583 : i32
    %rem3A_585 = arith.remsi %sub3A_567, %jit3A_568 : i32
    %ne3A_586 = arith.constant 0 : i32
    %ne3A_587 = arith.cmpi ne, %rem3A_585, %ne3A_586 : i32
    %and3A_588 = arith.andi %ne3A_584, %ne3A_587 : i1
    %sub3A_589 = arith.constant 1 : i32
    %sub3A_590 = arith.subi %div3A_569, %sub3A_589 : i32
    %select_n3A_591 = arith.select %and3A_588, %sub3A_590, %div3A_569 : i32
    %max3A_592 = arith.constant 0 : i32
    %max3A_593 = arith.maxsi %select_n3A_591, %max3A_592 : i32
    %slice3A_594 = vector.extract_strided_slice %get3A_3 {offsets = [7], sizes = [1], strides = [1]} : vector<16xi32> to vector<1xi32>
    %squeeze3A_595 = vector.extract %slice3A_594[0] : i32 from vector<1xi32>
    %sub3A_596 = arith.subi %squeeze3A_595, %min3A_22 : i32
    %add3A_597 = arith.constant 15 : i32
    %add3A_598 = arith.addi %sub3A_596, %add3A_597 : i32
    %jit3A_599 = arith.constant 16 : i32
    %div3A_600 = arith.divsi %add3A_598, %jit3A_599 : i32
    %sign3A_601 = arith.constant 0 : i32
    %sign3A_602 = arith.cmpi sgt, %add3A_598, %sign3A_601 : i32
    %sign3A_603 = arith.extui %sign3A_602 : i1 to i32
    %sign3A_604 = arith.constant 0 : i32
    %sign3A_605 = arith.cmpi slt, %add3A_598, %sign3A_604 : i32
    %sign3A_606 = arith.extui %sign3A_605 : i1 to i32
    %sign3A_607 = arith.subi %sign3A_603, %sign3A_606 : i32
    %sign3A_608 = arith.constant 0 : i32
    %sign3A_609 = arith.cmpi sgt, %jit3A_599, %sign3A_608 : i32
    %sign3A_610 = arith.extui %sign3A_609 : i1 to i32
    %sign3A_611 = arith.constant 0 : i32
    %sign3A_612 = arith.cmpi slt, %jit3A_599, %sign3A_611 : i32
    %sign3A_613 = arith.extui %sign3A_612 : i1 to i32
    %sign3A_614 = arith.subi %sign3A_610, %sign3A_613 : i32
    %ne3A_615 = arith.cmpi ne, %sign3A_607, %sign3A_614 : i32
    %rem3A_616 = arith.remsi %add3A_598, %jit3A_599 : i32
    %ne3A_617 = arith.constant 0 : i32
    %ne3A_618 = arith.cmpi ne, %rem3A_616, %ne3A_617 : i32
    %and3A_619 = arith.andi %ne3A_615, %ne3A_618 : i1
    %sub3A_620 = arith.constant 1 : i32
    %sub3A_621 = arith.subi %div3A_600, %sub3A_620 : i32
    %select_n3A_622 = arith.select %and3A_619, %sub3A_621, %div3A_600 : i32
    %min3A_623 = arith.constant 1024 : i32
    %min3A_624 = arith.minsi %select_n3A_622, %min3A_623 : i32
    %while3A_625 = arith.constant 0 : i32
    %while3A_626 = arith.subi %min3A_624, %max3A_593 : i32
    %while3A_627 = arith.addi %max3A_593, %while3A_626 : i32
    %while3A_628 = arith.constant 1 : i32
    %while3A_629 = arith.divsi %while3A_626, %while3A_628 : i32
    %while3A_630 = arith.muli %while3A_629, %while3A_628 : i32
    %while3A_631 = arith.addi %max3A_593, %while3A_630 : i32
    %while3A_632 = arith.constant 1 : i32
    scf.for %while3A_731 = %max3A_593 to %while3A_631 step %while3A_632  : i32 {
      %mul3A_732 = arith.constant 16 : i32
      %mul3A_733 = arith.muli %while3A_731, %mul3A_732 : i32
      %get3A_734 = arith.index_cast %mul3A_733 : i32 to index
      %get3A_735 = tpu.vector_load %arg6[%get3A_734] {strides = array<i32>} : memref<16384xi32, #tpu.memory_space<vmem>>, vector<16xi32>,
      %get3A_736 = arith.index_cast %mul3A_733 : i32 to index
      %get3A_737 = tpu.vector_load %arg7[%get3A_736] {strides = array<i32>} : memref<16384xf32, #tpu.memory_space<vmem>>, vector<16xf32>,
      %ge3A = vector.broadcast %add3A_558 : i32 to vector<16xi32>
      %ge3A_738 = arith.cmpi sge, %get3A_735, %ge3A : vector<16xi32>
      %add3A_739 = arith.constant 65536 : i32
      %add3A_740 = arith.addi %add3A_558, %add3A_739 : i32
      %lt3A = vector.broadcast %add3A_740 : i32 to vector<16xi32>
      %lt3A_741 = arith.cmpi slt, %get3A_735, %lt3A : vector<16xi32>
      %and3A_742 = arith.andi %ge3A_738, %lt3A_741 : vector<16xi1>
      %sub3A_743 = vector.broadcast %add3A_558 : i32 to vector<16xi32>
      %sub3A_744 = arith.subi %get3A_735, %sub3A_743 : vector<16xi32>
      %jit3A_745 = arith.constant 0 : i32
      %jit3A_746 = arith.constant 65535 : i32
      %max3A_747 = vector.broadcast %jit3A_745 : i32 to vector<16xi32>
      %max3A_748 = arith.maxsi %max3A_747, %sub3A_744 : vector<16xi32>
      %min3A_749 = vector.broadcast %jit3A_746 : i32 to vector<16xi32>
      %min3A_750 = arith.minsi %min3A_749, %max3A_748 : vector<16xi32>
      %shift_right_arithmetic3A = arith.constant 12 : i32
      %shift_right_arithmetic3A_751 = vector.broadcast %shift_right_arithmetic3A : i32 to vector<16xi32>
      %shift_right_arithmetic3A_752 = arith.shrsi %min3A_750, %shift_right_arithmetic3A_751 : vector<16xi32>
      %and3A_753 = arith.constant 4095 : i32
      %and3A_754 = vector.broadcast %and3A_753 : i32 to vector<16xi32>
      %and3A_755 = arith.andi %min3A_750, %and3A_754 : vector<16xi32>
      tpu.vector_store_idx %arg8[%shift_right_arithmetic3A_752, %and3A_755], %get3A_737 masked %and3A_742 : memref<16x4096xf32, #tpu.memory_space<vmem>>[vector<16xi32>, vector<16xi32>], vector<16xf32>, vector<16xi1>
    }
    %while3A_633 = arith.constant 1 : i32
    scf.for %while3A_731 = %while3A_631 to %while3A_627 step %while3A_633  : i32 {
      %mul3A_732 = arith.constant 16 : i32
      %mul3A_733 = arith.muli %while3A_731, %mul3A_732 : i32
      %get3A_734 = arith.index_cast %mul3A_733 : i32 to index
      %get3A_735 = tpu.vector_load %arg6[%get3A_734] {strides = array<i32>} : memref<16384xi32, #tpu.memory_space<vmem>>, vector<16xi32>,
      %get3A_736 = arith.index_cast %mul3A_733 : i32 to index
      %get3A_737 = tpu.vector_load %arg7[%get3A_736] {strides = array<i32>} : memref<16384xf32, #tpu.memory_space<vmem>>, vector<16xf32>,
      %ge3A = vector.broadcast %add3A_558 : i32 to vector<16xi32>
      %ge3A_738 = arith.cmpi sge, %get3A_735, %ge3A : vector<16xi32>
      %add3A_739 = arith.constant 65536 : i32
      %add3A_740 = arith.addi %add3A_558, %add3A_739 : i32
      %lt3A = vector.broadcast %add3A_740 : i32 to vector<16xi32>
      %lt3A_741 = arith.cmpi slt, %get3A_735, %lt3A : vector<16xi32>
      %and3A_742 = arith.andi %ge3A_738, %lt3A_741 : vector<16xi1>
      %sub3A_743 = vector.broadcast %add3A_558 : i32 to vector<16xi32>
      %sub3A_744 = arith.subi %get3A_735, %sub3A_743 : vector<16xi32>
      %jit3A_745 = arith.constant 0 : i32
      %jit3A_746 = arith.constant 65535 : i32
      %max3A_747 = vector.broadcast %jit3A_745 : i32 to vector<16xi32>
      %max3A_748 = arith.maxsi %max3A_747, %sub3A_744 : vector<16xi32>
      %min3A_749 = vector.broadcast %jit3A_746 : i32 to vector<16xi32>
      %min3A_750 = arith.minsi %min3A_749, %max3A_748 : vector<16xi32>
      %shift_right_arithmetic3A = arith.constant 12 : i32
      %shift_right_arithmetic3A_751 = vector.broadcast %shift_right_arithmetic3A : i32 to vector<16xi32>
      %shift_right_arithmetic3A_752 = arith.shrsi %min3A_750, %shift_right_arithmetic3A_751 : vector<16xi32>
      %and3A_753 = arith.constant 4095 : i32
      %and3A_754 = vector.broadcast %and3A_753 : i32 to vector<16xi32>
      %and3A_755 = arith.andi %min3A_750, %and3A_754 : vector<16xi32>
      tpu.vector_store_idx %arg8[%shift_right_arithmetic3A_752, %and3A_755], %get3A_737 masked %and3A_742 : memref<16x4096xf32, #tpu.memory_space<vmem>>[vector<16xi32>, vector<16xi32>], vector<16xf32>, vector<16xi1>
    }
    "tpu.region"() ({
      %run_scoped3A = tpu.sem_alloc : memref<!tpu.dma_semaphore, #tpu.memory_space<semaphore_mem>>
      %dma_start3A = arith.constant 0 : i32
      %dma_start3A_731 = tpu.memref_slice %arg5[%mul3A_564, %dma_start3A] : memref<4096x4096xf32, #tpu.memory_space<hbm>> -> memref<16x4096xf32, #tpu.memory_space<hbm>>
      %dma_start3A_732 = arith.constant 0 : i32
      %dma_start3A_733 = tpu.memref_slice %arg5[%mul3A_564, %dma_start3A_732] : memref<4096x4096xf32, #tpu.memory_space<hbm>> -> memref<16x4096xf32, #tpu.memory_space<hbm>>
      tpu.enqueue_dma source(%arg8 : memref<16x4096xf32, #tpu.memory_space<vmem>>) target(%dma_start3A_733 : memref<16x4096xf32, #tpu.memory_space<hbm>>) target_semaphore(%run_scoped3A : memref<!tpu.dma_semaphore, #tpu.memory_space<semaphore_mem>>)
      %dma_wait3A = arith.constant 0 : i32
      %dma_wait3A_734 = tpu.memref_slice %arg5[%mul3A_564, %dma_wait3A] : memref<4096x4096xf32, #tpu.memory_space<hbm>> -> memref<16x4096xf32, #tpu.memory_space<hbm>>
      %dma_wait3A_735 = arith.constant 0 : i32
      %dma_wait3A_736 = tpu.memref_slice %arg5[%mul3A_564, %dma_wait3A_735] : memref<4096x4096xf32, #tpu.memory_space<hbm>> -> memref<16x4096xf32, #tpu.memory_space<hbm>>
      tpu.wait_dma2 semaphore(%run_scoped3A : memref<!tpu.dma_semaphore, #tpu.memory_space<semaphore_mem>>) src(%arg8 : memref<16x4096xf32, #tpu.memory_space<vmem>>) dst(%dma_wait3A_736 : memref<16x4096xf32, #tpu.memory_space<hbm>>)
      tpu.yield
    }) : () -> ()
    %while3A_634 = arith.constant 0 : i32
    %while3A_635 = arith.subi %min3A_624, %max3A_593 : i32
    %while3A_636 = arith.addi %max3A_593, %while3A_635 : i32
    %while3A_637 = arith.constant 1 : i32
    %while3A_638 = arith.divsi %while3A_635, %while3A_637 : i32
    %while3A_639 = arith.muli %while3A_638, %while3A_637 : i32
    %while3A_640 = arith.addi %max3A_593, %while3A_639 : i32
    %while3A_641 = arith.constant 1 : i32
    scf.for %while3A_731 = %max3A_593 to %while3A_640 step %while3A_641  : i32 {
      %mul3A_732 = arith.constant 16 : i32
      %mul3A_733 = arith.muli %while3A_731, %mul3A_732 : i32
      %get3A_734 = arith.index_cast %mul3A_733 : i32 to index
      %get3A_735 = tpu.vector_load %arg6[%get3A_734] {strides = array<i32>} : memref<16384xi32, #tpu.memory_space<vmem>>, vector<16xi32>,
      %ge3A = vector.broadcast %add3A_558 : i32 to vector<16xi32>
      %ge3A_736 = arith.cmpi sge, %get3A_735, %ge3A : vector<16xi32>
      %add3A_737 = arith.constant 65536 : i32
      %add3A_738 = arith.addi %add3A_558, %add3A_737 : i32
      %lt3A = vector.broadcast %add3A_738 : i32 to vector<16xi32>
      %lt3A_739 = arith.cmpi slt, %get3A_735, %lt3A : vector<16xi32>
      %and3A_740 = arith.andi %ge3A_736, %lt3A_739 : vector<16xi1>
      %sub3A_741 = vector.broadcast %add3A_558 : i32 to vector<16xi32>
      %sub3A_742 = arith.subi %get3A_735, %sub3A_741 : vector<16xi32>
      %jit3A_743 = arith.constant 0 : i32
      %jit3A_744 = arith.constant 65535 : i32
      %max3A_745 = vector.broadcast %jit3A_743 : i32 to vector<16xi32>
      %max3A_746 = arith.maxsi %max3A_745, %sub3A_742 : vector<16xi32>
      %min3A_747 = vector.broadcast %jit3A_744 : i32 to vector<16xi32>
      %min3A_748 = arith.minsi %min3A_747, %max3A_746 : vector<16xi32>
      %shift_right_arithmetic3A = arith.constant 12 : i32
      %shift_right_arithmetic3A_749 = vector.broadcast %shift_right_arithmetic3A : i32 to vector<16xi32>
      %shift_right_arithmetic3A_750 = arith.shrsi %min3A_748, %shift_right_arithmetic3A_749 : vector<16xi32>
      %and3A_751 = arith.constant 4095 : i32
      %and3A_752 = vector.broadcast %and3A_751 : i32 to vector<16xi32>
      %and3A_753 = arith.andi %min3A_748, %and3A_752 : vector<16xi32>
      tpu.vector_store_idx %arg8[%shift_right_arithmetic3A_750, %and3A_753], %broadcast_in_dim3A_23 masked %and3A_740 : memref<16x4096xf32, #tpu.memory_space<vmem>>[vector<16xi32>, vector<16xi32>], vector<16xf32>, vector<16xi1>
    }
    %while3A_642 = arith.constant 1 : i32
    scf.for %while3A_731 = %while3A_640 to %while3A_636 step %while3A_642  : i32 {
      %mul3A_732 = arith.constant 16 : i32
      %mul3A_733 = arith.muli %while3A_731, %mul3A_732 : i32
      %get3A_734 = arith.index_cast %mul3A_733 : i32 to index
      %get3A_735 = tpu.vector_load %arg6[%get3A_734] {strides = array<i32>} : memref<16384xi32, #tpu.memory_space<vmem>>, vector<16xi32>,
      %ge3A = vector.broadcast %add3A_558 : i32 to vector<16xi32>
      %ge3A_736 = arith.cmpi sge, %get3A_735, %ge3A : vector<16xi32>
      %add3A_737 = arith.constant 65536 : i32
      %add3A_738 = arith.addi %add3A_558, %add3A_737 : i32
      %lt3A = vector.broadcast %add3A_738 : i32 to vector<16xi32>
      %lt3A_739 = arith.cmpi slt, %get3A_735, %lt3A : vector<16xi32>
      %and3A_740 = arith.andi %ge3A_736, %lt3A_739 : vector<16xi1>
      %sub3A_741 = vector.broadcast %add3A_558 : i32 to vector<16xi32>
      %sub3A_742 = arith.subi %get3A_735, %sub3A_741 : vector<16xi32>
      %jit3A_743 = arith.constant 0 : i32
      %jit3A_744 = arith.constant 65535 : i32
      %max3A_745 = vector.broadcast %jit3A_743 : i32 to vector<16xi32>
      %max3A_746 = arith.maxsi %max3A_745, %sub3A_742 : vector<16xi32>
      %min3A_747 = vector.broadcast %jit3A_744 : i32 to vector<16xi32>
      %min3A_748 = arith.minsi %min3A_747, %max3A_746 : vector<16xi32>
      %shift_right_arithmetic3A = arith.constant 12 : i32
      %shift_right_arithmetic3A_749 = vector.broadcast %shift_right_arithmetic3A : i32 to vector<16xi32>
      %shift_right_arithmetic3A_750 = arith.shrsi %min3A_748, %shift_right_arithmetic3A_749 : vector<16xi32>
      %and3A_751 = arith.constant 4095 : i32
      %and3A_752 = vector.broadcast %and3A_751 : i32 to vector<16xi32>
      %and3A_753 = arith.andi %min3A_748, %and3A_752 : vector<16xi32>
      tpu.vector_store_idx %arg8[%shift_right_arithmetic3A_750, %and3A_753], %broadcast_in_dim3A_23 masked %and3A_740 : memref<16x4096xf32, #tpu.memory_space<vmem>>[vector<16xi32>, vector<16xi32>], vector<16xf32>, vector<16xi1>
    }
    %mul3A_643 = arith.constant 524288 : i32
    %mul3A_644 = arith.muli %add3A, %mul3A_643 : i32
    %add3A_645 = arith.constant 458752 : i32
    %add3A_646 = arith.addi %mul3A_644, %add3A_645 : i32
    %mul3A_647 = arith.constant 8 : i32
    %mul3A_648 = arith.muli %add3A, %mul3A_647 : i32
    %add3A_649 = arith.constant 7 : i32
    %add3A_650 = arith.addi %mul3A_648, %add3A_649 : i32
    %mul3A_651 = arith.constant 16 : i32
    %mul3A_652 = arith.muli %add3A_650, %mul3A_651 : i32
    %slice3A_653 = vector.extract_strided_slice %get3A_3 {offsets = [7], sizes = [1], strides = [1]} : vector<16xi32> to vector<1xi32>
    %squeeze3A_654 = vector.extract %slice3A_653[0] : i32 from vector<1xi32>
    %sub3A_655 = arith.subi %squeeze3A_654, %min3A_22 : i32
    %jit3A_656 = arith.constant 16 : i32
    %div3A_657 = arith.divsi %sub3A_655, %jit3A_656 : i32
    %sign3A_658 = arith.constant 0 : i32
    %sign3A_659 = arith.cmpi sgt, %sub3A_655, %sign3A_658 : i32
    %sign3A_660 = arith.extui %sign3A_659 : i1 to i32
    %sign3A_661 = arith.constant 0 : i32
    %sign3A_662 = arith.cmpi slt, %sub3A_655, %sign3A_661 : i32
    %sign3A_663 = arith.extui %sign3A_662 : i1 to i32
    %sign3A_664 = arith.subi %sign3A_660, %sign3A_663 : i32
    %sign3A_665 = arith.constant 0 : i32
    %sign3A_666 = arith.cmpi sgt, %jit3A_656, %sign3A_665 : i32
    %sign3A_667 = arith.extui %sign3A_666 : i1 to i32
    %sign3A_668 = arith.constant 0 : i32
    %sign3A_669 = arith.cmpi slt, %jit3A_656, %sign3A_668 : i32
    %sign3A_670 = arith.extui %sign3A_669 : i1 to i32
    %sign3A_671 = arith.subi %sign3A_667, %sign3A_670 : i32
    %ne3A_672 = arith.cmpi ne, %sign3A_664, %sign3A_671 : i32
    %rem3A_673 = arith.remsi %sub3A_655, %jit3A_656 : i32
    %ne3A_674 = arith.constant 0 : i32
    %ne3A_675 = arith.cmpi ne, %rem3A_673, %ne3A_674 : i32
    %and3A_676 = arith.andi %ne3A_672, %ne3A_675 : i1
    %sub3A_677 = arith.constant 1 : i32
    %sub3A_678 = arith.subi %div3A_657, %sub3A_677 : i32
    %select_n3A_679 = arith.select %and3A_676, %sub3A_678, %div3A_657 : i32
    %max3A_680 = arith.constant 0 : i32
    %max3A_681 = arith.maxsi %select_n3A_679, %max3A_680 : i32
    %slice3A_682 = vector.extract_strided_slice %get3A_3 {offsets = [8], sizes = [1], strides = [1]} : vector<16xi32> to vector<1xi32>
    %squeeze3A_683 = vector.extract %slice3A_682[0] : i32 from vector<1xi32>
    %sub3A_684 = arith.subi %squeeze3A_683, %min3A_22 : i32
    %add3A_685 = arith.constant 15 : i32
    %add3A_686 = arith.addi %sub3A_684, %add3A_685 : i32
    %jit3A_687 = arith.constant 16 : i32
    %div3A_688 = arith.divsi %add3A_686, %jit3A_687 : i32
    %sign3A_689 = arith.constant 0 : i32
    %sign3A_690 = arith.cmpi sgt, %add3A_686, %sign3A_689 : i32
    %sign3A_691 = arith.extui %sign3A_690 : i1 to i32
    %sign3A_692 = arith.constant 0 : i32
    %sign3A_693 = arith.cmpi slt, %add3A_686, %sign3A_692 : i32
    %sign3A_694 = arith.extui %sign3A_693 : i1 to i32
    %sign3A_695 = arith.subi %sign3A_691, %sign3A_694 : i32
    %sign3A_696 = arith.constant 0 : i32
    %sign3A_697 = arith.cmpi sgt, %jit3A_687, %sign3A_696 : i32
    %sign3A_698 = arith.extui %sign3A_697 : i1 to i32
    %sign3A_699 = arith.constant 0 : i32
    %sign3A_700 = arith.cmpi slt, %jit3A_687, %sign3A_699 : i32
    %sign3A_701 = arith.extui %sign3A_700 : i1 to i32
    %sign3A_702 = arith.subi %sign3A_698, %sign3A_701 : i32
    %ne3A_703 = arith.cmpi ne, %sign3A_695, %sign3A_702 : i32
    %rem3A_704 = arith.remsi %add3A_686, %jit3A_687 : i32
    %ne3A_705 = arith.constant 0 : i32
    %ne3A_706 = arith.cmpi ne, %rem3A_704, %ne3A_705 : i32
    %and3A_707 = arith.andi %ne3A_703, %ne3A_706 : i1
    %sub3A_708 = arith.constant 1 : i32
    %sub3A_709 = arith.subi %div3A_688, %sub3A_708 : i32
    %select_n3A_710 = arith.select %and3A_707, %sub3A_709, %div3A_688 : i32
    %min3A_711 = arith.constant 1024 : i32
    %min3A_712 = arith.minsi %select_n3A_710, %min3A_711 : i32
    %while3A_713 = arith.constant 0 : i32
    %while3A_714 = arith.subi %min3A_712, %max3A_681 : i32
    %while3A_715 = arith.addi %max3A_681, %while3A_714 : i32
    %while3A_716 = arith.constant 1 : i32
    %while3A_717 = arith.divsi %while3A_714, %while3A_716 : i32
    %while3A_718 = arith.muli %while3A_717, %while3A_716 : i32
    %while3A_719 = arith.addi %max3A_681, %while3A_718 : i32
    %while3A_720 = arith.constant 1 : i32
    scf.for %while3A_731 = %max3A_681 to %while3A_719 step %while3A_720  : i32 {
      %mul3A_732 = arith.constant 16 : i32
      %mul3A_733 = arith.muli %while3A_731, %mul3A_732 : i32
      %get3A_734 = arith.index_cast %mul3A_733 : i32 to index
      %get3A_735 = tpu.vector_load %arg6[%get3A_734] {strides = array<i32>} : memref<16384xi32, #tpu.memory_space<vmem>>, vector<16xi32>,
      %get3A_736 = arith.index_cast %mul3A_733 : i32 to index
      %get3A_737 = tpu.vector_load %arg7[%get3A_736] {strides = array<i32>} : memref<16384xf32, #tpu.memory_space<vmem>>, vector<16xf32>,
      %ge3A = vector.broadcast %add3A_646 : i32 to vector<16xi32>
      %ge3A_738 = arith.cmpi sge, %get3A_735, %ge3A : vector<16xi32>
      %add3A_739 = arith.constant 65536 : i32
      %add3A_740 = arith.addi %add3A_646, %add3A_739 : i32
      %lt3A = vector.broadcast %add3A_740 : i32 to vector<16xi32>
      %lt3A_741 = arith.cmpi slt, %get3A_735, %lt3A : vector<16xi32>
      %and3A_742 = arith.andi %ge3A_738, %lt3A_741 : vector<16xi1>
      %sub3A_743 = vector.broadcast %add3A_646 : i32 to vector<16xi32>
      %sub3A_744 = arith.subi %get3A_735, %sub3A_743 : vector<16xi32>
      %jit3A_745 = arith.constant 0 : i32
      %jit3A_746 = arith.constant 65535 : i32
      %max3A_747 = vector.broadcast %jit3A_745 : i32 to vector<16xi32>
      %max3A_748 = arith.maxsi %max3A_747, %sub3A_744 : vector<16xi32>
      %min3A_749 = vector.broadcast %jit3A_746 : i32 to vector<16xi32>
      %min3A_750 = arith.minsi %min3A_749, %max3A_748 : vector<16xi32>
      %shift_right_arithmetic3A = arith.constant 12 : i32
      %shift_right_arithmetic3A_751 = vector.broadcast %shift_right_arithmetic3A : i32 to vector<16xi32>
      %shift_right_arithmetic3A_752 = arith.shrsi %min3A_750, %shift_right_arithmetic3A_751 : vector<16xi32>
      %and3A_753 = arith.constant 4095 : i32
      %and3A_754 = vector.broadcast %and3A_753 : i32 to vector<16xi32>
      %and3A_755 = arith.andi %min3A_750, %and3A_754 : vector<16xi32>
      tpu.vector_store_idx %arg8[%shift_right_arithmetic3A_752, %and3A_755], %get3A_737 masked %and3A_742 : memref<16x4096xf32, #tpu.memory_space<vmem>>[vector<16xi32>, vector<16xi32>], vector<16xf32>, vector<16xi1>
    }
    %while3A_721 = arith.constant 1 : i32
    scf.for %while3A_731 = %while3A_719 to %while3A_715 step %while3A_721  : i32 {
      %mul3A_732 = arith.constant 16 : i32
      %mul3A_733 = arith.muli %while3A_731, %mul3A_732 : i32
      %get3A_734 = arith.index_cast %mul3A_733 : i32 to index
      %get3A_735 = tpu.vector_load %arg6[%get3A_734] {strides = array<i32>} : memref<16384xi32, #tpu.memory_space<vmem>>, vector<16xi32>,
      %get3A_736 = arith.index_cast %mul3A_733 : i32 to index
      %get3A_737 = tpu.vector_load %arg7[%get3A_736] {strides = array<i32>} : memref<16384xf32, #tpu.memory_space<vmem>>, vector<16xf32>,
      %ge3A = vector.broadcast %add3A_646 : i32 to vector<16xi32>
      %ge3A_738 = arith.cmpi sge, %get3A_735, %ge3A : vector<16xi32>
      %add3A_739 = arith.constant 65536 : i32
      %add3A_740 = arith.addi %add3A_646, %add3A_739 : i32
      %lt3A = vector.broadcast %add3A_740 : i32 to vector<16xi32>
      %lt3A_741 = arith.cmpi slt, %get3A_735, %lt3A : vector<16xi32>
      %and3A_742 = arith.andi %ge3A_738, %lt3A_741 : vector<16xi1>
      %sub3A_743 = vector.broadcast %add3A_646 : i32 to vector<16xi32>
      %sub3A_744 = arith.subi %get3A_735, %sub3A_743 : vector<16xi32>
      %jit3A_745 = arith.constant 0 : i32
      %jit3A_746 = arith.constant 65535 : i32
      %max3A_747 = vector.broadcast %jit3A_745 : i32 to vector<16xi32>
      %max3A_748 = arith.maxsi %max3A_747, %sub3A_744 : vector<16xi32>
      %min3A_749 = vector.broadcast %jit3A_746 : i32 to vector<16xi32>
      %min3A_750 = arith.minsi %min3A_749, %max3A_748 : vector<16xi32>
      %shift_right_arithmetic3A = arith.constant 12 : i32
      %shift_right_arithmetic3A_751 = vector.broadcast %shift_right_arithmetic3A : i32 to vector<16xi32>
      %shift_right_arithmetic3A_752 = arith.shrsi %min3A_750, %shift_right_arithmetic3A_751 : vector<16xi32>
      %and3A_753 = arith.constant 4095 : i32
      %and3A_754 = vector.broadcast %and3A_753 : i32 to vector<16xi32>
      %and3A_755 = arith.andi %min3A_750, %and3A_754 : vector<16xi32>
      tpu.vector_store_idx %arg8[%shift_right_arithmetic3A_752, %and3A_755], %get3A_737 masked %and3A_742 : memref<16x4096xf32, #tpu.memory_space<vmem>>[vector<16xi32>, vector<16xi32>], vector<16xf32>, vector<16xi1>
    }
    "tpu.region"() ({
      %run_scoped3A = tpu.sem_alloc : memref<!tpu.dma_semaphore, #tpu.memory_space<semaphore_mem>>
      %dma_start3A = arith.constant 0 : i32
      %dma_start3A_731 = tpu.memref_slice %arg5[%mul3A_652, %dma_start3A] : memref<4096x4096xf32, #tpu.memory_space<hbm>> -> memref<16x4096xf32, #tpu.memory_space<hbm>>
      %dma_start3A_732 = arith.constant 0 : i32
      %dma_start3A_733 = tpu.memref_slice %arg5[%mul3A_652, %dma_start3A_732] : memref<4096x4096xf32, #tpu.memory_space<hbm>> -> memref<16x4096xf32, #tpu.memory_space<hbm>>
      tpu.enqueue_dma source(%arg8 : memref<16x4096xf32, #tpu.memory_space<vmem>>) target(%dma_start3A_733 : memref<16x4096xf32, #tpu.memory_space<hbm>>) target_semaphore(%run_scoped3A : memref<!tpu.dma_semaphore, #tpu.memory_space<semaphore_mem>>)
      %dma_wait3A = arith.constant 0 : i32
      %dma_wait3A_734 = tpu.memref_slice %arg5[%mul3A_652, %dma_wait3A] : memref<4096x4096xf32, #tpu.memory_space<hbm>> -> memref<16x4096xf32, #tpu.memory_space<hbm>>
      %dma_wait3A_735 = arith.constant 0 : i32
      %dma_wait3A_736 = tpu.memref_slice %arg5[%mul3A_652, %dma_wait3A_735] : memref<4096x4096xf32, #tpu.memory_space<hbm>> -> memref<16x4096xf32, #tpu.memory_space<hbm>>
      tpu.wait_dma2 semaphore(%run_scoped3A : memref<!tpu.dma_semaphore, #tpu.memory_space<semaphore_mem>>) src(%arg8 : memref<16x4096xf32, #tpu.memory_space<vmem>>) dst(%dma_wait3A_736 : memref<16x4096xf32, #tpu.memory_space<hbm>>)
      tpu.yield
    }) : () -> ()
    %while3A_722 = arith.constant 0 : i32
    %while3A_723 = arith.subi %min3A_712, %max3A_681 : i32
    %while3A_724 = arith.addi %max3A_681, %while3A_723 : i32
    %while3A_725 = arith.constant 1 : i32
    %while3A_726 = arith.divsi %while3A_723, %while3A_725 : i32
    %while3A_727 = arith.muli %while3A_726, %while3A_725 : i32
    %while3A_728 = arith.addi %max3A_681, %while3A_727 : i32
    %while3A_729 = arith.constant 1 : i32
    scf.for %while3A_731 = %max3A_681 to %while3A_728 step %while3A_729  : i32 {
      %mul3A_732 = arith.constant 16 : i32
      %mul3A_733 = arith.muli %while3A_731, %mul3A_732 : i32
      %get3A_734 = arith.index_cast %mul3A_733 : i32 to index
      %get3A_735 = tpu.vector_load %arg6[%get3A_734] {strides = array<i32>} : memref<16384xi32, #tpu.memory_space<vmem>>, vector<16xi32>,
      %ge3A = vector.broadcast %add3A_646 : i32 to vector<16xi32>
      %ge3A_736 = arith.cmpi sge, %get3A_735, %ge3A : vector<16xi32>
      %add3A_737 = arith.constant 65536 : i32
      %add3A_738 = arith.addi %add3A_646, %add3A_737 : i32
      %lt3A = vector.broadcast %add3A_738 : i32 to vector<16xi32>
      %lt3A_739 = arith.cmpi slt, %get3A_735, %lt3A : vector<16xi32>
      %and3A_740 = arith.andi %ge3A_736, %lt3A_739 : vector<16xi1>
      %sub3A_741 = vector.broadcast %add3A_646 : i32 to vector<16xi32>
      %sub3A_742 = arith.subi %get3A_735, %sub3A_741 : vector<16xi32>
      %jit3A_743 = arith.constant 0 : i32
      %jit3A_744 = arith.constant 65535 : i32
      %max3A_745 = vector.broadcast %jit3A_743 : i32 to vector<16xi32>
      %max3A_746 = arith.maxsi %max3A_745, %sub3A_742 : vector<16xi32>
      %min3A_747 = vector.broadcast %jit3A_744 : i32 to vector<16xi32>
      %min3A_748 = arith.minsi %min3A_747, %max3A_746 : vector<16xi32>
      %shift_right_arithmetic3A = arith.constant 12 : i32
      %shift_right_arithmetic3A_749 = vector.broadcast %shift_right_arithmetic3A : i32 to vector<16xi32>
      %shift_right_arithmetic3A_750 = arith.shrsi %min3A_748, %shift_right_arithmetic3A_749 : vector<16xi32>
      %and3A_751 = arith.constant 4095 : i32
      %and3A_752 = vector.broadcast %and3A_751 : i32 to vector<16xi32>
      %and3A_753 = arith.andi %min3A_748, %and3A_752 : vector<16xi32>
      tpu.vector_store_idx %arg8[%shift_right_arithmetic3A_750, %and3A_753], %broadcast_in_dim3A_23 masked %and3A_740 : memref<16x4096xf32, #tpu.memory_space<vmem>>[vector<16xi32>, vector<16xi32>], vector<16xf32>, vector<16xi1>
    }
    %while3A_730 = arith.constant 1 : i32
    scf.for %while3A_731 = %while3A_728 to %while3A_724 step %while3A_730  : i32 {
      %mul3A_732 = arith.constant 16 : i32
      %mul3A_733 = arith.muli %while3A_731, %mul3A_732 : i32
      %get3A_734 = arith.index_cast %mul3A_733 : i32 to index
      %get3A_735 = tpu.vector_load %arg6[%get3A_734] {strides = array<i32>} : memref<16384xi32, #tpu.memory_space<vmem>>, vector<16xi32>,
      %ge3A = vector.broadcast %add3A_646 : i32 to vector<16xi32>
      %ge3A_736 = arith.cmpi sge, %get3A_735, %ge3A : vector<16xi32>
      %add3A_737 = arith.constant 65536 : i32
      %add3A_738 = arith.addi %add3A_646, %add3A_737 : i32
      %lt3A = vector.broadcast %add3A_738 : i32 to vector<16xi32>
      %lt3A_739 = arith.cmpi slt, %get3A_735, %lt3A : vector<16xi32>
      %and3A_740 = arith.andi %ge3A_736, %lt3A_739 : vector<16xi1>
      %sub3A_741 = vector.broadcast %add3A_646 : i32 to vector<16xi32>
      %sub3A_742 = arith.subi %get3A_735, %sub3A_741 : vector<16xi32>
      %jit3A_743 = arith.constant 0 : i32
      %jit3A_744 = arith.constant 65535 : i32
      %max3A_745 = vector.broadcast %jit3A_743 : i32 to vector<16xi32>
      %max3A_746 = arith.maxsi %max3A_745, %sub3A_742 : vector<16xi32>
      %min3A_747 = vector.broadcast %jit3A_744 : i32 to vector<16xi32>
      %min3A_748 = arith.minsi %min3A_747, %max3A_746 : vector<16xi32>
      %shift_right_arithmetic3A = arith.constant 12 : i32
      %shift_right_arithmetic3A_749 = vector.broadcast %shift_right_arithmetic3A : i32 to vector<16xi32>
      %shift_right_arithmetic3A_750 = arith.shrsi %min3A_748, %shift_right_arithmetic3A_749 : vector<16xi32>
      %and3A_751 = arith.constant 4095 : i32
      %and3A_752 = vector.broadcast %and3A_751 : i32 to vector<16xi32>
      %and3A_753 = arith.andi %min3A_748, %and3A_752 : vector<16xi32>
      tpu.vector_store_idx %arg8[%shift_right_arithmetic3A_750, %and3A_753], %broadcast_in_dim3A_23 masked %and3A_740 : memref<16x4096xf32, #tpu.memory_space<vmem>>[vector<16xi32>, vector<16xi32>], vector<16xf32>, vector<16xi1>
    }
    return
  }
}

module attributes {stable_mosaic.version = 14 : i64} {
  func.func @_mlp_body(%arg0: i32, %arg1: memref<8192x16xf32, #tpu.memory_space<vmem>>, %arg2: memref<1x1x8192xi32, #tpu.memory_space<vmem>>, %arg3: memref<1x1x8192xi32, #tpu.memory_space<vmem>>, %arg4: memref<16x16xf32, #tpu.memory_space<vmem>>, %arg5: memref<16xf32, #tpu.memory_space<vmem>>, %arg6: memref<1x16xf32, #tpu.memory_space<vmem>>, %arg7: memref<1xf32, #tpu.memory_space<vmem>>, %arg8: memref<1x1x8192xf32, #tpu.memory_space<vmem>>, %arg9: memref<1x1x8192xi32, #tpu.memory_space<vmem>>) attributes {dimension_semantics = [#tpu.dimension_semantics<arbitrary>], iteration_bounds = array<i64: 32>, scalar_prefetch = 0 : i64, scratch_operands = 0 : i64, tpu.core_type = #tpu.core_type<tc>, window_params = [{transform_indices = @transform_0, window_bounds = array<i64: 8192, 16>}, {transform_indices = @transform_1, window_bounds = array<i64: 1, 1, 8192>}, {transform_indices = @transform_2, window_bounds = array<i64: 1, 1, 8192>}, {pipeline_mode = #tpu.pipeline_mode<synchronous>, transform_indices = @transform_3, window_bounds = array<i64: 16, 16>}, {pipeline_mode = #tpu.pipeline_mode<synchronous>, transform_indices = @transform_4, window_bounds = array<i64: 16>}, {pipeline_mode = #tpu.pipeline_mode<synchronous>, transform_indices = @transform_5, window_bounds = array<i64: 1, 16>}, {pipeline_mode = #tpu.pipeline_mode<synchronous>, transform_indices = @transform_6, window_bounds = array<i64: 1>}, {transform_indices = @transform_7, window_bounds = array<i64: 1, 1, 8192>}, {transform_indices = @transform_8, window_bounds = array<i64: 1, 1, 8192>}]} {
    %get3A = arith.constant 0 : index
    %get3A_0 = arith.constant 0 : index
    %get3A_1 = vector.load %arg1[%get3A, %get3A_0] : memref<8192x16xf32, #tpu.memory_space<vmem>>, vector<8192x16xf32>
    %get3A_2 = arith.constant 0 : index
    %get3A_3 = arith.constant 0 : index
    %get3A_4 = vector.load %arg4[%get3A_2, %get3A_3] : memref<16x16xf32, #tpu.memory_space<vmem>>, vector<16x16xf32>
    %dot_general3A = arith.constant dense<0.000000e+00> : vector<16x8192xf32>
    %dot_general3A_5 = tpu.matmul %get3A_4, %get3A_1, %dot_general3A {dimension_numbers = #tpu.dot_dimension_numbers<[1], [1], [0], [0], [0, 0, 1, 0], [], []>, transpose_lhs_hint = false} : vector<16x16xf32>, vector<8192x16xf32>, vector<16x8192xf32> -> vector<16x8192xf32>
    %get3A_6 = arith.constant 0 : index
    %get3A_7 = vector.load %arg5[%get3A_6] : memref<16xf32, #tpu.memory_space<vmem>>, vector<16xf32>
    %broadcast_in_dim3A = vector.shape_cast %get3A_7 : vector<16xf32> to vector<16x1xf32>
    %add3A = vector.broadcast %broadcast_in_dim3A : vector<16x1xf32> to vector<16x8192xf32>
    %add3A_8 = arith.addf %dot_general3A_5, %add3A : vector<16x8192xf32>
    %mul3A = arith.constant 5.000000e-01 : f32
    %mul3A_9 = vector.broadcast %mul3A : f32 to vector<16x8192xf32>
    %mul3A_10 = arith.mulf %mul3A_9, %add3A_8 : vector<16x8192xf32>
    %mul3A_11 = arith.constant 0.707106769 : f32
    %mul3A_12 = vector.broadcast %mul3A_11 : f32 to vector<16x8192xf32>
    %mul3A_13 = arith.mulf %add3A_8, %mul3A_12 : vector<16x8192xf32>
    %erf3A = math.erf %mul3A_13 : vector<16x8192xf32>
    %add3A_14 = arith.constant 1.000000e+00 : f32
    %add3A_15 = vector.broadcast %add3A_14 : f32 to vector<16x8192xf32>
    %add3A_16 = arith.addf %add3A_15, %erf3A : vector<16x8192xf32>
    %mul3A_17 = arith.mulf %mul3A_10, %add3A_16 : vector<16x8192xf32>
    %get3A_18 = arith.constant 0 : index
    %get3A_19 = arith.constant 0 : index
    %get3A_20 = vector.load %arg6[%get3A_18, %get3A_19] : memref<1x16xf32, #tpu.memory_space<vmem>>, vector<1x16xf32>
    %squeeze3A = vector.shape_cast %get3A_20 : vector<1x16xf32> to vector<16xf32>
    %broadcast_in_dim3A_21 = vector.shape_cast %squeeze3A : vector<16xf32> to vector<16x1xf32>
    %mul3A_22 = vector.broadcast %broadcast_in_dim3A_21 : vector<16x1xf32> to vector<16x8192xf32>
    %mul3A_23 = arith.mulf %mul3A_17, %mul3A_22 : vector<16x8192xf32>
    %reduce_sum3A = arith.constant dense<0.000000e+00> : vector<8192xf32>
    %reduce_sum3A_24 = vector.multi_reduction <add>, %mul3A_23, %reduce_sum3A [0] : vector<16x8192xf32> to vector<8192xf32>
    %get3A_25 = arith.constant 0 : index
    %get3A_26 = vector.load %arg7[%get3A_25] : memref<1xf32, #tpu.memory_space<vmem>>, vector<1xf32>
    %squeeze3A_27 = vector.extract %get3A_26[0] : f32 from vector<1xf32>
    %add3A_28 = vector.broadcast %squeeze3A_27 : f32 to vector<8192xf32>
    %add3A_29 = arith.addf %reduce_sum3A_24, %add3A_28 : vector<8192xf32>
    %broadcast_in_dim3A_30 = vector.shape_cast %add3A_29 : vector<8192xf32> to vector<1x1x8192xf32>
    %swap3A = arith.constant 0 : index
    %swap3A_31 = arith.constant 0 : index
    %swap3A_32 = arith.constant 0 : index
    %swap3A_33 = vector.load %arg8[%swap3A, %swap3A_31, %swap3A_32] : memref<1x1x8192xf32, #tpu.memory_space<vmem>>, vector<1x1x8192xf32>
    tpu.vector_store %arg8[%swap3A, %swap3A_31, %swap3A_32], %broadcast_in_dim3A_30 {strides = array<i32>} : memref<1x1x8192xf32, #tpu.memory_space<vmem>>, vector<1x1x8192xf32>,
    %get3A_34 = arith.constant 0 : index
    %get3A_35 = arith.constant 0 : index
    %get3A_36 = arith.constant 0 : index
    %get3A_37 = vector.load %arg2[%get3A_34, %get3A_35, %get3A_36] : memref<1x1x8192xi32, #tpu.memory_space<vmem>>, vector<1x1x8192xi32>
    %mul3A_38 = arith.constant 4096 : i32
    %mul3A_39 = vector.broadcast %mul3A_38 : i32 to vector<1x1x8192xi32>
    %mul3A_40 = arith.muli %get3A_37, %mul3A_39 : vector<1x1x8192xi32>
    %get3A_41 = arith.constant 0 : index
    %get3A_42 = arith.constant 0 : index
    %get3A_43 = arith.constant 0 : index
    %get3A_44 = vector.load %arg3[%get3A_41, %get3A_42, %get3A_43] : memref<1x1x8192xi32, #tpu.memory_space<vmem>>, vector<1x1x8192xi32>
    %add3A_45 = arith.addi %mul3A_40, %get3A_44 : vector<1x1x8192xi32>
    %swap3A_46 = arith.constant 0 : index
    %swap3A_47 = arith.constant 0 : index
    %swap3A_48 = arith.constant 0 : index
    %swap3A_49 = vector.load %arg9[%swap3A_46, %swap3A_47, %swap3A_48] : memref<1x1x8192xi32, #tpu.memory_space<vmem>>, vector<1x1x8192xi32>
    tpu.vector_store %arg9[%swap3A_46, %swap3A_47, %swap3A_48], %add3A_45 {strides = array<i32>} : memref<1x1x8192xi32, #tpu.memory_space<vmem>>, vector<1x1x8192xi32>,
    return
  }
  func.func @transform_0(%arg0: i32) -> (i32, i32) {
    %c0_i32 = arith.constant 0 : i32
    %c0_i32_0 = arith.constant 0 : i32
    return %arg0, %c0_i32 : i32, i32
  }
  func.func @transform_1(%arg0: i32) -> (i32, i32, i32) {
    %c0_i32 = arith.constant 0 : i32
    %c0_i32_0 = arith.constant 0 : i32
    %c0_i32_1 = arith.constant 0 : i32
    return %arg0, %c0_i32, %c0_i32_0 : i32, i32, i32
  }
  func.func @transform_2(%arg0: i32) -> (i32, i32, i32) {
    %c0_i32 = arith.constant 0 : i32
    %c0_i32_0 = arith.constant 0 : i32
    %c0_i32_1 = arith.constant 0 : i32
    return %arg0, %c0_i32, %c0_i32_0 : i32, i32, i32
  }
  func.func @transform_3(%arg0: i32) -> (i32, i32) {
    %c0_i32 = arith.constant 0 : i32
    %c0_i32_0 = arith.constant 0 : i32
    %c0_i32_1 = arith.constant 0 : i32
    return %c0_i32, %c0_i32_0 : i32, i32
  }
  func.func @transform_4(%arg0: i32) -> i32 {
    %c0_i32 = arith.constant 0 : i32
    %c0_i32_0 = arith.constant 0 : i32
    return %c0_i32 : i32
  }
  func.func @transform_5(%arg0: i32) -> (i32, i32) {
    %c0_i32 = arith.constant 0 : i32
    %c0_i32_0 = arith.constant 0 : i32
    %c0_i32_1 = arith.constant 0 : i32
    return %c0_i32, %c0_i32_0 : i32, i32
  }
  func.func @transform_6(%arg0: i32) -> i32 {
    %c0_i32 = arith.constant 0 : i32
    %c0_i32_0 = arith.constant 0 : i32
    return %c0_i32 : i32
  }
  func.func @transform_7(%arg0: i32) -> (i32, i32, i32) {
    %c0_i32 = arith.constant 0 : i32
    %c0_i32_0 = arith.constant 0 : i32
    %c0_i32_1 = arith.constant 0 : i32
    return %arg0, %c0_i32, %c0_i32_0 : i32, i32, i32
  }
  func.func @transform_8(%arg0: i32) -> (i32, i32, i32) {
    %c0_i32 = arith.constant 0 : i32
    %c0_i32_0 = arith.constant 0 : i32
    %c0_i32_1 = arith.constant 0 : i32
    return %arg0, %c0_i32, %c0_i32_0 : i32, i32, i32
  }
}

</mosaic_0001>

<sc_bundles>
// kernel: kernel.4.cloned.1.call-start
scs
__scs_entry_jumppad:
0x0: {  	(pc) =	sbr.rel $0x88, $3  }
0x1: {  	(tag) =	ssettag $0x0;
	lr =	simm.s32 $0x1  }
0x2: {  	[smem:$0x3F9B] =	sst lr;
	_ =	strace $0xD0000000  }
0x3: {  	_ = 	snop  }
0x4: {  	_ = 	snop  }
0x5: {  	_ = 	snop  }
0x6: {  	_ = 	snop  }
0x7: {  	_ = 	snop  }
__scs_overlays_trampoline_lowered:
0x8: {  	[smem:$0x3FAA] =	sst s0  }
0x9: {  	[smem:$0x3FAB] =	sst s1  }
0xa: {  	[smem:$0x3FAC] =	sst s2  }
0xb: {  	[smem:$0x3FAD] =	sst s3  }
0xc: {  	[smem:$0x3FAE] =	sst s4  }
0xd: {  	[smem:$0x3FAF] =	sst s5  }
0xe: {  	[smem:$0x3FB0] =	sst s6  }
0xf: {  	[smem:$0x3FB1] =	sst s7  }
0x10: {  	[smem:$0x3FB2] =	sst s8  }
0x11: {  	[smem:$0x3FB3] =	sst s9;
	s0 =	simm.s32 @!p0 $0x0  }
0x12: {  	s1 =	sld [smem:$0x3F99];
	s0 =	simm.s32 @p0 $0x1  }
0x13: {  	[smem:$0x3FB4] =	sst s0;
	s0 =	simm.s32 @!p1 $0x0  }
0x14: {  	s2 =	sld [smem:$0x3F98];
	s0 =	simm.s32 @p1 $0x1  }
0x15: {  	[smem:$0x3FB5] =	sst s0;
	s0 =	simm.s32 @!p2 $0x0  }
0x16: {  	s3 =	sld [smem:$0x3FDB];
	s0 =	simm.s32 @p2 $0x1  }
0x17: {  	s4 =	simm.s32 $0x1BF5;
	[smem:$0x3FB7] =	sst s0  }
0x18: {  	s0 =	sld [smem:$0x3F9A];
	_ =	swait.ge [sflag:s4], $0x0  }
0x19: {  	s7 =	sld [smem:$0x3F9B]  }
0x1a: {  	s8 =	sadd.s32 $0xFFFFE003, lr  }
0x1b: {  	s9 =	sadd.s32 $0xFFFFFEF7, lr;
	s5 =	simm.s32 $0xFFFFFFFF;
	p2 =	slt.u32 s8, $0xFFFFF086  }
0x1c: {  	p1 =	slt.u32 s9, $0xF7A;
	s5 =	simm.s32 @!p2 $0x0  }
0x1d: {  	s5 =	simm.s32 @p1 $0x1;
	p0 =	seq.s32 s7, s2  }
0x1e: {  	s7 =	smul.u32 @!p0 $0xF7A, s2;
	p2 =	seq.s32 @!p0 s5, $0x0  }
0x1f: {  	s9 =	smul.u32 $0xF7A, s1;
	s8 =	simm.s32 @!p0 $0x1BF5;
	p2 =	por !p2, p0  }
0x20: {  	[sflag:s8] =	ssyncset.s32 @!p0 $0xFFFFF086;
	s6 =	sadd.s32 @!p0 s3, s7;
	s7 =	simm.s32 @!p0 $0x108  }
0x21: {  	s3 =	sadd.s32 s3, s9;
	s6 =	sadd.s32 @!p0 $0x88, s6;
	s7 =	simm.s32 @p2 $0x1082  }
0x22: {  	[simem:s7], [sflag:s8] =	dma.local @!p0 [hbm:s6], $0xF7A  }
0x23: {  	s9 =	sor.u32 $0xD0000000, s2;
	s6 =	simm.s32 $0x108;
	_ =	swait.ge @!p0 [sflag:s8], $0x0  }
0x24: {  	s3 =	sadd.s32 $0x88, s3;
	s6 =	simm.s32 @!p1 $0x1082;
	[sflag:s4] =	ssyncset.s32 $0xFFFFF086  }
0x25: {  	[simem:s6], [sflag:s4] =	dma.local [hbm:s3], $0xF7A  }
0x26: {  	[smem:$0x3F9B] =	sst s1;
	(tag) =	ssettag s2;
	_ =	strace s9  }
0x27: {  	s1 =	sld [smem:$0x3FAB]  }
0x28: {  	s2 =	sld [smem:$0x3FAC]  }
0x29: {  	s4 =	sld [smem:$0x3FAE]  }
0x2a: {  	p0 =	seq.s32 s5, $0x0;
	s5 =	sld [smem:$0x3FAF]  }
0x2b: {  	s6 =	sld [smem:$0x3FB0]  }
0x2c: {  	s7 =	sld [smem:$0x3FB1]  }
0x2d: {  	s3 =	simm.s32 $0x108;
	s8 =	sld [smem:$0x3FB2]  }
0x2e: {  	s3 =	simm.s32 @!p0 $0x1082;
	s9 =	sld [smem:$0x3FB3]  }
0x2f: {  	lr =	sadd.s32 s0, s3;
	s0 =	sld [smem:$0x3FAA]  }
0x30: {  	s3 =	sld [smem:$0x3FAD]  }
0x31: {  	[smem:$0x3FB6] =	sst s10  }
0x32: {  	s10 =	sld [smem:$0x3FB4];
	_ =	sdelay $0x3  }
0x33: {  	p0 =	seq.s32 s10, $0x1;
	s10 =	sld [smem:$0x3FB6];
	_ =	sdelay $0x3  }
0x34: {  	[smem:$0x3FB6] =	sst s10  }
0x35: {  	s10 =	sld [smem:$0x3FB5];
	_ =	sdelay $0x3  }
0x36: {  	p1 =	seq.s32 s10, $0x1;
	s10 =	sld [smem:$0x3FB6];
	_ =	sdelay $0x3  }
0x37: {  	[smem:$0x3FB6] =	sst s10  }
0x38: {  	s10 =	sld [smem:$0x3FB7]  }
0x39: {  	_ = 	snop;
	(pc) =	sbr.ind lr, $3  }
0x3a: {  	_ = 	snop  }
0x3b: {  	_ = 	snop  }
0x3c: {  	p2 =	seq.s32 s10, $0x1;
	s10 =	sld [smem:$0x3FB6]  }
0x3d: {  	_ =	shalt  }
0x3e: {  	_ =	shalt  }
0x3f: {  	_ =	shalt  }
0x40: {  	_ =	shalt  }
0x41: {  	_ =	shalt  }
0x42: {  	_ =	shalt  }
0x43: {  	_ =	shalt  }
0x44: {  	_ =	shalt  }
0x45: {  	_ =	shalt  }
0x46: {  	_ =	shalt  }
0x47: {  	_ =	shalt  }
0x48: {  	_ =	shalt  }
0x49: {  	_ =	shalt  }
0x4a: {  	_ =	shalt  }
0x4b: {  	_ =	shalt  }
0x4c: {  	_ =	shalt  }
0x4d: {  	_ =	shalt  }
0x4e: {  	_ =	shalt  }
0x4f: {  	_ =	shalt  }
0x50: {  	_ =	shalt  }
0x51: {  	_ =	shalt  }
0x52: {  	_ =	shalt  }
0x53: {  	_ =	shalt  }
0x54: {  	_ =	shalt  }
0x55: {  	_ =	shalt  }
0x56: {  	_ =	shalt  }
0x57: {  	_ =	shalt  }
0x58: {  	_ =	shalt  }
0x59: {  	_ =	shalt  }
0x5a: {  	_ =	shalt  }
0x5b: {  	_ =	shalt  }
0x5c: {  	_ =	shalt  }
0x5d: {  	_ =	shalt  }
0x5e: {  	_ =	shalt  }
0x5f: {  	_ =	shalt  }
0x60: {  	_ =	shalt  }
0x61: {  	_ =	shalt  }
0x62: {  	_ =	shalt  }
0x63: {  	_ =	shalt  }
0x64: {  	_ =	shalt  }
0x65: {  	_ =	shalt  }
0x66: {  	_ =	shalt  }
0x67: {  	_ =	shalt  }
0x68: {  	_ =	shalt  }
0x69: {  	_ =	shalt  }
0x6a: {  	_ =	shalt  }
0x6b: {  	_ =	shalt  }
0x6c: {  	_ =	shalt  }
0x6d: {  	_ =	shalt  }
0x6e: {  	_ =	shalt  }
0x6f: {  	_ =	shalt  }
0x70: {  	_ =	shalt  }
0x71: {  	_ =	shalt  }
0x72: {  	_ =	shalt  }
0x73: {  	_ =	shalt  }
0x74: {  	_ =	shalt  }
0x75: {  	_ =	shalt  }
0x76: {  	_ =	shalt  }
0x77: {  	_ =	shalt  }
0x78: {  	_ =	shalt  }
0x79: {  	_ =	shalt  }
0x7a: {  	_ =	shalt  }
0x7b: {  	_ =	shalt  }
0x7c: {  	_ =	shalt  }
0x7d: {  	_ =	shalt  }
0x7e: {  	_ =	shalt  }
0x7f: {  	_ =	shalt  }
0x80: {  	_ =	shalt  }
0x81: {  	_ =	shalt  }
0x82: {  	_ =	shalt  }
0x83: {  	_ =	shalt  }
0x84: {  	_ =	shalt  }
0x85: {  	_ =	shalt  }
0x86: {  	_ =	shalt  }
0x87: {  	_ =	shalt  }
.Lfunc_end0:
.L_simem_size_0:
called_computation_lowered:
.L_overlay_start_0:
0x88: {  	s2 =	sld [smem:$0x3FD9]  }
0x89: {  	s3 =	sld [smem:$0x3FFE];
	_ =	sdelay $0x1  }
0x8a: {  	s1 =	srdreg.scid  }
0x8b: {  	s0 =	sand.u32 $0x1, s1  }
0x8c: {  	s17 =	sshll.u32 s0, $0xA;
	s2 =	sadd.s32 s3, s2  }
0x8d: {  	s2 =	sadd.s32 s2, s17  }
0x8e: {  	[smem:$0x3FC2] =	sst s2  }
0x8f: {  	_ = 	snop  }
0x90: {  	s2 =	sld [smem:$0x3FD0];
	(tm) =	ssettm $0x1  }
0x91: {  	s18 =	sld [smem:$0x3FFB];
	_ =	sdelay $0x3  }
0x92: {  	_ =	strace s18  }
0x93: {  	s3 =	sld [smem:$0x3FFC];
	_ =	sdelay $0x3  }
0x94: {  	_ =	strace s3  }
0x95: {  	s3 =	sld [smem:$0x3FFD];
	_ =	sdelay $0x3  }
0x96: {  	_ =	strace s3  }
0x97: {  	_ =	strace $0x8FFFFFFF  }
0x98: {  	s19 =	sld [smem:$0x3FDB];
	_ =	sdelay $0x1  }
0x99: {  	s4 =	simm.s32 $_scs_section_size  }
0x9a: {  	s5 =	simm.s32 $_size__tile_overlayer_lowered;
	s6 =	simm.s32 $_tile_overlayer_lowered  }
0x9b: {  	s22 =	simm.s32 $0x1BFF;
	s21 =	sshll.u32 s6, $0x1;
	s3 =	sadd.s32 s4, s19  }
0x9c: {  	s7 =	simm.s32 $0x0;
	s20 =	sshll.u32 s5, $0x1;
	s5 =	sadd.s32 s21, s3  }
0x9d: {  	[timem:s7], [sflag:s22] =	dma.local [hbm:s5], s20  }
0x9e: {  	_ =	swait.ge [sflag:s22], s20  }
0x9f: {  	s4 =	ssub.s32 $0x0, s20;
	[sflag:s22] =	ssyncset.done $0x0  }
0xa0: {  	[sflag:s22] =	ssyncadd.s32 s4;
	_ =	sdelay $0x1  }
0xa1: {  	s23 =	simm.s32 $0x1B8B  }
0xa2: {  	_ =	swait.ge [sflag:s23], $0x1  }
0xa3: {  	[sflag:s23] =	ssyncset.done $0x0  }
0xa4: {  	s25 =	simm.s32 $0x1B8E;
	s24 =	sld [smem:$0x3FFE];
	[sflag:s23] =	ssyncadd.s32 $0xFFFFFFFF  }
0xa5: {  	s26 =	simm.s32 $execute0_lowered;
	[smem:$0x3FD2] =	sst s25  }
0xa6: {  	s5 =	sshll.u32 s26, $0x1;
	_ =	strace $0x80000046;
	[dreg:$0x1] =	wrdreg $0xFFFFFFFF  }
0xa7: {  	s28 =	simm.s32 $_size_execute0_lowered;
	s3 =	sadd.s32 s3, s5;
	[dreg:$0x0] =	wrdreg $0x0  }
0xa8: {  	s5 =	sshll.u32 s28, $0x1;
	[dreg:$0x2] =	wrdreg s3  }
0xa9: {  	[dreg:$0x3] =	wrdreg s5  }
0xaa: {  	[dreg:$0x4] =	wrdreg $0xC0  }
0xab: {  	_ =	task [dreg:s7], $0x5FFFF  }
0xac: {  	[dreg:$0x1] =	wrdreg $0xFFFFFFFF  }
0xad: {  	[dreg:$0x0] =	wrdreg $0x60  }
0xae: {  	[dreg:$0x2] =	wrdreg s24  }
0xaf: {  	[dreg:$0x3] =	wrdreg s2  }
0xb0: {  	[dreg:$0x4] =	wrdreg $0x9  }
0xb1: {  	_ =	task.clear_ibuf [dreg:s7], $0x5FFFF;
	_ =	strace $0x90000046  }
0xb2: {  	s29 =	simm.s32 $0x9;
	_ =	strace $0x80000048  }
0xb3: {  	_ =	swait.ge [sflag:s29], $0x1  }
0xb4: {  	[sflag:s29] =	ssyncadd.s32 $0xFFFFFFFF  }
0xb5: {  	_ =	strace $0x90000048  }
0xb6: {  	_ =	sfence  }
0xb7: {  	s30 =	sld [smem:$0x0];
	_ =	sdelay $0x2  }
0xb8: {  	s31 =	sshll.u32 s1, $0xD;
	s1 =	sshrl.u32 s1, $0x2  }
0xb9: {  	s3 =	sand.u32 $0x4000, s31;
	s1 =	sadd.s32 s1, s30  }
0xba: {  	s0 =	sor.u32 s3, s0;
	s1 =	sshll.u32 s1, $0x11  }
0xbb: {  	s0 =	sor.u32 s1, s0  }
0xbc: {  	s0 =	sadd.s32 $0x8F2B, s0  }
0xbd: {  	[sflag:s0] =	ssyncadd.remote.s32 $0x1  }
0xbe: {  	_ =	sfence.sel $0xFFFF  }
0xbf: {  	[dreg:$0x0] =	wrdreg $0xFFFFFFFF;
	(pc) =	sbr.abs _section_cstart, $3  }
0xc0: {  	[dreg:$0x1] =	wrdreg $0xFFFFFFFF  }
0xc1: {  	_ =	task.clear_ibuf [dreg:s7], $0x2FFFF;
	_ =	strace $0x9FFFFFFF  }
0xc2: {  	(tm) =	ssettm $0x7FFFFFFF  }
0xc3: {  	_ =	shalt  }
tec
execute0_lowered:
.L_overlay_start_1:
0x0: {  	(tag) =	ssettag $0x1  }
0x1: {  	s5 =	rddreg [dreg:$0x0]  }
0x2: {  	s6 =	rddreg [dreg:$0x1]  }
0x3: {  	s0 =	rddreg [dreg:$0x2];
	s2 =	simm.s32 $0x0;
	s3 =	srdreg.scid  }
0x4: {  	s1 =	stileid.u32;
	[smem:$0x7FF] =	sst s2  }
0x5: {  	s7 =	sand.u32 $0x1, s3;
	s3 =	sadd.s32 $0x8C00, s5;
	s8 =	sshll.u32 s1, $0x1  }
0x6: {  	s4 =	sadd.s32 $0xC00, s5;
	s9 =	ssub.s32 $0x2, s7;
	s7 =	sor.u32 s7, s8  }
0x7: {  	_ =	strace $0x80000047;
	s30 =	sshrl.u32 s9, $0x1;
	s5 =	sadd.s32 s7, s5  }
0x8: {  	s31 =	sshll.u32 s7, $0x10;
	s13 =	sshll.u32 s7, $0x13;
	s14 =	ssub.s32 s9, s30  }
0x9: {  	s5 =	sadd.s32 $0x10C00, s5;
	s6 =	sadd.s32 s6, s31;
	s11 =	sor.u32 $0x10000, s13  }
0xa: {  	s12 =	sor.u32 $0x20000, s13;
	s15 =	sor.u32 $0x30000, s13;
	s16 =	sor.u32 $0x40000, s13  }
0xb: {  	s17 =	sor.u32 $0x50000, s13;
	s18 =	sor.u32 $0x60000, s13;
	s19 =	sor.u32 $0x70000, s13  }
.Ltmp0:
0xc: {  	s20 =	sadd.s32 $0x80000, s13;
	s7 =	sadd.s32 $0x2000, s6;
	(pc) =	sbr.rel .LBB2_1-.Ltmp0, $4  }
0xd: {  	v9 =	vimm.f32 $0.0e+00;
	s8 =	sadd.s32 $0x4000, s6;
	s9 =	sadd.s32 $0x6000, s6;
	s10 =	sadd.s32 $0x8000, s6  }
0xe: {  	v1 =	vmov s13;
	v0 =	vmov s11;
	s11 =	sadd.s32 $0xA000, s6;
	v2 =	vmov s12;
	s12 =	sadd.s32 $0xC000, s6;
	s13 =	sadd.s32 $0xE000, s6  }
0xf: {  	v3 =	vmov s15;
	v4 =	vmov s16;
	v5 =	vmov s17;
	s14 =	smax.u32 s14, $0x1;
	s15 =	simm.s32 $0x18000;
	s16 =	simm.s32 $0x1  }
0x10: {  	v6 =	vmov s18;
	v7 =	vmov s19;
	v8 =	vmov s20;
	s17 =	simm.s32 $0x4000;
	s18 =	simm.s32 $0x8000;
	s19 =	simm.s32 $0x0  }
.LBB2_82:
0x11: {  	[hbm4b:s13+s2] =	stream.linear.scatter [tilespmem:s18], [sflag:$0x1], $0x10000, $0x38;
	[tilespmem:$0x18080] =	vst v63  }
0x12: {  	_ =	swait.ge [sflag:s16], $0x10000  }
0x13: {  	[sflag:s16] =	ssyncset.done $0x0  }
0x14: {  	[sflag:s16] =	ssyncadd.s32 $0xFFFF0000  }
.LBB2_83:
0x15: {  	s19 =	sadd.s32 $0x1, s19  }
0x16: {  	p0 =	sne.s32 s19, s14  }
.Ltmp1:
0x17: {  	_ = 	snop;
	(pc) =	sbr.rel @!p0 .LBB2_84-.Ltmp1, $1  }
0x18: {  	_ =	sdelay $0x3  }
.LBB2_1:
0x19: {  	[tilespmem:s15], [sflag:$0x1] =	stream.linear.gather [hbm4b:s5+s2], $0x10, $0x38;
	[tilespmem:$0x18080] =	vst v63  }
0x1a: {  	_ =	swait.ge [sflag:s16], $0x10  }
0x1b: {  	[sflag:s16] =	ssyncset.done $0x0  }
0x1c: {  	[sflag:s16] =	ssyncadd.s32 $0xFFFFFFF0  }
0x1d: {  	v10 =	vld [tilespmem:$0x18000];
	_ =	sdelay $0x4  }
0x1e: {  	(v2sf) =	vpush v10, $0x0;
	_ =	sdelay $0xe  }
0x1f: {  	s21 =	spop (v2sf)  }
0x20: {  	s20 =	sand.u32 $0x7, s21  }
0x21: {  	s22 =	sshra.s32 s21, $0x1F;
	p0 =	slt.s32 s21, $0x1;
	p1 =	sne.s32 s20, $0x0  }
0x22: {  	s28 =	sshrl.u32 s22, $0x1D;
	p0 =	por !p0, !p1  }
0x23: {  	s22 =	simm.s32 $0x1;
	s20 =	sadd.s32 s28, s21;
	p0 =	por !p0, !p0  }
0x24: {  	s20 =	sshrl.u32 s20, $0x3;
	s22 =	simm.s32 @!p0 $0x0  }
0x25: {  	s20 =	ssub.s32 s20, s22  }
0x26: {  	s20 =	sshll.u32 s20, $0x3  }
0x27: {  	p0 =	slt.s32 s20, $0x3C000  }
0x28: {  	s20 =	simm.s32 @!p0 $0x3C000  }
0x29: {  	s29 =	sshrl.u32 s20, $0x3  }
0x2a: {  	s23 =	sadd.s32 s3, s29  }
0x2b: {  	[tilespmem:s2], [sflag:$0x1] =	stream.linear.gather [hbm4b:s23+s2], $0x4000, $0x38;
	[tilespmem:$0x18080] =	vst v63  }
0x2c: {  	_ =	swait.ge [sflag:s16], $0x4000  }
0x2d: {  	[sflag:s16] =	ssyncset.done $0x0  }
0x2e: {  	s22 =	sadd.s32 s4, s29;
	[sflag:s16] =	ssyncadd.s32 $0xFFFFC000  }
0x2f: {  	[tilespmem:s17], [sflag:$0x1] =	stream.linear.gather [hbm4b:s22+s2], $0x4000, $0x38;
	[tilespmem:$0x18080] =	vst v63  }
0x30: {  	_ =	swait.ge [sflag:s16], $0x4000  }
0x31: {  	s30 =	sand.u32 $0x70, s2;
	s31 =	sand.u32 $0x7C00, s2;
	[sflag:s16] =	ssyncset.done $0x0  }
0x32: {  	s23 =	sor.u32 s30, s31;
	[sflag:s16] =	ssyncadd.s32 $0xFFFFC000  }
0x33: {  	[tilespmem:s23+$0x8080] =	vst v9  }
0x34: {  	[tilespmem:s23+$0x8100] =	vst v9  }
0x35: {  	s26 =	sand.u32 $0x7, s2;
	[tilespmem:s23+$0x8180] =	vst v9  }
0x36: {  	s24 =	simm.s32 $0x10;
	s25 =	simm.s32 $0x0;
	s22 =	simm.s32 $0x0;
	[tilespmem:s23+$0x8200] =	vst v9  }
.LBB2_2:
0x37: {  	p0 =	sne.s32 s24, $0xFF0;
	s26 =	sshll.u32 s26, $0x4;
	[tilespmem:s23+$0x8280] =	vst v9  }
0x38: {  	s26 =	sadd.s32 s26, s22;
	[tilespmem:s23+$0x8300] =	vst v9  }
0x39: {  	[tilespmem:s23+$0x8000] =	vst v9;
	s26 =	sor.u32 $0x380, s26  }
0x3a: {  	[tilespmem:s26+$0x8000] =	vst v9  }
0x3b: {  	[tilespmem:s23+$0x10000] =	vst v9  }
0x3c: {  	[tilespmem:s23+$0x10080] =	vst v9  }
0x3d: {  	[tilespmem:s23+$0x10100] =	vst v9  }
0x3e: {  	[tilespmem:s23+$0x10180] =	vst v9  }
0x3f: {  	[tilespmem:s23+$0x10200] =	vst v9  }
0x40: {  	s22 =	sadd.s32 $0x80, s22;
	[tilespmem:s23+$0x10280] =	vst v9  }
0x41: {  	s28 =	sand.u32 $0x7C00, s22;
	s26 =	sand.u32 $0x70, s24;
	[tilespmem:s23+$0x10300] =	vst v9  }
.Ltmp2:
0x42: {  	[tilespmem:s23+$0x10380] =	vst v9;
	s23 =	sor.u32 s26, s28;
	(pc) =	sbr.rel @p0 .LBB2_2-.Ltmp2, $4  }
0x43: {  	[tilespmem:s23+$0x8080] =	vst v9  }
0x44: {  	[tilespmem:s23+$0x8100] =	vst v9  }
0x45: {  	s25 =	sadd.s32 $0x1, s25;
	[tilespmem:s23+$0x8180] =	vst v9  }
0x46: {  	s24 =	sadd.s32 $0x10, s24;
	s26 =	sand.u32 $0x7, s25;
	[tilespmem:s23+$0x8200] =	vst v9  }
0x47: {  	(v2sf) =	vpush v10, $0x1;
	_ =	sdelay $0xb  }
0x48: {  	s25 =	ssub.s32 s21, s20;
	p0 =	sne.s32 s21, s20;
	s21 =	simm.s32 $0x1  }
0x49: {  	s24 =	sshll.u32 s26, $0x4;
	s31 =	sshra.s32 s25, $0x1F;
	s21 =	simm.s32 @!p0 $0x0  }
0x4a: {  	s24 =	sadd.s32 s24, s22;
	s28 =	sshrl.u32 s31, $0x1C;
	s26 =	sor.u32 s21, s31  }
0x4b: {  	s24 =	sor.u32 $0x380, s24;
	s28 =	sadd.s32 s28, s25;
	s22 =	spop (v2sf)  }
0x4c: {  	p5 =	sne.s32 s26, $0x1;
	s25 =	sand.u32 $0xF, s25;
	s21 =	ssub.s32 s22, s20  }
0x4d: {  	p1 =	sne.s32 s25, $0x0;
	s30 =	sshra.s32 s28, $0x4;
	s26 =	sadd.s32 $0xF, s21  }
0x4e: {  	s28 =	simm.s32 $0x1;
	p0 =	por !p1, !p5;
	s29 =	sand.u32 $0xF, s26  }
0x4f: {  	p6 =	slt.s32 s26, $0x1;
	s31 =	sshra.s32 s26, $0x1F;
	p2 =	sne.s32 s29, $0x0  }
0x50: {  	[tilespmem:s23+$0x8280] =	vst v9;
	p0 =	por !p0, !p0;
	s25 =	sshrl.u32 s31, $0x1C;
	p1 =	por !p6, !p2  }
0x51: {  	[tilespmem:s23+$0x8300] =	vst v9;
	s25 =	sadd.s32 s25, s26;
	s26 =	simm.s32 $0x1;
	p1 =	por !p1, !p1  }
0x52: {  	[tilespmem:s23+$0x8000] =	vst v9;
	s28 =	simm.s32 @!p0 $0x0;
	s25 =	sshra.s32 s25, $0x4;
	s26 =	simm.s32 @!p1 $0x0  }
0x53: {  	[tilespmem:s24+$0x8000] =	vst v9;
	s24 =	ssub.s32 s30, s28;
	s25 =	ssub.s32 s25, s26  }
0x54: {  	[tilespmem:s23+$0x10000] =	vst v9;
	p0 =	sgt.s32 s24, $0x0;
	p1 =	slt.s32 s25, $0x400  }
0x55: {  	[tilespmem:s23+$0x10080] =	vst v9;
	s24 =	simm.s32 @!p0 $0x0;
	s25 =	simm.s32 @!p1 $0x400  }
0x56: {  	[tilespmem:s23+$0x10100] =	vst v9;
	p0 =	sle.s32 s25, s24  }
.Ltmp3:
0x57: {  	[tilespmem:s23+$0x10180] =	vst v9;
	(pc) =	sbr.rel @p0 .LBB2_12-.Ltmp3, $4  }
0x58: {  	[tilespmem:s23+$0x10200] =	vst v9  }
0x59: {  	[tilespmem:s23+$0x10280] =	vst v9  }
0x5a: {  	[tilespmem:s23+$0x10300] =	vst v9  }
0x5b: {  	[tilespmem:s23+$0x10380] =	vst v9  }
0x5c: {  	s25 =	ssub.s32 s25, s24  }
0x5d: {  	p1 =	sne.s32 s25, $0x1  }
.Ltmp4:
0x5e: {  	_ = 	snop;
	(pc) =	sbr.rel @!p1 .LBB2_5-.Ltmp4, $4  }
0x5f: {  	_ = 	snop  }
0x60: {  	s23 =	sshll.u32 s24, $0x6  }
0x61: {  	s23 =	sshra.s32 s23, $0x2  }
0x62: {  	p0 =	por $0x0, $0x0;
	s24 =	sadd.s32 $0xFFFFFFFF, s25;
	s26 =	sadd.s32 $0x4000, s23;
	v11 =	vld [tilespmem:s23+$0x0]  }
0x63: {  	_ =	sdelay $0x3  }
0x64: {  	v12 =	vsub.s32 v11, v1  }
0x65: {  	vm0 =	vgt.s32 v12, $0x0  }
0x66: {  	v12 =	vnsel vm0, $0x0, v12  }
0x67: {  	v12 =	vmin.u32 v12, $0xFFFF  }
0x68: {  	vm15 =	vge.s32 v11, v1;
	vm1 =	vlt.s32 v11, v0;
	v11 =	vshll.u32 v12, $0x3  }
0x69: {  	v13 =	vshrl.u32 v12, $0x5;
	v12 =	vand.u32 $0x807F, v12;
	v11 =	vand.u32 $0x7C00, v11  }
0x6a: {  	vm0 =	vmand vm15, vm1;
	v13 =	vand.u32 $0x380, v13;
	v11 =	vor.u32 v11, v12  }
0x6b: {  	v63 =	vld [tilespmem:s26+$0x0];
	v11 =	vor.u32 v13, v11  }
0x6c: {  	p1 =	sne.s32 s24, $0x1  }
.Ltmp5:
0x6d: {  	_ = 	snop;
	(pc) =	sbr.rel @!p1 .LBB2_7-.Ltmp5, $3  }
0x6e: {  	_ =	sdelay $0x1  }
0x6f: {  	s29 =	sadd.s32 $0x10, s23;
	[tilespmem:v11+s18+$0x0] =	vst.idx.msk vm0, v63  }
0x70: {  	s30 =	sadd.s32 $0xFFFFFFFF, s24;
	p0 =	por $0x1, $0x1;
	s28 =	smov.u32 s26;
	v11 =	vld [tilespmem:s29+$0x0]  }
.LBB2_8:
0x71: {  	p1 =	sne.s32 s30, $0x1;
	_ =	sdelay $0x3  }
0x72: {  	v12 =	vsub.s32 v11, v1  }
0x73: {  	vm0 =	vgt.s32 v12, $0x0  }
0x74: {  	v12 =	vnsel vm0, $0x0, v12  }
0x75: {  	v12 =	vmin.u32 v12, $0xFFFF  }
0x76: {  	vm1 =	vlt.s32 v11, v0;
	vm0 =	vge.s32 v11, v1;
	v11 =	vshll.u32 v12, $0x3  }
0x77: {  	v13 =	vshrl.u32 v12, $0x5;
	v12 =	vand.u32 $0x807F, v12;
	v11 =	vand.u32 $0x7C00, v11  }
0x78: {  	s28 =	sadd.s32 $0x10, s28;
	vm0 =	vmand vm0, vm1;
	v13 =	vand.u32 $0x380, v13;
	v11 =	vor.u32 v11, v12  }
0x79: {  	v12 =	vld [tilespmem:s28+$0x0];
	v11 =	vor.u32 v13, v11;
	_ =	sdelay $0x1  }
.Ltmp6:
0x7a: {  	(pc) =	sbr.rel @p1 .LBB2_8-.Ltmp6, $3  }
0x7b: {  	_ =	sdelay $0x1  }
0x7c: {  	s29 =	sadd.s32 $0x10, s29;
	[tilespmem:v11+s18+$0x0] =	vst.idx.msk vm0, v12  }
0x7d: {  	s30 =	sadd.s32 $0xFFFFFFFF, s30;
	v11 =	vld [tilespmem:s29+$0x0]  }
.LBB2_9:
0x7e: {  	_ =	sdelay $0x3  }
0x7f: {  	v12 =	vsub.s32 v11, v1  }
0x80: {  	vm0 =	vgt.s32 v12, $0x0  }
0x81: {  	v12 =	vnsel vm0, $0x0, v12  }
0x82: {  	v12 =	vmin.u32 v12, $0xFFFF  }
0x83: {  	vm15 =	vge.s32 v11, v1;
	vm1 =	vlt.s32 v11, v0;
	v11 =	vshll.u32 v12, $0x3  }
0x84: {  	s28 =	sadd.s32 @p0 $0x10, s28;
	v13 =	vshrl.u32 v12, $0x5;
	v12 =	vand.u32 $0x807F, v12;
	v11 =	vand.u32 $0x7C00, v11  }
0x85: {  	s26 =	smov.u32 @p0 s28;
	vm0 =	vmand vm15, vm1;
	v13 =	vand.u32 $0x380, v13;
	v11 =	vor.u32 v11, v12  }
0x86: {  	v63 =	vld [tilespmem:s26+$0x0];
	v11 =	vor.u32 v13, v11;
	_ =	sdelay $0x4  }
0x87: {  	p0 =	seq.s32 s25, $0x1;
	[tilespmem:v11+s18+$0x0] =	vst.idx.msk vm0, v63  }
0x88: {  	[hbm4b:s6+s2] =	stream.linear.scatter [tilespmem:s18], [sflag:$0x1], $0x10000, $0x38;
	[tilespmem:$0x18080] =	vst v63  }
.Ltmp7:
0x89: {  	_ = 	snop;
	(pc) =	sbr.rel @p0 .LBB2_11-.Ltmp7, $4  }
0x8a: {  	_ =	swait.ge [sflag:s16], $0x10000  }
0x8b: {  	[sflag:s16] =	ssyncset.done $0x0  }
0x8c: {  	[sflag:s16] =	ssyncadd.s32 $0xFFFF0000  }
0x8d: {  	v11 =	vld [tilespmem:s23+$0x0]  }
.LBB2_10:
0x8e: {  	p0 =	seq.s32 s24, $0x1;
	_ =	sdelay $0x3  }
0x8f: {  	v12 =	vsub.s32 v11, v1  }
0x90: {  	vm0 =	vgt.s32 v12, $0x0  }
0x91: {  	v12 =	vnsel vm0, $0x0, v12  }
0x92: {  	v12 =	vmin.u32 v12, $0xFFFF  }
0x93: {  	vm1 =	vlt.s32 v11, v0;
	vm0 =	vge.s32 v11, v1;
	v11 =	vshll.u32 v12, $0x3  }
0x94: {  	v13 =	vshrl.u32 v12, $0x5;
	v12 =	vand.u32 $0x807F, v12;
	v11 =	vand.u32 $0x7C00, v11  }
0x95: {  	vm0 =	vmand vm0, vm1;
	v13 =	vand.u32 $0x380, v13;
	v11 =	vor.u32 v11, v12  }
0x96: {  	v11 =	vor.u32 v13, v11;
	_ =	sdelay $0x1  }
.Ltmp8:
0x97: {  	(pc) =	sbr.rel @!p0 .LBB2_10-.Ltmp8, $3  }
0x98: {  	_ =	sdelay $0x1  }
0x99: {  	s23 =	sadd.s32 $0x10, s23;
	[tilespmem:v11+s18+$0x0] =	vst.idx.msk vm0, v9  }
0x9a: {  	s24 =	sadd.s32 $0xFFFFFFFF, s24;
	v11 =	vld [tilespmem:s23+$0x0]  }
.LBB2_11:
0x9b: {  	_ =	sdelay $0x3  }
0x9c: {  	v12 =	vsub.s32 v11, v1  }
0x9d: {  	vm0 =	vgt.s32 v12, $0x0  }
0x9e: {  	v12 =	vnsel vm0, $0x0, v12  }
0x9f: {  	v12 =	vmin.u32 v12, $0xFFFF  }
0xa0: {  	vm15 =	vge.s32 v11, v1;
	vm1 =	vlt.s32 v11, v0;
	v11 =	vshll.u32 v12, $0x3  }
0xa1: {  	v13 =	vshrl.u32 v12, $0x5;
	v12 =	vand.u32 $0x807F, v12;
	v11 =	vand.u32 $0x7C00, v11  }
0xa2: {  	vm0 =	vmand vm15, vm1;
	v13 =	vand.u32 $0x380, v13;
	v11 =	vor.u32 v11, v12  }
0xa3: {  	v11 =	vor.u32 v13, v11  }
.Ltmp9:
0xa4: {  	_ = 	snop;
	(pc) =	sbr.rel .LBB2_13-.Ltmp9, $2  }
0xa5: {  	_ =	sdelay $0x2  }
0xa6: {  	[tilespmem:v11+s18+$0x0] =	vst.idx.msk vm0, v9  }
.LBB2_12:
0xa7: {  	[hbm4b:s6+s2] =	stream.linear.scatter [tilespmem:s18], [sflag:$0x1], $0x10000, $0x38;
	[tilespmem:$0x18080] =	vst v63  }
0xa8: {  	_ =	swait.ge [sflag:s16], $0x10000  }
0xa9: {  	[sflag:s16] =	ssyncset.done $0x0  }
0xaa: {  	[sflag:s16] =	ssyncadd.s32 $0xFFFF0000  }
.LBB2_13:
0xab: {  	(v2sf) =	vpush v10, $0x2;
	_ =	sdelay $0xc  }
0xac: {  	s24 =	sshra.s32 s21, $0x1F;
	p0 =	sne.s32 s22, s20;
	s26 =	simm.s32 $0x1  }
0xad: {  	s25 =	sshrl.u32 s24, $0x1C;
	s26 =	simm.s32 @!p0 $0x0  }
0xae: {  	s25 =	sadd.s32 s25, s21;
	s24 =	sor.u32 s26, s24;
	s23 =	spop (v2sf)  }
0xaf: {  	s26 =	sand.u32 $0xF, s21;
	p5 =	sne.s32 s24, $0x1;
	s22 =	ssub.s32 s23, s20  }
0xb0: {  	p1 =	sne.s32 s26, $0x0;
	s30 =	sshra.s32 s25, $0x4;
	s28 =	sadd.s32 $0xF, s22  }
0xb1: {  	s25 =	simm.s32 $0x1;
	s26 =	simm.s32 $0x1;
	s29 =	sand.u32 $0xF, s28  }
0xb2: {  	p6 =	slt.s32 s28, $0x1;
	s31 =	sshra.s32 s28, $0x1F;
	p2 =	sne.s32 s29, $0x0  }
0xb3: {  	p0 =	por !p1, !p5;
	s24 =	sshrl.u32 s31, $0x1C;
	p1 =	por !p6, !p2  }
0xb4: {  	p0 =	por !p0, !p0;
	s24 =	sadd.s32 s24, s28;
	p1 =	por !p1, !p1  }
0xb5: {  	s25 =	simm.s32 @!p0 $0x0;
	s24 =	sshra.s32 s24, $0x4;
	s26 =	simm.s32 @!p1 $0x0  }
0xb6: {  	s21 =	ssub.s32 s30, s25;
	s24 =	ssub.s32 s24, s26  }
0xb7: {  	p0 =	sgt.s32 s21, $0x0;
	p1 =	slt.s32 s24, $0x400  }
0xb8: {  	s21 =	simm.s32 @!p0 $0x0;
	s24 =	simm.s32 @!p1 $0x400  }
0xb9: {  	p0 =	sle.s32 s24, s21  }
.Ltmp10:
0xba: {  	_ = 	snop;
	(pc) =	sbr.rel @p0 .LBB2_22-.Ltmp10, $1  }
0xbb: {  	_ =	sdelay $0x3  }
0xbc: {  	s25 =	ssub.s32 s24, s21  }
0xbd: {  	p1 =	sne.s32 s25, $0x1  }
.Ltmp11:
0xbe: {  	_ = 	snop;
	(pc) =	sbr.rel @!p1 .LBB2_15-.Ltmp11, $4  }
0xbf: {  	_ = 	snop  }
0xc0: {  	s31 =	sshll.u32 s21, $0x6  }
0xc1: {  	s21 =	sshra.s32 s31, $0x2  }
0xc2: {  	p0 =	por $0x0, $0x0;
	s24 =	sadd.s32 $0xFFFFFFFF, s25;
	s26 =	sadd.s32 $0x4000, s21;
	v11 =	vld [tilespmem:s21+$0x0]  }
0xc3: {  	_ =	sdelay $0x3  }
0xc4: {  	v12 =	vsub.s32 v11, v0  }
0xc5: {  	vm0 =	vgt.s32 v12, $0x0  }
0xc6: {  	v12 =	vnsel vm0, $0x0, v12  }
0xc7: {  	v12 =	vmin.u32 v12, $0xFFFF  }
0xc8: {  	vm15 =	vge.s32 v11, v0;
	vm1 =	vlt.s32 v11, v2;
	v11 =	vshll.u32 v12, $0x3  }
0xc9: {  	v13 =	vshrl.u32 v12, $0x5;
	v12 =	vand.u32 $0x807F, v12;
	v11 =	vand.u32 $0x7C00, v11  }
0xca: {  	vm0 =	vmand vm15, vm1;
	v13 =	vand.u32 $0x380, v13;
	v11 =	vor.u32 v11, v12  }
0xcb: {  	v63 =	vld [tilespmem:s26+$0x0];
	v11 =	vor.u32 v13, v11  }
0xcc: {  	p1 =	sne.s32 s24, $0x1  }
.Ltmp12:
0xcd: {  	_ = 	snop;
	(pc) =	sbr.rel @!p1 .LBB2_17-.Ltmp12, $3  }
0xce: {  	_ =	sdelay $0x1  }
0xcf: {  	s29 =	sadd.s32 $0x10, s21;
	[tilespmem:v11+s18+$0x0] =	vst.idx.msk vm0, v63  }
0xd0: {  	s30 =	sadd.s32 $0xFFFFFFFF, s24;
	p0 =	por $0x1, $0x1;
	s28 =	smov.u32 s26;
	v11 =	vld [tilespmem:s29+$0x0]  }
.LBB2_18:
0xd1: {  	p1 =	sne.s32 s30, $0x1;
	_ =	sdelay $0x3  }
0xd2: {  	v12 =	vsub.s32 v11, v0  }
0xd3: {  	vm0 =	vgt.s32 v12, $0x0  }
0xd4: {  	v12 =	vnsel vm0, $0x0, v12  }
0xd5: {  	v12 =	vmin.u32 v12, $0xFFFF  }
0xd6: {  	vm1 =	vlt.s32 v11, v2;
	vm0 =	vge.s32 v11, v0;
	v11 =	vshll.u32 v12, $0x3  }
0xd7: {  	v13 =	vshrl.u32 v12, $0x5;
	v12 =	vand.u32 $0x807F, v12;
	v11 =	vand.u32 $0x7C00, v11  }
0xd8: {  	s28 =	sadd.s32 $0x10, s28;
	vm0 =	vmand vm0, vm1;
	v13 =	vand.u32 $0x380, v13;
	v11 =	vor.u32 v11, v12  }
0xd9: {  	v12 =	vld [tilespmem:s28+$0x0];
	v11 =	vor.u32 v13, v11;
	_ =	sdelay $0x1  }
.Ltmp13:
0xda: {  	(pc) =	sbr.rel @p1 .LBB2_18-.Ltmp13, $3  }
0xdb: {  	_ =	sdelay $0x1  }
0xdc: {  	s29 =	sadd.s32 $0x10, s29;
	[tilespmem:v11+s18+$0x0] =	vst.idx.msk vm0, v12  }
0xdd: {  	s30 =	sadd.s32 $0xFFFFFFFF, s30;
	v11 =	vld [tilespmem:s29+$0x0]  }
.LBB2_19:
0xde: {  	_ =	sdelay $0x3  }
0xdf: {  	v12 =	vsub.s32 v11, v0  }
0xe0: {  	vm0 =	vgt.s32 v12, $0x0  }
0xe1: {  	v12 =	vnsel vm0, $0x0, v12  }
0xe2: {  	v12 =	vmin.u32 v12, $0xFFFF  }
0xe3: {  	vm15 =	vge.s32 v11, v0;
	vm1 =	vlt.s32 v11, v2;
	v11 =	vshll.u32 v12, $0x3  }
0xe4: {  	s28 =	sadd.s32 @p0 $0x10, s28;
	v13 =	vshrl.u32 v12, $0x5;
	v12 =	vand.u32 $0x807F, v12;
	v11 =	vand.u32 $0x7C00, v11  }
0xe5: {  	s26 =	smov.u32 @p0 s28;
	vm0 =	vmand vm15, vm1;
	v13 =	vand.u32 $0x380, v13;
	v11 =	vor.u32 v11, v12  }
0xe6: {  	v63 =	vld [tilespmem:s26+$0x0];
	v11 =	vor.u32 v13, v11;
	_ =	sdelay $0x4  }
0xe7: {  	p0 =	seq.s32 s25, $0x1;
	[tilespmem:v11+s18+$0x0] =	vst.idx.msk vm0, v63  }
0xe8: {  	[hbm4b:s7+s2] =	stream.linear.scatter [tilespmem:s18], [sflag:$0x1], $0x10000, $0x38;
	[tilespmem:$0x18080] =	vst v63  }
.Ltmp14:
0xe9: {  	_ = 	snop;
	(pc) =	sbr.rel @p0 .LBB2_21-.Ltmp14, $4  }
0xea: {  	_ =	swait.ge [sflag:s16], $0x10000  }
0xeb: {  	[sflag:s16] =	ssyncset.done $0x0  }
0xec: {  	[sflag:s16] =	ssyncadd.s32 $0xFFFF0000  }
0xed: {  	v11 =	vld [tilespmem:s21+$0x0]  }
.LBB2_20:
0xee: {  	p0 =	seq.s32 s24, $0x1;
	_ =	sdelay $0x3  }
0xef: {  	v12 =	vsub.s32 v11, v0  }
0xf0: {  	vm0 =	vgt.s32 v12, $0x0  }
0xf1: {  	v12 =	vnsel vm0, $0x0, v12  }
0xf2: {  	v12 =	vmin.u32 v12, $0xFFFF  }
0xf3: {  	vm1 =	vlt.s32 v11, v2;
	vm0 =	vge.s32 v11, v0;
	v11 =	vshll.u32 v12, $0x3  }
0xf4: {  	v13 =	vshrl.u32 v12, $0x5;
	v12 =	vand.u32 $0x807F, v12;
	v11 =	vand.u32 $0x7C00, v11  }
0xf5: {  	vm0 =	vmand vm0, vm1;
	v13 =	vand.u32 $0x380, v13;
	v11 =	vor.u32 v11, v12  }
0xf6: {  	v11 =	vor.u32 v13, v11;
	_ =	sdelay $0x1  }
.Ltmp15:
0xf7: {  	(pc) =	sbr.rel @!p0 .LBB2_20-.Ltmp15, $3  }
0xf8: {  	_ =	sdelay $0x1  }
0xf9: {  	s21 =	sadd.s32 $0x10, s21;
	[tilespmem:v11+s18+$0x0] =	vst.idx.msk vm0, v9  }
0xfa: {  	s24 =	sadd.s32 $0xFFFFFFFF, s24;
	v11 =	vld [tilespmem:s21+$0x0]  }
.LBB2_21:
0xfb: {  	_ =	sdelay $0x3  }
0xfc: {  	v12 =	vsub.s32 v11, v0  }
0xfd: {  	vm0 =	vgt.s32 v12, $0x0  }
0xfe: {  	v12 =	vnsel vm0, $0x0, v12  }
0xff: {  	v12 =	vmin.u32 v12, $0xFFFF  }
0x100: {  	vm15 =	vge.s32 v11, v0;
	vm1 =	vlt.s32 v11, v2;
	v11 =	vshll.u32 v12, $0x3  }
0x101: {  	v13 =	vshrl.u32 v12, $0x5;
	v12 =	vand.u32 $0x807F, v12;
	v11 =	vand.u32 $0x7C00, v11  }
0x102: {  	vm0 =	vmand vm15, vm1;
	v13 =	vand.u32 $0x380, v13;
	v11 =	vor.u32 v11, v12  }
0x103: {  	v11 =	vor.u32 v13, v11  }
.Ltmp16:
0x104: {  	_ = 	snop;
	(pc) =	sbr.rel .LBB2_23-.Ltmp16, $2  }
0x105: {  	_ =	sdelay $0x2  }
0x106: {  	[tilespmem:v11+s18+$0x0] =	vst.idx.msk vm0, v9  }
.LBB2_22:
0x107: {  	[hbm4b:s7+s2] =	stream.linear.scatter [tilespmem:s18], [sflag:$0x1], $0x10000, $0x38;
	[tilespmem:$0x18080] =	vst v63  }
0x108: {  	_ =	swait.ge [sflag:s16], $0x10000  }
0x109: {  	[sflag:s16] =	ssyncset.done $0x0  }
0x10a: {  	[sflag:s16] =	ssyncadd.s32 $0xFFFF0000  }
.LBB2_23:
0x10b: {  	(v2sf) =	vpush v10, $0x3;
	_ =	sdelay $0xc  }
0x10c: {  	s24 =	sshra.s32 s22, $0x1F;
	p0 =	sne.s32 s23, s20;
	s25 =	simm.s32 $0x1  }
0x10d: {  	s21 =	sshrl.u32 s24, $0x1C;
	s25 =	simm.s32 @!p0 $0x0  }
0x10e: {  	s26 =	sadd.s32 s21, s22;
	s24 =	sor.u32 s25, s24;
	s23 =	spop (v2sf)  }
0x10f: {  	s25 =	sand.u32 $0xF, s22;
	p5 =	sne.s32 s24, $0x1;
	s21 =	ssub.s32 s23, s20  }
0x110: {  	p1 =	sne.s32 s25, $0x0;
	s30 =	sshra.s32 s26, $0x4;
	s28 =	sadd.s32 $0xF, s21  }
0x111: {  	s26 =	simm.s32 $0x1;
	s25 =	simm.s32 $0x1;
	s29 =	sand.u32 $0xF, s28  }
0x112: {  	p6 =	slt.s32 s28, $0x1;
	s31 =	sshra.s32 s28, $0x1F;
	p2 =	sne.s32 s29, $0x0  }
0x113: {  	p0 =	por !p1, !p5;
	s24 =	sshrl.u32 s31, $0x1C;
	p1 =	por !p6, !p2  }
0x114: {  	p0 =	por !p0, !p0;
	s24 =	sadd.s32 s24, s28;
	p1 =	por !p1, !p1  }
0x115: {  	s26 =	simm.s32 @!p0 $0x0;
	s24 =	sshra.s32 s24, $0x4;
	s25 =	simm.s32 @!p1 $0x0  }
0x116: {  	s22 =	ssub.s32 s30, s26;
	s24 =	ssub.s32 s24, s25  }
0x117: {  	p0 =	sgt.s32 s22, $0x0;
	p1 =	slt.s32 s24, $0x400  }
0x118: {  	s22 =	simm.s32 @!p0 $0x0;
	s24 =	simm.s32 @!p1 $0x400  }
0x119: {  	p0 =	sle.s32 s24, s22  }
.Ltmp17:
0x11a: {  	_ = 	snop;
	(pc) =	sbr.rel @p0 .LBB2_32-.Ltmp17, $1  }
0x11b: {  	_ =	sdelay $0x3  }
0x11c: {  	s25 =	ssub.s32 s24, s22  }
0x11d: {  	p1 =	sne.s32 s25, $0x1  }
.Ltmp18:
0x11e: {  	_ = 	snop;
	(pc) =	sbr.rel @!p1 .LBB2_25-.Ltmp18, $4  }
0x11f: {  	_ = 	snop  }
0x120: {  	s31 =	sshll.u32 s22, $0x6  }
0x121: {  	s22 =	sshra.s32 s31, $0x2  }
0x122: {  	p0 =	por $0x0, $0x0;
	s24 =	sadd.s32 $0xFFFFFFFF, s25;
	s26 =	sadd.s32 $0x4000, s22;
	v11 =	vld [tilespmem:s22+$0x0]  }
0x123: {  	_ =	sdelay $0x3  }
0x124: {  	v12 =	vsub.s32 v11, v2  }
0x125: {  	vm0 =	vgt.s32 v12, $0x0  }
0x126: {  	v12 =	vnsel vm0, $0x0, v12  }
0x127: {  	v12 =	vmin.u32 v12, $0xFFFF  }
0x128: {  	vm15 =	vge.s32 v11, v2;
	vm1 =	vlt.s32 v11, v3;
	v11 =	vshll.u32 v12, $0x3  }
0x129: {  	v13 =	vshrl.u32 v12, $0x5;
	v12 =	vand.u32 $0x807F, v12;
	v11 =	vand.u32 $0x7C00, v11  }
0x12a: {  	vm0 =	vmand vm15, vm1;
	v13 =	vand.u32 $0x380, v13;
	v11 =	vor.u32 v11, v12  }
0x12b: {  	v63 =	vld [tilespmem:s26+$0x0];
	v11 =	vor.u32 v13, v11  }
0x12c: {  	p1 =	sne.s32 s24, $0x1  }
.Ltmp19:
0x12d: {  	_ = 	snop;
	(pc) =	sbr.rel @!p1 .LBB2_27-.Ltmp19, $3  }
0x12e: {  	_ =	sdelay $0x1  }
0x12f: {  	s29 =	sadd.s32 $0x10, s22;
	[tilespmem:v11+s18+$0x0] =	vst.idx.msk vm0, v63  }
0x130: {  	s30 =	sadd.s32 $0xFFFFFFFF, s24;
	p0 =	por $0x1, $0x1;
	s28 =	smov.u32 s26;
	v11 =	vld [tilespmem:s29+$0x0]  }
.LBB2_28:
0x131: {  	p1 =	sne.s32 s30, $0x1;
	_ =	sdelay $0x3  }
0x132: {  	v12 =	vsub.s32 v11, v2  }
0x133: {  	vm0 =	vgt.s32 v12, $0x0  }
0x134: {  	v12 =	vnsel vm0, $0x0, v12  }
0x135: {  	v12 =	vmin.u32 v12, $0xFFFF  }
0x136: {  	vm1 =	vlt.s32 v11, v3;
	vm0 =	vge.s32 v11, v2;
	v11 =	vshll.u32 v12, $0x3  }
0x137: {  	v13 =	vshrl.u32 v12, $0x5;
	v12 =	vand.u32 $0x807F, v12;
	v11 =	vand.u32 $0x7C00, v11  }
0x138: {  	s28 =	sadd.s32 $0x10, s28;
	vm0 =	vmand vm0, vm1;
	v13 =	vand.u32 $0x380, v13;
	v11 =	vor.u32 v11, v12  }
0x139: {  	v12 =	vld [tilespmem:s28+$0x0];
	v11 =	vor.u32 v13, v11;
	_ =	sdelay $0x1  }
.Ltmp20:
0x13a: {  	(pc) =	sbr.rel @p1 .LBB2_28-.Ltmp20, $3  }
0x13b: {  	_ =	sdelay $0x1  }
0x13c: {  	s29 =	sadd.s32 $0x10, s29;
	[tilespmem:v11+s18+$0x0] =	vst.idx.msk vm0, v12  }
0x13d: {  	s30 =	sadd.s32 $0xFFFFFFFF, s30;
	v11 =	vld [tilespmem:s29+$0x0]  }
.LBB2_29:
0x13e: {  	_ =	sdelay $0x3  }
0x13f: {  	v12 =	vsub.s32 v11, v2  }
0x140: {  	vm0 =	vgt.s32 v12, $0x0  }
0x141: {  	v12 =	vnsel vm0, $0x0, v12  }
0x142: {  	v12 =	vmin.u32 v12, $0xFFFF  }
0x143: {  	vm15 =	vge.s32 v11, v2;
	vm1 =	vlt.s32 v11, v3;
	v11 =	vshll.u32 v12, $0x3  }
0x144: {  	s28 =	sadd.s32 @p0 $0x10, s28;
	v13 =	vshrl.u32 v12, $0x5;
	v12 =	vand.u32 $0x807F, v12;
	v11 =	vand.u32 $0x7C00, v11  }
0x145: {  	s26 =	smov.u32 @p0 s28;
	vm0 =	vmand vm15, vm1;
	v13 =	vand.u32 $0x380, v13;
	v11 =	vor.u32 v11, v12  }
0x146: {  	v63 =	vld [tilespmem:s26+$0x0];
	v11 =	vor.u32 v13, v11;
	_ =	sdelay $0x4  }
0x147: {  	p0 =	seq.s32 s25, $0x1;
	[tilespmem:v11+s18+$0x0] =	vst.idx.msk vm0, v63  }
0x148: {  	[hbm4b:s8+s2] =	stream.linear.scatter [tilespmem:s18], [sflag:$0x1], $0x10000, $0x38;
	[tilespmem:$0x18080] =	vst v63  }
.Ltmp21:
0x149: {  	_ = 	snop;
	(pc) =	sbr.rel @p0 .LBB2_31-.Ltmp21, $4  }
0x14a: {  	_ =	swait.ge [sflag:s16], $0x10000  }
0x14b: {  	[sflag:s16] =	ssyncset.done $0x0  }
0x14c: {  	[sflag:s16] =	ssyncadd.s32 $0xFFFF0000  }
0x14d: {  	v11 =	vld [tilespmem:s22+$0x0]  }
.LBB2_30:
0x14e: {  	p0 =	seq.s32 s24, $0x1;
	_ =	sdelay $0x3  }
0x14f: {  	v12 =	vsub.s32 v11, v2  }
0x150: {  	vm0 =	vgt.s32 v12, $0x0  }
0x151: {  	v12 =	vnsel vm0, $0x0, v12  }
0x152: {  	v12 =	vmin.u32 v12, $0xFFFF  }
0x153: {  	vm1 =	vlt.s32 v11, v3;
	vm0 =	vge.s32 v11, v2;
	v11 =	vshll.u32 v12, $0x3  }
0x154: {  	v13 =	vshrl.u32 v12, $0x5;
	v12 =	vand.u32 $0x807F, v12;
	v11 =	vand.u32 $0x7C00, v11  }
0x155: {  	vm0 =	vmand vm0, vm1;
	v13 =	vand.u32 $0x380, v13;
	v11 =	vor.u32 v11, v12  }
0x156: {  	v11 =	vor.u32 v13, v11;
	_ =	sdelay $0x1  }
.Ltmp22:
0x157: {  	(pc) =	sbr.rel @!p0 .LBB2_30-.Ltmp22, $3  }
0x158: {  	_ =	sdelay $0x1  }
0x159: {  	s22 =	sadd.s32 $0x10, s22;
	[tilespmem:v11+s18+$0x0] =	vst.idx.msk vm0, v9  }
0x15a: {  	s24 =	sadd.s32 $0xFFFFFFFF, s24;
	v11 =	vld [tilespmem:s22+$0x0]  }
.LBB2_31:
0x15b: {  	_ =	sdelay $0x3  }
0x15c: {  	v12 =	vsub.s32 v11, v2  }
0x15d: {  	vm0 =	vgt.s32 v12, $0x0  }
0x15e: {  	v12 =	vnsel vm0, $0x0, v12  }
0x15f: {  	v12 =	vmin.u32 v12, $0xFFFF  }
0x160: {  	vm15 =	vge.s32 v11, v2;
	vm1 =	vlt.s32 v11, v3;
	v11 =	vshll.u32 v12, $0x3  }
0x161: {  	v13 =	vshrl.u32 v12, $0x5;
	v12 =	vand.u32 $0x807F, v12;
	v11 =	vand.u32 $0x7C00, v11  }
0x162: {  	vm0 =	vmand vm15, vm1;
	v13 =	vand.u32 $0x380, v13;
	v11 =	vor.u32 v11, v12  }
0x163: {  	v11 =	vor.u32 v13, v11  }
.Ltmp23:
0x164: {  	_ = 	snop;
	(pc) =	sbr.rel .LBB2_33-.Ltmp23, $2  }
0x165: {  	_ =	sdelay $0x2  }
0x166: {  	[tilespmem:v11+s18+$0x0] =	vst.idx.msk vm0, v9  }
.LBB2_32:
0x167: {  	[hbm4b:s8+s2] =	stream.linear.scatter [tilespmem:s18], [sflag:$0x1], $0x10000, $0x38;
	[tilespmem:$0x18080] =	vst v63  }
0x168: {  	_ =	swait.ge [sflag:s16], $0x10000  }
0x169: {  	[sflag:s16] =	ssyncset.done $0x0  }
0x16a: {  	[sflag:s16] =	ssyncadd.s32 $0xFFFF0000  }
.LBB2_33:
0x16b: {  	(v2sf) =	vpush v10, $0x4;
	_ =	sdelay $0xc  }
0x16c: {  	s24 =	sshra.s32 s21, $0x1F;
	p0 =	sne.s32 s23, s20;
	s25 =	simm.s32 $0x1  }
0x16d: {  	s22 =	sshrl.u32 s24, $0x1C;
	s25 =	simm.s32 @!p0 $0x0  }
0x16e: {  	s26 =	sadd.s32 s22, s21;
	s24 =	sor.u32 s25, s24;
	s23 =	spop (v2sf)  }
0x16f: {  	s25 =	sand.u32 $0xF, s21;
	p5 =	sne.s32 s24, $0x1;
	s22 =	ssub.s32 s23, s20  }
0x170: {  	p1 =	sne.s32 s25, $0x0;
	s30 =	sshra.s32 s26, $0x4;
	s28 =	sadd.s32 $0xF, s22  }
0x171: {  	s26 =	simm.s32 $0x1;
	s25 =	simm.s32 $0x1;
	s29 =	sand.u32 $0xF, s28  }
0x172: {  	p6 =	slt.s32 s28, $0x1;
	s31 =	sshra.s32 s28, $0x1F;
	p2 =	sne.s32 s29, $0x0  }
0x173: {  	p0 =	por !p1, !p5;
	s24 =	sshrl.u32 s31, $0x1C;
	p1 =	por !p6, !p2  }
0x174: {  	p0 =	por !p0, !p0;
	s24 =	sadd.s32 s24, s28;
	p1 =	por !p1, !p1  }
0x175: {  	s26 =	simm.s32 @!p0 $0x0;
	s24 =	sshra.s32 s24, $0x4;
	s25 =	simm.s32 @!p1 $0x0  }
0x176: {  	s21 =	ssub.s32 s30, s26;
	s24 =	ssub.s32 s24, s25  }
0x177: {  	p0 =	sgt.s32 s21, $0x0;
	p1 =	slt.s32 s24, $0x400  }
0x178: {  	s21 =	simm.s32 @!p0 $0x0;
	s24 =	simm.s32 @!p1 $0x400  }
0x179: {  	p0 =	sle.s32 s24, s21  }
.Ltmp24:
0x17a: {  	_ = 	snop;
	(pc) =	sbr.rel @p0 .LBB2_42-.Ltmp24, $1  }
0x17b: {  	_ =	sdelay $0x3  }
0x17c: {  	s25 =	ssub.s32 s24, s21  }
0x17d: {  	p1 =	sne.s32 s25, $0x1  }
.Ltmp25:
0x17e: {  	_ = 	snop;
	(pc) =	sbr.rel @!p1 .LBB2_35-.Ltmp25, $4  }
0x17f: {  	_ = 	snop  }
0x180: {  	s31 =	sshll.u32 s21, $0x6  }
0x181: {  	s21 =	sshra.s32 s31, $0x2  }
0x182: {  	p0 =	por $0x0, $0x0;
	s24 =	sadd.s32 $0xFFFFFFFF, s25;
	s26 =	sadd.s32 $0x4000, s21;
	v11 =	vld [tilespmem:s21+$0x0]  }
0x183: {  	_ =	sdelay $0x3  }
0x184: {  	v12 =	vsub.s32 v11, v3  }
0x185: {  	vm0 =	vgt.s32 v12, $0x0  }
0x186: {  	v12 =	vnsel vm0, $0x0, v12  }
0x187: {  	v12 =	vmin.u32 v12, $0xFFFF  }
0x188: {  	vm15 =	vge.s32 v11, v3;
	vm1 =	vlt.s32 v11, v4;
	v11 =	vshll.u32 v12, $0x3  }
0x189: {  	v13 =	vshrl.u32 v12, $0x5;
	v12 =	vand.u32 $0x807F, v12;
	v11 =	vand.u32 $0x7C00, v11  }
0x18a: {  	vm0 =	vmand vm15, vm1;
	v13 =	vand.u32 $0x380, v13;
	v11 =	vor.u32 v11, v12  }
0x18b: {  	v63 =	vld [tilespmem:s26+$0x0];
	v11 =	vor.u32 v13, v11  }
0x18c: {  	p1 =	sne.s32 s24, $0x1  }
.Ltmp26:
0x18d: {  	_ = 	snop;
	(pc) =	sbr.rel @!p1 .LBB2_37-.Ltmp26, $3  }
0x18e: {  	_ =	sdelay $0x1  }
0x18f: {  	s29 =	sadd.s32 $0x10, s21;
	[tilespmem:v11+s18+$0x0] =	vst.idx.msk vm0, v63  }
0x190: {  	s30 =	sadd.s32 $0xFFFFFFFF, s24;
	p0 =	por $0x1, $0x1;
	s28 =	smov.u32 s26;
	v11 =	vld [tilespmem:s29+$0x0]  }
.LBB2_38:
0x191: {  	p1 =	sne.s32 s30, $0x1;
	_ =	sdelay $0x3  }
0x192: {  	v12 =	vsub.s32 v11, v3  }
0x193: {  	vm0 =	vgt.s32 v12, $0x0  }
0x194: {  	v12 =	vnsel vm0, $0x0, v12  }
0x195: {  	v12 =	vmin.u32 v12, $0xFFFF  }
0x196: {  	vm1 =	vlt.s32 v11, v4;
	vm0 =	vge.s32 v11, v3;
	v11 =	vshll.u32 v12, $0x3  }
0x197: {  	v13 =	vshrl.u32 v12, $0x5;
	v12 =	vand.u32 $0x807F, v12;
	v11 =	vand.u32 $0x7C00, v11  }
0x198: {  	s28 =	sadd.s32 $0x10, s28;
	vm0 =	vmand vm0, vm1;
	v13 =	vand.u32 $0x380, v13;
	v11 =	vor.u32 v11, v12  }
0x199: {  	v12 =	vld [tilespmem:s28+$0x0];
	v11 =	vor.u32 v13, v11;
	_ =	sdelay $0x1  }
.Ltmp27:
0x19a: {  	(pc) =	sbr.rel @p1 .LBB2_38-.Ltmp27, $3  }
0x19b: {  	_ =	sdelay $0x1  }
0x19c: {  	s29 =	sadd.s32 $0x10, s29;
	[tilespmem:v11+s18+$0x0] =	vst.idx.msk vm0, v12  }
0x19d: {  	s30 =	sadd.s32 $0xFFFFFFFF, s30;
	v11 =	vld [tilespmem:s29+$0x0]  }
.LBB2_39:
0x19e: {  	_ =	sdelay $0x3  }
0x19f: {  	v12 =	vsub.s32 v11, v3  }
0x1a0: {  	vm0 =	vgt.s32 v12, $0x0  }
0x1a1: {  	v12 =	vnsel vm0, $0x0, v12  }
0x1a2: {  	v12 =	vmin.u32 v12, $0xFFFF  }
0x1a3: {  	vm15 =	vge.s32 v11, v3;
	vm1 =	vlt.s32 v11, v4;
	v11 =	vshll.u32 v12, $0x3  }
0x1a4: {  	s28 =	sadd.s32 @p0 $0x10, s28;
	v13 =	vshrl.u32 v12, $0x5;
	v12 =	vand.u32 $0x807F, v12;
	v11 =	vand.u32 $0x7C00, v11  }
0x1a5: {  	s26 =	smov.u32 @p0 s28;
	vm0 =	vmand vm15, vm1;
	v13 =	vand.u32 $0x380, v13;
	v11 =	vor.u32 v11, v12  }
0x1a6: {  	v63 =	vld [tilespmem:s26+$0x0];
	v11 =	vor.u32 v13, v11;
	_ =	sdelay $0x4  }
0x1a7: {  	p0 =	seq.s32 s25, $0x1;
	[tilespmem:v11+s18+$0x0] =	vst.idx.msk vm0, v63  }
0x1a8: {  	[hbm4b:s9+s2] =	stream.linear.scatter [tilespmem:s18], [sflag:$0x1], $0x10000, $0x38;
	[tilespmem:$0x18080] =	vst v63  }
.Ltmp28:
0x1a9: {  	_ = 	snop;
	(pc) =	sbr.rel @p0 .LBB2_41-.Ltmp28, $4  }
0x1aa: {  	_ =	swait.ge [sflag:s16], $0x10000  }
0x1ab: {  	[sflag:s16] =	ssyncset.done $0x0  }
0x1ac: {  	[sflag:s16] =	ssyncadd.s32 $0xFFFF0000  }
0x1ad: {  	v11 =	vld [tilespmem:s21+$0x0]  }
.LBB2_40:
0x1ae: {  	p0 =	seq.s32 s24, $0x1;
	_ =	sdelay $0x3  }
0x1af: {  	v12 =	vsub.s32 v11, v3  }
0x1b0: {  	vm0 =	vgt.s32 v12, $0x0  }
0x1b1: {  	v12 =	vnsel vm0, $0x0, v12  }
0x1b2: {  	v12 =	vmin.u32 v12, $0xFFFF  }
0x1b3: {  	vm1 =	vlt.s32 v11, v4;
	vm0 =	vge.s32 v11, v3;
	v11 =	vshll.u32 v12, $0x3  }
0x1b4: {  	v13 =	vshrl.u32 v12, $0x5;
	v12 =	vand.u32 $0x807F, v12;
	v11 =	vand.u32 $0x7C00, v11  }
0x1b5: {  	vm0 =	vmand vm0, vm1;
	v13 =	vand.u32 $0x380, v13;
	v11 =	vor.u32 v11, v12  }
0x1b6: {  	v11 =	vor.u32 v13, v11;
	_ =	sdelay $0x1  }
.Ltmp29:
0x1b7: {  	(pc) =	sbr.rel @!p0 .LBB2_40-.Ltmp29, $3  }
0x1b8: {  	_ =	sdelay $0x1  }
0x1b9: {  	s21 =	sadd.s32 $0x10, s21;
	[tilespmem:v11+s18+$0x0] =	vst.idx.msk vm0, v9  }
0x1ba: {  	s24 =	sadd.s32 $0xFFFFFFFF, s24;
	v11 =	vld [tilespmem:s21+$0x0]  }
.LBB2_41:
0x1bb: {  	_ =	sdelay $0x3  }
0x1bc: {  	v12 =	vsub.s32 v11, v3  }
0x1bd: {  	vm0 =	vgt.s32 v12, $0x0  }
0x1be: {  	v12 =	vnsel vm0, $0x0, v12  }
0x1bf: {  	v12 =	vmin.u32 v12, $0xFFFF  }
0x1c0: {  	vm15 =	vge.s32 v11, v3;
	vm1 =	vlt.s32 v11, v4;
	v11 =	vshll.u32 v12, $0x3  }
0x1c1: {  	v13 =	vshrl.u32 v12, $0x5;
	v12 =	vand.u32 $0x807F, v12;
	v11 =	vand.u32 $0x7C00, v11  }
0x1c2: {  	vm0 =	vmand vm15, vm1;
	v13 =	vand.u32 $0x380, v13;
	v11 =	vor.u32 v11, v12  }
0x1c3: {  	v11 =	vor.u32 v13, v11  }
.Ltmp30:
0x1c4: {  	_ = 	snop;
	(pc) =	sbr.rel .LBB2_43-.Ltmp30, $2  }
0x1c5: {  	_ =	sdelay $0x2  }
0x1c6: {  	[tilespmem:v11+s18+$0x0] =	vst.idx.msk vm0, v9  }
.LBB2_42:
0x1c7: {  	[hbm4b:s9+s2] =	stream.linear.scatter [tilespmem:s18], [sflag:$0x1], $0x10000, $0x38;
	[tilespmem:$0x18080] =	vst v63  }
0x1c8: {  	_ =	swait.ge [sflag:s16], $0x10000  }
0x1c9: {  	[sflag:s16] =	ssyncset.done $0x0  }
0x1ca: {  	[sflag:s16] =	ssyncadd.s32 $0xFFFF0000  }
.LBB2_43:
0x1cb: {  	(v2sf) =	vpush v10, $0x5;
	_ =	sdelay $0xc  }
0x1cc: {  	s24 =	sshra.s32 s22, $0x1F;
	p0 =	sne.s32 s23, s20;
	s25 =	simm.s32 $0x1  }
0x1cd: {  	s21 =	sshrl.u32 s24, $0x1C;
	s25 =	simm.s32 @!p0 $0x0  }
0x1ce: {  	s26 =	sadd.s32 s21, s22;
	s24 =	sor.u32 s25, s24;
	s23 =	spop (v2sf)  }
0x1cf: {  	s25 =	sand.u32 $0xF, s22;
	p5 =	sne.s32 s24, $0x1;
	s21 =	ssub.s32 s23, s20  }
0x1d0: {  	p1 =	sne.s32 s25, $0x0;
	s30 =	sshra.s32 s26, $0x4;
	s28 =	sadd.s32 $0xF, s21  }
0x1d1: {  	s26 =	simm.s32 $0x1;
	s25 =	simm.s32 $0x1;
	s29 =	sand.u32 $0xF, s28  }
0x1d2: {  	p6 =	slt.s32 s28, $0x1;
	s31 =	sshra.s32 s28, $0x1F;
	p2 =	sne.s32 s29, $0x0  }
0x1d3: {  	p0 =	por !p1, !p5;
	s24 =	sshrl.u32 s31, $0x1C;
	p1 =	por !p6, !p2  }
0x1d4: {  	p0 =	por !p0, !p0;
	s24 =	sadd.s32 s24, s28;
	p1 =	por !p1, !p1  }
0x1d5: {  	s26 =	simm.s32 @!p0 $0x0;
	s24 =	sshra.s32 s24, $0x4;
	s25 =	simm.s32 @!p1 $0x0  }
0x1d6: {  	s22 =	ssub.s32 s30, s26;
	s24 =	ssub.s32 s24, s25  }
0x1d7: {  	p0 =	sgt.s32 s22, $0x0;
	p1 =	slt.s32 s24, $0x400  }
0x1d8: {  	s22 =	simm.s32 @!p0 $0x0;
	s24 =	simm.s32 @!p1 $0x400  }
0x1d9: {  	p0 =	sle.s32 s24, s22  }
.Ltmp31:
0x1da: {  	_ = 	snop;
	(pc) =	sbr.rel @p0 .LBB2_52-.Ltmp31, $1  }
0x1db: {  	_ =	sdelay $0x3  }
0x1dc: {  	s25 =	ssub.s32 s24, s22  }
0x1dd: {  	p1 =	sne.s32 s25, $0x1  }
.Ltmp32:
0x1de: {  	_ = 	snop;
	(pc) =	sbr.rel @!p1 .LBB2_45-.Ltmp32, $4  }
0x1df: {  	_ = 	snop  }
0x1e0: {  	s31 =	sshll.u32 s22, $0x6  }
0x1e1: {  	s22 =	sshra.s32 s31, $0x2  }
0x1e2: {  	p0 =	por $0x0, $0x0;
	s24 =	sadd.s32 $0xFFFFFFFF, s25;
	s26 =	sadd.s32 $0x4000, s22;
	v11 =	vld [tilespmem:s22+$0x0]  }
0x1e3: {  	_ =	sdelay $0x3  }
0x1e4: {  	v12 =	vsub.s32 v11, v4  }
0x1e5: {  	vm0 =	vgt.s32 v12, $0x0  }
0x1e6: {  	v12 =	vnsel vm0, $0x0, v12  }
0x1e7: {  	v12 =	vmin.u32 v12, $0xFFFF  }
0x1e8: {  	vm15 =	vge.s32 v11, v4;
	vm1 =	vlt.s32 v11, v5;
	v11 =	vshll.u32 v12, $0x3  }
0x1e9: {  	v13 =	vshrl.u32 v12, $0x5;
	v12 =	vand.u32 $0x807F, v12;
	v11 =	vand.u32 $0x7C00, v11  }
0x1ea: {  	vm0 =	vmand vm15, vm1;
	v13 =	vand.u32 $0x380, v13;
	v11 =	vor.u32 v11, v12  }
0x1eb: {  	v63 =	vld [tilespmem:s26+$0x0];
	v11 =	vor.u32 v13, v11  }
0x1ec: {  	p1 =	sne.s32 s24, $0x1  }
.Ltmp33:
0x1ed: {  	_ = 	snop;
	(pc) =	sbr.rel @!p1 .LBB2_47-.Ltmp33, $3  }
0x1ee: {  	_ =	sdelay $0x1  }
0x1ef: {  	s29 =	sadd.s32 $0x10, s22;
	[tilespmem:v11+s18+$0x0] =	vst.idx.msk vm0, v63  }
0x1f0: {  	s30 =	sadd.s32 $0xFFFFFFFF, s24;
	p0 =	por $0x1, $0x1;
	s28 =	smov.u32 s26;
	v11 =	vld [tilespmem:s29+$0x0]  }
.LBB2_48:
0x1f1: {  	p1 =	sne.s32 s30, $0x1;
	_ =	sdelay $0x3  }
0x1f2: {  	v12 =	vsub.s32 v11, v4  }
0x1f3: {  	vm0 =	vgt.s32 v12, $0x0  }
0x1f4: {  	v12 =	vnsel vm0, $0x0, v12  }
0x1f5: {  	v12 =	vmin.u32 v12, $0xFFFF  }
0x1f6: {  	vm1 =	vlt.s32 v11, v5;
	vm0 =	vge.s32 v11, v4;
	v11 =	vshll.u32 v12, $0x3  }
0x1f7: {  	v13 =	vshrl.u32 v12, $0x5;
	v12 =	vand.u32 $0x807F, v12;
	v11 =	vand.u32 $0x7C00, v11  }
0x1f8: {  	s28 =	sadd.s32 $0x10, s28;
	vm0 =	vmand vm0, vm1;
	v13 =	vand.u32 $0x380, v13;
	v11 =	vor.u32 v11, v12  }
0x1f9: {  	v12 =	vld [tilespmem:s28+$0x0];
	v11 =	vor.u32 v13, v11;
	_ =	sdelay $0x1  }
.Ltmp34:
0x1fa: {  	(pc) =	sbr.rel @p1 .LBB2_48-.Ltmp34, $3  }
0x1fb: {  	_ =	sdelay $0x1  }
0x1fc: {  	s29 =	sadd.s32 $0x10, s29;
	[tilespmem:v11+s18+$0x0] =	vst.idx.msk vm0, v12  }
0x1fd: {  	s30 =	sadd.s32 $0xFFFFFFFF, s30;
	v11 =	vld [tilespmem:s29+$0x0]  }
.LBB2_49:
0x1fe: {  	_ =	sdelay $0x3  }
0x1ff: {  	v12 =	vsub.s32 v11, v4  }
0x200: {  	vm0 =	vgt.s32 v12, $0x0  }
0x201: {  	v12 =	vnsel vm0, $0x0, v12  }
0x202: {  	v12 =	vmin.u32 v12, $0xFFFF  }
0x203: {  	vm15 =	vge.s32 v11, v4;
	vm1 =	vlt.s32 v11, v5;
	v11 =	vshll.u32 v12, $0x3  }
0x204: {  	s28 =	sadd.s32 @p0 $0x10, s28;
	v13 =	vshrl.u32 v12, $0x5;
	v12 =	vand.u32 $0x807F, v12;
	v11 =	vand.u32 $0x7C00, v11  }
0x205: {  	s26 =	smov.u32 @p0 s28;
	vm0 =	vmand vm15, vm1;
	v13 =	vand.u32 $0x380, v13;
	v11 =	vor.u32 v11, v12  }
0x206: {  	v63 =	vld [tilespmem:s26+$0x0];
	v11 =	vor.u32 v13, v11;
	_ =	sdelay $0x4  }
0x207: {  	p0 =	seq.s32 s25, $0x1;
	[tilespmem:v11+s18+$0x0] =	vst.idx.msk vm0, v63  }
0x208: {  	[hbm4b:s10+s2] =	stream.linear.scatter [tilespmem:s18], [sflag:$0x1], $0x10000, $0x38;
	[tilespmem:$0x18080] =	vst v63  }
.Ltmp35:
0x209: {  	_ = 	snop;
	(pc) =	sbr.rel @p0 .LBB2_51-.Ltmp35, $4  }
0x20a: {  	_ =	swait.ge [sflag:s16], $0x10000  }
0x20b: {  	[sflag:s16] =	ssyncset.done $0x0  }
0x20c: {  	[sflag:s16] =	ssyncadd.s32 $0xFFFF0000  }
0x20d: {  	v11 =	vld [tilespmem:s22+$0x0]  }
.LBB2_50:
0x20e: {  	p0 =	seq.s32 s24, $0x1;
	_ =	sdelay $0x3  }
0x20f: {  	v12 =	vsub.s32 v11, v4  }
0x210: {  	vm0 =	vgt.s32 v12, $0x0  }
0x211: {  	v12 =	vnsel vm0, $0x0, v12  }
0x212: {  	v12 =	vmin.u32 v12, $0xFFFF  }
0x213: {  	vm1 =	vlt.s32 v11, v5;
	vm0 =	vge.s32 v11, v4;
	v11 =	vshll.u32 v12, $0x3  }
0x214: {  	v13 =	vshrl.u32 v12, $0x5;
	v12 =	vand.u32 $0x807F, v12;
	v11 =	vand.u32 $0x7C00, v11  }
0x215: {  	vm0 =	vmand vm0, vm1;
	v13 =	vand.u32 $0x380, v13;
	v11 =	vor.u32 v11, v12  }
0x216: {  	v11 =	vor.u32 v13, v11;
	_ =	sdelay $0x1  }
.Ltmp36:
0x217: {  	(pc) =	sbr.rel @!p0 .LBB2_50-.Ltmp36, $3  }
0x218: {  	_ =	sdelay $0x1  }
0x219: {  	s22 =	sadd.s32 $0x10, s22;
	[tilespmem:v11+s18+$0x0] =	vst.idx.msk vm0, v9  }
0x21a: {  	s24 =	sadd.s32 $0xFFFFFFFF, s24;
	v11 =	vld [tilespmem:s22+$0x0]  }
.LBB2_51:
0x21b: {  	_ =	sdelay $0x3  }
0x21c: {  	v12 =	vsub.s32 v11, v4  }
0x21d: {  	vm0 =	vgt.s32 v12, $0x0  }
0x21e: {  	v12 =	vnsel vm0, $0x0, v12  }
0x21f: {  	v12 =	vmin.u32 v12, $0xFFFF  }
0x220: {  	vm15 =	vge.s32 v11, v4;
	vm1 =	vlt.s32 v11, v5;
	v11 =	vshll.u32 v12, $0x3  }
0x221: {  	v13 =	vshrl.u32 v12, $0x5;
	v12 =	vand.u32 $0x807F, v12;
	v11 =	vand.u32 $0x7C00, v11  }
0x222: {  	vm0 =	vmand vm15, vm1;
	v13 =	vand.u32 $0x380, v13;
	v11 =	vor.u32 v11, v12  }
0x223: {  	v11 =	vor.u32 v13, v11  }
.Ltmp37:
0x224: {  	_ = 	snop;
	(pc) =	sbr.rel .LBB2_53-.Ltmp37, $2  }
0x225: {  	_ =	sdelay $0x2  }
0x226: {  	[tilespmem:v11+s18+$0x0] =	vst.idx.msk vm0, v9  }
.LBB2_52:
0x227: {  	[hbm4b:s10+s2] =	stream.linear.scatter [tilespmem:s18], [sflag:$0x1], $0x10000, $0x38;
	[tilespmem:$0x18080] =	vst v63  }
0x228: {  	_ =	swait.ge [sflag:s16], $0x10000  }
0x229: {  	[sflag:s16] =	ssyncset.done $0x0  }
0x22a: {  	[sflag:s16] =	ssyncadd.s32 $0xFFFF0000  }
.LBB2_53:
0x22b: {  	(v2sf) =	vpush v10, $0x6;
	_ =	sdelay $0xc  }
0x22c: {  	s24 =	sshra.s32 s21, $0x1F;
	p0 =	sne.s32 s23, s20;
	s25 =	simm.s32 $0x1  }
0x22d: {  	s22 =	sshrl.u32 s24, $0x1C;
	s25 =	simm.s32 @!p0 $0x0  }
0x22e: {  	s26 =	sadd.s32 s22, s21;
	s24 =	sor.u32 s25, s24;
	s23 =	spop (v2sf)  }
0x22f: {  	s25 =	sand.u32 $0xF, s21;
	p5 =	sne.s32 s24, $0x1;
	s22 =	ssub.s32 s23, s20  }
0x230: {  	p1 =	sne.s32 s25, $0x0;
	s30 =	sshra.s32 s26, $0x4;
	s28 =	sadd.s32 $0xF, s22  }
0x231: {  	s26 =	simm.s32 $0x1;
	s25 =	simm.s32 $0x1;
	s29 =	sand.u32 $0xF, s28  }
0x232: {  	p6 =	slt.s32 s28, $0x1;
	s31 =	sshra.s32 s28, $0x1F;
	p2 =	sne.s32 s29, $0x0  }
0x233: {  	p0 =	por !p1, !p5;
	s24 =	sshrl.u32 s31, $0x1C;
	p1 =	por !p6, !p2  }
0x234: {  	p0 =	por !p0, !p0;
	s24 =	sadd.s32 s24, s28;
	p1 =	por !p1, !p1  }
0x235: {  	s26 =	simm.s32 @!p0 $0x0;
	s24 =	sshra.s32 s24, $0x4;
	s25 =	simm.s32 @!p1 $0x0  }
0x236: {  	s21 =	ssub.s32 s30, s26;
	s24 =	ssub.s32 s24, s25  }
0x237: {  	p0 =	sgt.s32 s21, $0x0;
	p1 =	slt.s32 s24, $0x400  }
0x238: {  	s21 =	simm.s32 @!p0 $0x0;
	s24 =	simm.s32 @!p1 $0x400  }
0x239: {  	p0 =	sle.s32 s24, s21  }
.Ltmp38:
0x23a: {  	_ = 	snop;
	(pc) =	sbr.rel @p0 .LBB2_62-.Ltmp38, $1  }
0x23b: {  	_ =	sdelay $0x3  }
0x23c: {  	s25 =	ssub.s32 s24, s21  }
0x23d: {  	p1 =	sne.s32 s25, $0x1  }
.Ltmp39:
0x23e: {  	_ = 	snop;
	(pc) =	sbr.rel @!p1 .LBB2_55-.Ltmp39, $4  }
0x23f: {  	_ = 	snop  }
0x240: {  	s31 =	sshll.u32 s21, $0x6  }
0x241: {  	s21 =	sshra.s32 s31, $0x2  }
0x242: {  	p0 =	por $0x0, $0x0;
	s24 =	sadd.s32 $0xFFFFFFFF, s25;
	s26 =	sadd.s32 $0x4000, s21;
	v11 =	vld [tilespmem:s21+$0x0]  }
0x243: {  	_ =	sdelay $0x3  }
0x244: {  	v12 =	vsub.s32 v11, v5  }
0x245: {  	vm0 =	vgt.s32 v12, $0x0  }
0x246: {  	v12 =	vnsel vm0, $0x0, v12  }
0x247: {  	v12 =	vmin.u32 v12, $0xFFFF  }
0x248: {  	vm15 =	vge.s32 v11, v5;
	vm1 =	vlt.s32 v11, v6;
	v11 =	vshll.u32 v12, $0x3  }
0x249: {  	v13 =	vshrl.u32 v12, $0x5;
	v12 =	vand.u32 $0x807F, v12;
	v11 =	vand.u32 $0x7C00, v11  }
0x24a: {  	vm0 =	vmand vm15, vm1;
	v13 =	vand.u32 $0x380, v13;
	v11 =	vor.u32 v11, v12  }
0x24b: {  	v63 =	vld [tilespmem:s26+$0x0];
	v11 =	vor.u32 v13, v11  }
0x24c: {  	p1 =	sne.s32 s24, $0x1  }
.Ltmp40:
0x24d: {  	_ = 	snop;
	(pc) =	sbr.rel @!p1 .LBB2_57-.Ltmp40, $3  }
0x24e: {  	_ =	sdelay $0x1  }
0x24f: {  	s29 =	sadd.s32 $0x10, s21;
	[tilespmem:v11+s18+$0x0] =	vst.idx.msk vm0, v63  }
0x250: {  	s30 =	sadd.s32 $0xFFFFFFFF, s24;
	p0 =	por $0x1, $0x1;
	s28 =	smov.u32 s26;
	v11 =	vld [tilespmem:s29+$0x0]  }
.LBB2_58:
0x251: {  	p1 =	sne.s32 s30, $0x1;
	_ =	sdelay $0x3  }
0x252: {  	v12 =	vsub.s32 v11, v5  }
0x253: {  	vm0 =	vgt.s32 v12, $0x0  }
0x254: {  	v12 =	vnsel vm0, $0x0, v12  }
0x255: {  	v12 =	vmin.u32 v12, $0xFFFF  }
0x256: {  	vm1 =	vlt.s32 v11, v6;
	vm0 =	vge.s32 v11, v5;
	v11 =	vshll.u32 v12, $0x3  }
0x257: {  	v13 =	vshrl.u32 v12, $0x5;
	v12 =	vand.u32 $0x807F, v12;
	v11 =	vand.u32 $0x7C00, v11  }
0x258: {  	s28 =	sadd.s32 $0x10, s28;
	vm0 =	vmand vm0, vm1;
	v13 =	vand.u32 $0x380, v13;
	v11 =	vor.u32 v11, v12  }
0x259: {  	v12 =	vld [tilespmem:s28+$0x0];
	v11 =	vor.u32 v13, v11;
	_ =	sdelay $0x1  }
.Ltmp41:
0x25a: {  	(pc) =	sbr.rel @p1 .LBB2_58-.Ltmp41, $3  }
0x25b: {  	_ =	sdelay $0x1  }
0x25c: {  	s29 =	sadd.s32 $0x10, s29;
	[tilespmem:v11+s18+$0x0] =	vst.idx.msk vm0, v12  }
0x25d: {  	s30 =	sadd.s32 $0xFFFFFFFF, s30;
	v11 =	vld [tilespmem:s29+$0x0]  }
.LBB2_59:
0x25e: {  	_ =	sdelay $0x3  }
0x25f: {  	v12 =	vsub.s32 v11, v5  }
0x260: {  	vm0 =	vgt.s32 v12, $0x0  }
0x261: {  	v12 =	vnsel vm0, $0x0, v12  }
0x262: {  	v12 =	vmin.u32 v12, $0xFFFF  }
0x263: {  	vm15 =	vge.s32 v11, v5;
	vm1 =	vlt.s32 v11, v6;
	v11 =	vshll.u32 v12, $0x3  }
0x264: {  	s28 =	sadd.s32 @p0 $0x10, s28;
	v13 =	vshrl.u32 v12, $0x5;
	v12 =	vand.u32 $0x807F, v12;
	v11 =	vand.u32 $0x7C00, v11  }
0x265: {  	s26 =	smov.u32 @p0 s28;
	vm0 =	vmand vm15, vm1;
	v13 =	vand.u32 $0x380, v13;
	v11 =	vor.u32 v11, v12  }
0x266: {  	v63 =	vld [tilespmem:s26+$0x0];
	v11 =	vor.u32 v13, v11;
	_ =	sdelay $0x4  }
0x267: {  	p0 =	seq.s32 s25, $0x1;
	[tilespmem:v11+s18+$0x0] =	vst.idx.msk vm0, v63  }
0x268: {  	[hbm4b:s11+s2] =	stream.linear.scatter [tilespmem:s18], [sflag:$0x1], $0x10000, $0x38;
	[tilespmem:$0x18080] =	vst v63  }
.Ltmp42:
0x269: {  	_ = 	snop;
	(pc) =	sbr.rel @p0 .LBB2_61-.Ltmp42, $4  }
0x26a: {  	_ =	swait.ge [sflag:s16], $0x10000  }
0x26b: {  	[sflag:s16] =	ssyncset.done $0x0  }
0x26c: {  	[sflag:s16] =	ssyncadd.s32 $0xFFFF0000  }
0x26d: {  	v11 =	vld [tilespmem:s21+$0x0]  }
.LBB2_60:
0x26e: {  	p0 =	seq.s32 s24, $0x1;
	_ =	sdelay $0x3  }
0x26f: {  	v12 =	vsub.s32 v11, v5  }
0x270: {  	vm0 =	vgt.s32 v12, $0x0  }
0x271: {  	v12 =	vnsel vm0, $0x0, v12  }
0x272: {  	v12 =	vmin.u32 v12, $0xFFFF  }
0x273: {  	vm1 =	vlt.s32 v11, v6;
	vm0 =	vge.s32 v11, v5;
	v11 =	vshll.u32 v12, $0x3  }
0x274: {  	v13 =	vshrl.u32 v12, $0x5;
	v12 =	vand.u32 $0x807F, v12;
	v11 =	vand.u32 $0x7C00, v11  }
0x275: {  	vm0 =	vmand vm0, vm1;
	v13 =	vand.u32 $0x380, v13;
	v11 =	vor.u32 v11, v12  }
0x276: {  	v11 =	vor.u32 v13, v11;
	_ =	sdelay $0x1  }
.Ltmp43:
0x277: {  	(pc) =	sbr.rel @!p0 .LBB2_60-.Ltmp43, $3  }
0x278: {  	_ =	sdelay $0x1  }
0x279: {  	s21 =	sadd.s32 $0x10, s21;
	[tilespmem:v11+s18+$0x0] =	vst.idx.msk vm0, v9  }
0x27a: {  	s24 =	sadd.s32 $0xFFFFFFFF, s24;
	v11 =	vld [tilespmem:s21+$0x0]  }
.LBB2_61:
0x27b: {  	_ =	sdelay $0x3  }
0x27c: {  	v12 =	vsub.s32 v11, v5  }
0x27d: {  	vm0 =	vgt.s32 v12, $0x0  }
0x27e: {  	v12 =	vnsel vm0, $0x0, v12  }
0x27f: {  	v12 =	vmin.u32 v12, $0xFFFF  }
0x280: {  	vm15 =	vge.s32 v11, v5;
	vm1 =	vlt.s32 v11, v6;
	v11 =	vshll.u32 v12, $0x3  }
0x281: {  	v13 =	vshrl.u32 v12, $0x5;
	v12 =	vand.u32 $0x807F, v12;
	v11 =	vand.u32 $0x7C00, v11  }
0x282: {  	vm0 =	vmand vm15, vm1;
	v13 =	vand.u32 $0x380, v13;
	v11 =	vor.u32 v11, v12  }
0x283: {  	v11 =	vor.u32 v13, v11  }
.Ltmp44:
0x284: {  	_ = 	snop;
	(pc) =	sbr.rel .LBB2_63-.Ltmp44, $2  }
0x285: {  	_ =	sdelay $0x2  }
0x286: {  	[tilespmem:v11+s18+$0x0] =	vst.idx.msk vm0, v9  }
.LBB2_62:
0x287: {  	[hbm4b:s11+s2] =	stream.linear.scatter [tilespmem:s18], [sflag:$0x1], $0x10000, $0x38;
	[tilespmem:$0x18080] =	vst v63  }
0x288: {  	_ =	swait.ge [sflag:s16], $0x10000  }
0x289: {  	[sflag:s16] =	ssyncset.done $0x0  }
0x28a: {  	[sflag:s16] =	ssyncadd.s32 $0xFFFF0000  }
.LBB2_63:
0x28b: {  	(v2sf) =	vpush v10, $0x7;
	_ =	sdelay $0xc  }
0x28c: {  	s24 =	sshra.s32 s22, $0x1F;
	p0 =	sne.s32 s23, s20;
	s25 =	simm.s32 $0x1  }
0x28d: {  	s21 =	sshrl.u32 s24, $0x1C;
	s25 =	simm.s32 @!p0 $0x0  }
0x28e: {  	s26 =	sadd.s32 s21, s22;
	s24 =	sor.u32 s25, s24;
	s23 =	spop (v2sf)  }
0x28f: {  	s25 =	sand.u32 $0xF, s22;
	p5 =	sne.s32 s24, $0x1;
	s21 =	ssub.s32 s23, s20  }
0x290: {  	p1 =	sne.s32 s25, $0x0;
	s30 =	sshra.s32 s26, $0x4;
	s28 =	sadd.s32 $0xF, s21  }
0x291: {  	s26 =	simm.s32 $0x1;
	s25 =	simm.s32 $0x1;
	s29 =	sand.u32 $0xF, s28  }
0x292: {  	p6 =	slt.s32 s28, $0x1;
	s31 =	sshra.s32 s28, $0x1F;
	p2 =	sne.s32 s29, $0x0  }
0x293: {  	p0 =	por !p1, !p5;
	s24 =	sshrl.u32 s31, $0x1C;
	p1 =	por !p6, !p2  }
0x294: {  	p0 =	por !p0, !p0;
	s24 =	sadd.s32 s24, s28;
	p1 =	por !p1, !p1  }
0x295: {  	s26 =	simm.s32 @!p0 $0x0;
	s24 =	sshra.s32 s24, $0x4;
	s25 =	simm.s32 @!p1 $0x0  }
0x296: {  	s22 =	ssub.s32 s30, s26;
	s24 =	ssub.s32 s24, s25  }
0x297: {  	p0 =	sgt.s32 s22, $0x0;
	p1 =	slt.s32 s24, $0x400  }
0x298: {  	s22 =	simm.s32 @!p0 $0x0;
	s24 =	simm.s32 @!p1 $0x400  }
0x299: {  	p0 =	sle.s32 s24, s22  }
.Ltmp45:
0x29a: {  	_ = 	snop;
	(pc) =	sbr.rel @p0 .LBB2_72-.Ltmp45, $1  }
0x29b: {  	_ =	sdelay $0x3  }
0x29c: {  	s25 =	ssub.s32 s24, s22  }
0x29d: {  	p1 =	sne.s32 s25, $0x1  }
.Ltmp46:
0x29e: {  	_ = 	snop;
	(pc) =	sbr.rel @!p1 .LBB2_65-.Ltmp46, $4  }
0x29f: {  	_ = 	snop  }
0x2a0: {  	s31 =	sshll.u32 s22, $0x6  }
0x2a1: {  	s22 =	sshra.s32 s31, $0x2  }
0x2a2: {  	p0 =	por $0x0, $0x0;
	s24 =	sadd.s32 $0xFFFFFFFF, s25;
	s26 =	sadd.s32 $0x4000, s22;
	v11 =	vld [tilespmem:s22+$0x0]  }
0x2a3: {  	_ =	sdelay $0x3  }
0x2a4: {  	v12 =	vsub.s32 v11, v6  }
0x2a5: {  	vm0 =	vgt.s32 v12, $0x0  }
0x2a6: {  	v12 =	vnsel vm0, $0x0, v12  }
0x2a7: {  	v12 =	vmin.u32 v12, $0xFFFF  }
0x2a8: {  	vm15 =	vge.s32 v11, v6;
	vm1 =	vlt.s32 v11, v7;
	v11 =	vshll.u32 v12, $0x3  }
0x2a9: {  	v13 =	vshrl.u32 v12, $0x5;
	v12 =	vand.u32 $0x807F, v12;
	v11 =	vand.u32 $0x7C00, v11  }
0x2aa: {  	vm0 =	vmand vm15, vm1;
	v13 =	vand.u32 $0x380, v13;
	v11 =	vor.u32 v11, v12  }
0x2ab: {  	v63 =	vld [tilespmem:s26+$0x0];
	v11 =	vor.u32 v13, v11  }
0x2ac: {  	p1 =	sne.s32 s24, $0x1  }
.Ltmp47:
0x2ad: {  	_ = 	snop;
	(pc) =	sbr.rel @!p1 .LBB2_67-.Ltmp47, $3  }
0x2ae: {  	_ =	sdelay $0x1  }
0x2af: {  	s29 =	sadd.s32 $0x10, s22;
	[tilespmem:v11+s18+$0x0] =	vst.idx.msk vm0, v63  }
0x2b0: {  	s30 =	sadd.s32 $0xFFFFFFFF, s24;
	p0 =	por $0x1, $0x1;
	s28 =	smov.u32 s26;
	v11 =	vld [tilespmem:s29+$0x0]  }
.LBB2_68:
0x2b1: {  	p1 =	sne.s32 s30, $0x1;
	_ =	sdelay $0x3  }
0x2b2: {  	v12 =	vsub.s32 v11, v6  }
0x2b3: {  	vm0 =	vgt.s32 v12, $0x0  }
0x2b4: {  	v12 =	vnsel vm0, $0x0, v12  }
0x2b5: {  	v12 =	vmin.u32 v12, $0xFFFF  }
0x2b6: {  	vm1 =	vlt.s32 v11, v7;
	vm0 =	vge.s32 v11, v6;
	v11 =	vshll.u32 v12, $0x3  }
0x2b7: {  	v13 =	vshrl.u32 v12, $0x5;
	v12 =	vand.u32 $0x807F, v12;
	v11 =	vand.u32 $0x7C00, v11  }
0x2b8: {  	s28 =	sadd.s32 $0x10, s28;
	vm0 =	vmand vm0, vm1;
	v13 =	vand.u32 $0x380, v13;
	v11 =	vor.u32 v11, v12  }
0x2b9: {  	v12 =	vld [tilespmem:s28+$0x0];
	v11 =	vor.u32 v13, v11;
	_ =	sdelay $0x1  }
.Ltmp48:
0x2ba: {  	(pc) =	sbr.rel @p1 .LBB2_68-.Ltmp48, $3  }
0x2bb: {  	_ =	sdelay $0x1  }
0x2bc: {  	s29 =	sadd.s32 $0x10, s29;
	[tilespmem:v11+s18+$0x0] =	vst.idx.msk vm0, v12  }
0x2bd: {  	s30 =	sadd.s32 $0xFFFFFFFF, s30;
	v11 =	vld [tilespmem:s29+$0x0]  }
.LBB2_69:
0x2be: {  	_ =	sdelay $0x3  }
0x2bf: {  	v12 =	vsub.s32 v11, v6  }
0x2c0: {  	vm0 =	vgt.s32 v12, $0x0  }
0x2c1: {  	v12 =	vnsel vm0, $0x0, v12  }
0x2c2: {  	v12 =	vmin.u32 v12, $0xFFFF  }
0x2c3: {  	vm15 =	vge.s32 v11, v6;
	vm1 =	vlt.s32 v11, v7;
	v11 =	vshll.u32 v12, $0x3  }
0x2c4: {  	s28 =	sadd.s32 @p0 $0x10, s28;
	v13 =	vshrl.u32 v12, $0x5;
	v12 =	vand.u32 $0x807F, v12;
	v11 =	vand.u32 $0x7C00, v11  }
0x2c5: {  	s26 =	smov.u32 @p0 s28;
	vm0 =	vmand vm15, vm1;
	v13 =	vand.u32 $0x380, v13;
	v11 =	vor.u32 v11, v12  }
0x2c6: {  	v63 =	vld [tilespmem:s26+$0x0];
	v11 =	vor.u32 v13, v11;
	_ =	sdelay $0x4  }
0x2c7: {  	p0 =	seq.s32 s25, $0x1;
	[tilespmem:v11+s18+$0x0] =	vst.idx.msk vm0, v63  }
0x2c8: {  	[hbm4b:s12+s2] =	stream.linear.scatter [tilespmem:s18], [sflag:$0x1], $0x10000, $0x38;
	[tilespmem:$0x18080] =	vst v63  }
.Ltmp49:
0x2c9: {  	_ = 	snop;
	(pc) =	sbr.rel @p0 .LBB2_71-.Ltmp49, $4  }
0x2ca: {  	_ =	swait.ge [sflag:s16], $0x10000  }
0x2cb: {  	[sflag:s16] =	ssyncset.done $0x0  }
0x2cc: {  	[sflag:s16] =	ssyncadd.s32 $0xFFFF0000  }
0x2cd: {  	v11 =	vld [tilespmem:s22+$0x0]  }
.LBB2_70:
0x2ce: {  	p0 =	seq.s32 s24, $0x1;
	_ =	sdelay $0x3  }
0x2cf: {  	v12 =	vsub.s32 v11, v6  }
0x2d0: {  	vm0 =	vgt.s32 v12, $0x0  }
0x2d1: {  	v12 =	vnsel vm0, $0x0, v12  }
0x2d2: {  	v12 =	vmin.u32 v12, $0xFFFF  }
0x2d3: {  	vm1 =	vlt.s32 v11, v7;
	vm0 =	vge.s32 v11, v6;
	v11 =	vshll.u32 v12, $0x3  }
0x2d4: {  	v13 =	vshrl.u32 v12, $0x5;
	v12 =	vand.u32 $0x807F, v12;
	v11 =	vand.u32 $0x7C00, v11  }
0x2d5: {  	vm0 =	vmand vm0, vm1;
	v13 =	vand.u32 $0x380, v13;
	v11 =	vor.u32 v11, v12  }
0x2d6: {  	v11 =	vor.u32 v13, v11;
	_ =	sdelay $0x1  }
.Ltmp50:
0x2d7: {  	(pc) =	sbr.rel @!p0 .LBB2_70-.Ltmp50, $3  }
0x2d8: {  	_ =	sdelay $0x1  }
0x2d9: {  	s22 =	sadd.s32 $0x10, s22;
	[tilespmem:v11+s18+$0x0] =	vst.idx.msk vm0, v9  }
0x2da: {  	s24 =	sadd.s32 $0xFFFFFFFF, s24;
	v11 =	vld [tilespmem:s22+$0x0]  }
.LBB2_71:
0x2db: {  	_ =	sdelay $0x3  }
0x2dc: {  	v12 =	vsub.s32 v11, v6  }
0x2dd: {  	vm0 =	vgt.s32 v12, $0x0  }
0x2de: {  	v12 =	vnsel vm0, $0x0, v12  }
0x2df: {  	v12 =	vmin.u32 v12, $0xFFFF  }
0x2e0: {  	vm15 =	vge.s32 v11, v6;
	vm1 =	vlt.s32 v11, v7;
	v11 =	vshll.u32 v12, $0x3  }
0x2e1: {  	v13 =	vshrl.u32 v12, $0x5;
	v12 =	vand.u32 $0x807F, v12;
	v11 =	vand.u32 $0x7C00, v11  }
0x2e2: {  	vm0 =	vmand vm15, vm1;
	v13 =	vand.u32 $0x380, v13;
	v11 =	vor.u32 v11, v12  }
0x2e3: {  	v11 =	vor.u32 v13, v11  }
.Ltmp51:
0x2e4: {  	_ = 	snop;
	(pc) =	sbr.rel .LBB2_73-.Ltmp51, $2  }
0x2e5: {  	_ =	sdelay $0x2  }
0x2e6: {  	[tilespmem:v11+s18+$0x0] =	vst.idx.msk vm0, v9  }
.LBB2_72:
0x2e7: {  	[hbm4b:s12+s2] =	stream.linear.scatter [tilespmem:s18], [sflag:$0x1], $0x10000, $0x38;
	[tilespmem:$0x18080] =	vst v63  }
0x2e8: {  	_ =	swait.ge [sflag:s16], $0x10000  }
0x2e9: {  	[sflag:s16] =	ssyncset.done $0x0  }
0x2ea: {  	[sflag:s16] =	ssyncadd.s32 $0xFFFF0000  }
.LBB2_73:
0x2eb: {  	(v2sf) =	vpush v10, $0x8;
	_ =	sdelay $0xc  }
0x2ec: {  	s22 =	sshra.s32 s21, $0x1F;
	p0 =	sne.s32 s23, s20  }
0x2ed: {  	s23 =	simm.s32 $0x1;
	s26 =	sand.u32 $0xF, s21;
	s24 =	sshrl.u32 s22, $0x1C  }
0x2ee: {  	s23 =	simm.s32 @!p0 $0x0;
	p1 =	sne.s32 s26, $0x0;
	s25 =	spop (v2sf)  }
0x2ef: {  	s24 =	sadd.s32 s24, s21;
	s22 =	sor.u32 s23, s22;
	s25 =	ssub.s32 s25, s20  }
0x2f0: {  	s23 =	simm.s32 $0x1;
	p5 =	sne.s32 s22, $0x1;
	s20 =	sadd.s32 $0xF, s25  }
0x2f1: {  	s29 =	sshra.s32 s24, $0x4;
	p0 =	por !p1, !p5;
	s28 =	sand.u32 $0xF, s20  }
0x2f2: {  	p6 =	slt.s32 s20, $0x1;
	s30 =	sshra.s32 s20, $0x1F;
	p2 =	sne.s32 s28, $0x0  }
0x2f3: {  	p0 =	por !p0, !p0;
	s22 =	sshrl.u32 s30, $0x1C;
	p1 =	por !p6, !p2  }
0x2f4: {  	s20 =	sadd.s32 s22, s20;
	s22 =	simm.s32 $0x1;
	p1 =	por !p1, !p1  }
0x2f5: {  	s23 =	simm.s32 @!p0 $0x0;
	s31 =	sshra.s32 s20, $0x4;
	s22 =	simm.s32 @!p1 $0x0  }
0x2f6: {  	s20 =	ssub.s32 s29, s23;
	s21 =	ssub.s32 s31, s22  }
0x2f7: {  	p0 =	sgt.s32 s20, $0x0;
	p1 =	slt.s32 s21, $0x400  }
0x2f8: {  	s20 =	simm.s32 @!p0 $0x0;
	s21 =	simm.s32 @!p1 $0x400  }
0x2f9: {  	p0 =	sle.s32 s21, s20  }
.Ltmp52:
0x2fa: {  	_ = 	snop;
	(pc) =	sbr.rel @p0 .LBB2_82-.Ltmp52, $1  }
0x2fb: {  	_ =	sdelay $0x3  }
0x2fc: {  	s22 =	ssub.s32 s21, s20  }
0x2fd: {  	p1 =	sne.s32 s22, $0x1  }
.Ltmp53:
0x2fe: {  	_ = 	snop;
	(pc) =	sbr.rel @!p1 .LBB2_75-.Ltmp53, $4  }
0x2ff: {  	_ = 	snop  }
0x300: {  	s31 =	sshll.u32 s20, $0x6  }
0x301: {  	s20 =	sshra.s32 s31, $0x2  }
0x302: {  	p0 =	por $0x0, $0x0;
	s21 =	sadd.s32 $0xFFFFFFFF, s22;
	s23 =	sadd.s32 $0x4000, s20;
	v10 =	vld [tilespmem:s20+$0x0]  }
0x303: {  	_ =	sdelay $0x3  }
0x304: {  	v11 =	vsub.s32 v10, v7  }
0x305: {  	vm0 =	vgt.s32 v11, $0x0  }
0x306: {  	v11 =	vnsel vm0, $0x0, v11  }
0x307: {  	v11 =	vmin.u32 v11, $0xFFFF  }
0x308: {  	vm15 =	vge.s32 v10, v7;
	vm1 =	vlt.s32 v10, v8;
	v10 =	vshll.u32 v11, $0x3  }
0x309: {  	v12 =	vshrl.u32 v11, $0x5;
	v11 =	vand.u32 $0x807F, v11;
	v10 =	vand.u32 $0x7C00, v10  }
0x30a: {  	vm0 =	vmand vm15, vm1;
	v12 =	vand.u32 $0x380, v12;
	v10 =	vor.u32 v10, v11  }
0x30b: {  	v11 =	vld [tilespmem:s23+$0x0];
	v10 =	vor.u32 v12, v10  }
0x30c: {  	p1 =	sne.s32 s21, $0x1  }
.Ltmp54:
0x30d: {  	_ = 	snop;
	(pc) =	sbr.rel @!p1 .LBB2_77-.Ltmp54, $3  }
0x30e: {  	_ =	sdelay $0x1  }
0x30f: {  	s25 =	sadd.s32 $0x10, s20;
	[tilespmem:v10+s18+$0x0] =	vst.idx.msk vm0, v11  }
0x310: {  	s26 =	sadd.s32 $0xFFFFFFFF, s21;
	p0 =	por $0x1, $0x1;
	s24 =	smov.u32 s23;
	v10 =	vld [tilespmem:s25+$0x0]  }
.LBB2_78:
0x311: {  	p1 =	sne.s32 s26, $0x1;
	_ =	sdelay $0x3  }
0x312: {  	v11 =	vsub.s32 v10, v7  }
0x313: {  	vm0 =	vgt.s32 v11, $0x0  }
0x314: {  	v11 =	vnsel vm0, $0x0, v11  }
0x315: {  	v11 =	vmin.u32 v11, $0xFFFF  }
0x316: {  	vm1 =	vlt.s32 v10, v8;
	vm0 =	vge.s32 v10, v7;
	v10 =	vshll.u32 v11, $0x3  }
0x317: {  	v12 =	vshrl.u32 v11, $0x5;
	v11 =	vand.u32 $0x807F, v11;
	v10 =	vand.u32 $0x7C00, v10  }
0x318: {  	s24 =	sadd.s32 $0x10, s24;
	vm0 =	vmand vm0, vm1;
	v12 =	vand.u32 $0x380, v12;
	v10 =	vor.u32 v10, v11  }
0x319: {  	v11 =	vld [tilespmem:s24+$0x0];
	v10 =	vor.u32 v12, v10;
	_ =	sdelay $0x1  }
.Ltmp55:
0x31a: {  	(pc) =	sbr.rel @p1 .LBB2_78-.Ltmp55, $3  }
0x31b: {  	_ =	sdelay $0x1  }
0x31c: {  	s25 =	sadd.s32 $0x10, s25;
	[tilespmem:v10+s18+$0x0] =	vst.idx.msk vm0, v11  }
0x31d: {  	s26 =	sadd.s32 $0xFFFFFFFF, s26;
	v10 =	vld [tilespmem:s25+$0x0]  }
.LBB2_79:
0x31e: {  	_ =	sdelay $0x3  }
0x31f: {  	v11 =	vsub.s32 v10, v7  }
0x320: {  	vm0 =	vgt.s32 v11, $0x0  }
0x321: {  	v11 =	vnsel vm0, $0x0, v11  }
0x322: {  	v11 =	vmin.u32 v11, $0xFFFF  }
0x323: {  	vm15 =	vge.s32 v10, v7;
	vm1 =	vlt.s32 v10, v8;
	v10 =	vshll.u32 v11, $0x3  }
0x324: {  	s24 =	sadd.s32 @p0 $0x10, s24;
	v12 =	vshrl.u32 v11, $0x5;
	v11 =	vand.u32 $0x807F, v11;
	v10 =	vand.u32 $0x7C00, v10  }
0x325: {  	s23 =	smov.u32 @p0 s24;
	vm0 =	vmand vm15, vm1;
	v12 =	vand.u32 $0x380, v12;
	v10 =	vor.u32 v10, v11  }
0x326: {  	v11 =	vld [tilespmem:s23+$0x0];
	v10 =	vor.u32 v12, v10;
	_ =	sdelay $0x4  }
0x327: {  	p0 =	seq.s32 s22, $0x1;
	[tilespmem:v10+s18+$0x0] =	vst.idx.msk vm0, v11  }
0x328: {  	[hbm4b:s13+s2] =	stream.linear.scatter [tilespmem:s18], [sflag:$0x1], $0x10000, $0x38;
	[tilespmem:$0x18080] =	vst v63  }
.Ltmp56:
0x329: {  	_ = 	snop;
	(pc) =	sbr.rel @p0 .LBB2_81-.Ltmp56, $4  }
0x32a: {  	_ =	swait.ge [sflag:s16], $0x10000  }
0x32b: {  	[sflag:s16] =	ssyncset.done $0x0  }
0x32c: {  	[sflag:s16] =	ssyncadd.s32 $0xFFFF0000  }
0x32d: {  	v10 =	vld [tilespmem:s20+$0x0]  }
.LBB2_80:
0x32e: {  	p0 =	seq.s32 s21, $0x1;
	_ =	sdelay $0x3  }
0x32f: {  	v11 =	vsub.s32 v10, v7  }
0x330: {  	vm0 =	vgt.s32 v11, $0x0  }
0x331: {  	v11 =	vnsel vm0, $0x0, v11  }
0x332: {  	v11 =	vmin.u32 v11, $0xFFFF  }
0x333: {  	vm1 =	vlt.s32 v10, v8;
	vm0 =	vge.s32 v10, v7;
	v10 =	vshll.u32 v11, $0x3  }
0x334: {  	v12 =	vshrl.u32 v11, $0x5;
	v11 =	vand.u32 $0x807F, v11;
	v10 =	vand.u32 $0x7C00, v10  }
0x335: {  	vm0 =	vmand vm0, vm1;
	v12 =	vand.u32 $0x380, v12;
	v10 =	vor.u32 v10, v11  }
0x336: {  	v10 =	vor.u32 v12, v10;
	_ =	sdelay $0x1  }
.Ltmp57:
0x337: {  	(pc) =	sbr.rel @!p0 .LBB2_80-.Ltmp57, $3  }
0x338: {  	_ =	sdelay $0x1  }
0x339: {  	s20 =	sadd.s32 $0x10, s20;
	[tilespmem:v10+s18+$0x0] =	vst.idx.msk vm0, v9  }
0x33a: {  	s21 =	sadd.s32 $0xFFFFFFFF, s21;
	v10 =	vld [tilespmem:s20+$0x0]  }
.LBB2_81:
0x33b: {  	_ =	sdelay $0x3  }
0x33c: {  	v11 =	vsub.s32 v10, v7  }
0x33d: {  	vm0 =	vgt.s32 v11, $0x0  }
0x33e: {  	v11 =	vnsel vm0, $0x0, v11  }
0x33f: {  	v11 =	vmin.u32 v11, $0xFFFF  }
0x340: {  	vm15 =	vge.s32 v10, v7;
	vm1 =	vlt.s32 v10, v8;
	v10 =	vshll.u32 v11, $0x3  }
0x341: {  	v12 =	vshrl.u32 v11, $0x5;
	v11 =	vand.u32 $0x807F, v11;
	v10 =	vand.u32 $0x7C00, v10  }
0x342: {  	vm0 =	vmand vm15, vm1;
	v12 =	vand.u32 $0x380, v12;
	v10 =	vor.u32 v10, v11  }
0x343: {  	v10 =	vor.u32 v12, v10  }
.Ltmp58:
0x344: {  	_ = 	snop;
	(pc) =	sbr.rel .LBB2_83-.Ltmp58, $2  }
0x345: {  	_ =	sdelay $0x2  }
0x346: {  	[tilespmem:v10+s18+$0x0] =	vst.idx.msk vm0, v9  }
.LBB2_5:
.Ltmp59:
0x347: {  	(pc) =	sbr.rel .LBB2_9-.Ltmp59, $2  }
0x348: {  	_ =	sdelay $0x2  }
0x349: {  	s28 =	smov.u32 s26  }
.LBB2_15:
.Ltmp60:
0x34a: {  	(pc) =	sbr.rel .LBB2_19-.Ltmp60, $2  }
0x34b: {  	_ =	sdelay $0x2  }
0x34c: {  	s28 =	smov.u32 s26  }
.LBB2_25:
.Ltmp61:
0x34d: {  	(pc) =	sbr.rel .LBB2_29-.Ltmp61, $2  }
0x34e: {  	_ =	sdelay $0x2  }
0x34f: {  	s28 =	smov.u32 s26  }
.LBB2_35:
.Ltmp62:
0x350: {  	(pc) =	sbr.rel .LBB2_39-.Ltmp62, $2  }
0x351: {  	_ =	sdelay $0x2  }
0x352: {  	s28 =	smov.u32 s26  }
.LBB2_45:
.Ltmp63:
0x353: {  	(pc) =	sbr.rel .LBB2_49-.Ltmp63, $2  }
0x354: {  	_ =	sdelay $0x2  }
0x355: {  	s28 =	smov.u32 s26  }
.LBB2_55:
.Ltmp64:
0x356: {  	(pc) =	sbr.rel .LBB2_59-.Ltmp64, $2  }
0x357: {  	_ =	sdelay $0x2  }
0x358: {  	s28 =	smov.u32 s26  }
.LBB2_65:
.Ltmp65:
0x359: {  	(pc) =	sbr.rel .LBB2_69-.Ltmp65, $2  }
0x35a: {  	_ =	sdelay $0x2  }
0x35b: {  	s28 =	smov.u32 s26  }
.LBB2_75:
.Ltmp66:
0x35c: {  	(pc) =	sbr.rel .LBB2_79-.Ltmp66, $2  }
0x35d: {  	_ =	sdelay $0x2  }
0x35e: {  	s24 =	smov.u32 s23  }
.LBB2_7:
.Ltmp67:
0x35f: {  	(pc) =	sbr.rel .LBB2_9-.Ltmp67, $2  }
0x360: {  	_ =	sdelay $0x2  }
0x361: {  	s28 =	smov.u32 s26  }
.LBB2_17:
.Ltmp68:
0x362: {  	(pc) =	sbr.rel .LBB2_19-.Ltmp68, $2  }
0x363: {  	_ =	sdelay $0x2  }
0x364: {  	s28 =	smov.u32 s26  }
.LBB2_27:
.Ltmp69:
0x365: {  	(pc) =	sbr.rel .LBB2_29-.Ltmp69, $2  }
0x366: {  	_ =	sdelay $0x2  }
0x367: {  	s28 =	smov.u32 s26  }
.LBB2_37:
.Ltmp70:
0x368: {  	(pc) =	sbr.rel .LBB2_39-.Ltmp70, $2  }
0x369: {  	_ =	sdelay $0x2  }
0x36a: {  	s28 =	smov.u32 s26  }
.LBB2_47:
.Ltmp71:
0x36b: {  	(pc) =	sbr.rel .LBB2_49-.Ltmp71, $2  }
0x36c: {  	_ =	sdelay $0x2  }
0x36d: {  	s28 =	smov.u32 s26  }
.LBB2_57:
.Ltmp72:
0x36e: {  	(pc) =	sbr.rel .LBB2_59-.Ltmp72, $2  }
0x36f: {  	_ =	sdelay $0x2  }
0x370: {  	s28 =	smov.u32 s26  }
.LBB2_67:
.Ltmp73:
0x371: {  	(pc) =	sbr.rel .LBB2_69-.Ltmp73, $2  }
0x372: {  	_ =	sdelay $0x2  }
0x373: {  	s28 =	smov.u32 s26  }
.LBB2_77:
.Ltmp74:
0x374: {  	(pc) =	sbr.rel .LBB2_79-.Ltmp74, $2  }
0x375: {  	_ =	sdelay $0x2  }
0x376: {  	s24 =	smov.u32 s23  }
.LBB2_84:
0x377: {  	_ =	sfence.sel $0x180000  }
0x378: {  	[bflag:$0x0] =	sbarrier.arrive $0xFFFF  }
0x379: {  	p0 =	sne.s32 s1, $0x0;
	_ =	strace $0x90000047  }
0x37a: {  	s0 =	sadd.s32 @!p0 $0x100000, s0;
	[bflag:$0x2] =	sbarrier.arrive $0xFFFF  }
0x37b: {  	[sflag:s0] =	ssyncadd.tile.s32 @!p0 $0x1;
	_ =	shalt  }
.Lfunc_end2:
_tile_overlayer_lowered:
.L_overlay_start_2:
0x37c: {  	(tag) =	ssettag $0x2  }
0x37d: {  	s0 =	rddreg [dreg:$0x0];
	s2 =	stileid.u32  }
0x37e: {  	s1 =	rddreg [dreg:$0x1];
	p0 =	sne.s32 s2, $0x0  }
0x37f: {  	s3 =	rddreg [dreg:$0x2];
	[bflag:$0x3] =	sbarrier.arrive $0xFFFF;
	s2 =	simm.s32 @!p0 $0x1C01  }
0x380: {  	[timem:s3], [sflag:s2] =	dma.local @!p0 [hbm:s0], s1  }
0x381: {  	s0 =	simm.s32 @!p0 $0x1  }
0x382: {  	_ =	swait.ge @!p0 [sflag:s0], s1  }
0x383: {  	s1 =	ssub.s32 @!p0 $0x0, s1;
	[sflag:s0] =	ssyncset.done @!p0 $0x0  }
0x384: {  	[sflag:s0] =	ssyncadd.s32 @!p0 s1  }
0x385: {  	[bflag:$0x3] =	sbarrier.arrive $0xFFFF  }
0x386: {  	_ =	shalt  }

</sc_bundles>
